<compile_context>
chip_gen: v7x
topology: tpu7x:2x2x1
jax: 0.10.2.dev20260603
libtpu: 0.0.44.dev20260713+nightly
codegen_flags: <defaults>
</compile_context>

<pallas_src>
import functools

import jax
import jax.numpy as jnp
from jax import lax
from jax.experimental import pallas as pl
from jax.experimental.pallas import tpu as pltpu
from jax.experimental.pallas import tpu_sc as plsc

N = 10000
NP = 10240
E = 320000
NTILES = 16
NCORES = 2
CHUNK = 128
ROWS_PT = NP // NTILES
F2 = 128

CA = -(-E // (NTILES * CHUNK))
EH = E // 2
CB = -(-EH // (NTILES * CHUNK))
EH_PAD = NTILES * CHUNK * CB

_MESH = plsc.VectorSubcoreMesh(core_axis_name="c", subcore_axis_name="s")



def _spmm_a_body(ys_hbm, src_hbm, dst_hbm, out_hbm, srcv, dstv, rows, out_sp):
    c = lax.axis_index("c")
    s = lax.axis_index("s")
    base = c * NP + s * ROWS_PT
    pltpu.sync_copy(ys_hbm.at[pl.ds(base, ROWS_PT)],
                    out_sp.at[pl.ds(s * ROWS_PT, ROWS_PT)])
    plsc.subcore_barrier()

    def body(j, carry):
        pltpu.sync_copy(src_hbm.at[c, s, j], srcv)
        pltpu.sync_copy(dst_hbm.at[s, j], dstv)
        pltpu.sync_copy(ys_hbm.at[srcv], rows)
        pltpu.sync_copy(rows, out_sp.at[dstv], add=True)
        return carry

    lax.fori_loop(0, CA, body, 0)
    plsc.subcore_barrier()
    pltpu.sync_copy(out_sp.at[pl.ds(s * ROWS_PT, ROWS_PT)],
                    out_hbm.at[pl.ds(base, ROWS_PT)])


def _spmm_b_body(ys_hbm, src_hbm, dst_hbm, zeros_hbm, out_hbm,
                 srcv, dstv, rows, out_sp):
    c = lax.axis_index("c")
    s = lax.axis_index("s")

    @pl.when(c == 0)
    def _():
        pltpu.sync_copy(ys_hbm.at[pl.ds(s * ROWS_PT, ROWS_PT)],
                        out_sp.at[pl.ds(s * ROWS_PT, ROWS_PT)])

    @pl.when(c != 0)
    def _():
        pltpu.sync_copy(zeros_hbm, out_sp.at[pl.ds(s * ROWS_PT, ROWS_PT)])

    plsc.subcore_barrier()

    def body(j, carry):
        pltpu.sync_copy(src_hbm.at[c, s, j], srcv)
        pltpu.sync_copy(dst_hbm.at[c, s, j], dstv)
        pltpu.sync_copy(ys_hbm.at[srcv], rows)
        pltpu.sync_copy(rows, out_sp.at[dstv], add=True)
        return carry

    lax.fori_loop(0, CB, body, 0)
    plsc.subcore_barrier()
    pltpu.sync_copy(out_sp.at[pl.ds(s * ROWS_PT, ROWS_PT)],
                    out_hbm.at[c, pl.ds(s * ROWS_PT, ROWS_PT)])


_spmm_a = pl.kernel(
    _spmm_a_body,
    out_type=jax.ShapeDtypeStruct((NCORES * NP, F2), jnp.float32),
    mesh=_MESH,
    scratch_types=[
        pltpu.VMEM((CHUNK,), jnp.int32),
        pltpu.VMEM((CHUNK,), jnp.int32),
        pltpu.VMEM((CHUNK, F2), jnp.float32),
        pltpu.VMEM_SHARED((NP, F2), jnp.float32),
    ],
)

_spmm_b = pl.kernel(
    _spmm_b_body,
    out_type=jax.ShapeDtypeStruct((NCORES, NP, F2), jnp.float32),
    mesh=_MESH,
    scratch_types=[
        pltpu.VMEM((CHUNK,), jnp.int32),
        pltpu.VMEM((CHUNK,), jnp.int32),
        pltpu.VMEM((CHUNK, F2), jnp.float32),
        pltpu.VMEM_SHARED((NP, F2), jnp.float32),
    ],
)


def _deg_body(ones_hbm, dst_hbm, zeros_hbm, out_hbm, dstv, rows, out_sp):
    c = lax.axis_index("c")
    s = lax.axis_index("s")

    @pl.when(c == 0)
    def _():
        pltpu.sync_copy(ones_hbm, out_sp.at[pl.ds(s * ROWS_PT, ROWS_PT)])

    @pl.when(c != 0)
    def _():
        pltpu.sync_copy(zeros_hbm, out_sp.at[pl.ds(s * ROWS_PT, ROWS_PT)])

    pltpu.sync_copy(ones_hbm.at[pl.ds(0, CHUNK)], rows)
    plsc.subcore_barrier()

    def body(j, carry):
        pltpu.sync_copy(dst_hbm.at[c, s, j], dstv)
        pltpu.sync_copy(rows, out_sp.at[dstv], add=True)
        return carry

    lax.fori_loop(0, CB, body, 0)
    plsc.subcore_barrier()
    pltpu.sync_copy(out_sp.at[pl.ds(s * ROWS_PT, ROWS_PT)],
                    out_hbm.at[c, pl.ds(s * ROWS_PT, ROWS_PT)])


_deg_kernel = pl.kernel(
    _deg_body,
    out_type=jax.ShapeDtypeStruct((NCORES, NP, F2), jnp.float32),
    mesh=_MESH,
    scratch_types=[
        pltpu.VMEM((CHUNK,), jnp.int32),
        pltpu.VMEM((CHUNK, F2), jnp.float32),
        pltpu.VMEM_SHARED((NP, F2), jnp.float32),
    ],
)



_BM = 1024


def _pad128(y):
    f = y.shape[1]
    if f == F2:
        return y
    return jnp.concatenate([y, jnp.zeros((y.shape[0], F2 - f), y.dtype)], 1)


def _mm_first_body(x_ref, deg_ref, w_ref, o_ref):
    dinv = lax.rsqrt(deg_ref[...])
    y = jnp.dot(x_ref[...] * dinv, w_ref[...],
                preferred_element_type=jnp.float32,
                precision=lax.Precision.HIGHEST)
    o_ref[...] = _pad128(y)


def _mm_mid_body(in_mode, fin, out_mode, sy_ref, deg_ref, b_ref, w_ref, o_ref):
    dinv = lax.rsqrt(deg_ref[...])
    if in_mode == "add":
        sfull = (sy_ref[0] + sy_ref[1])[:, :fin]
    else:
        sfull = jnp.concatenate([sy_ref[0], sy_ref[1]], axis=1)
    h = jnp.tanh(sfull * dinv + b_ref[...])
    y = jnp.dot(h * dinv, w_ref[...],
                preferred_element_type=jnp.float32,
                precision=lax.Precision.HIGHEST)
    if out_mode == "split":
        f2 = y.shape[1] // 2
        o_ref[0] = y[:, :f2]
        o_ref[1] = y[:, f2:]
    else:
        o_ref[...] = _pad128(y)


def _mm_final_body(sy_ref, deg_ref, b_ref, o_ref):
    dinv = lax.rsqrt(deg_ref[...])
    sfull = sy_ref[0] + sy_ref[1]
    o_ref[...] = sfull * dinv + b_ref[...]


def _out_spec(out_mode, fo):
    if out_mode == "split":
        return (pl.BlockSpec((2, _BM, fo // 2), lambda i: (0, i, 0)),
                jax.ShapeDtypeStruct((2, NP, fo // 2), jnp.float32))
    return (pl.BlockSpec((_BM, F2), lambda i: (i, 0)),
            jax.ShapeDtypeStruct((NP, F2), jnp.float32))


def _mm_first(x, deg, w):
    ospec, oshape = _out_spec("plain", F2)
    return pl.pallas_call(
        _mm_first_body,
        grid=(NP // _BM,),
        in_specs=[
            pl.BlockSpec((_BM, x.shape[1]), lambda i: (i, 0)),
            pl.BlockSpec((_BM, 1), lambda i: (i, 0)),
            pl.BlockSpec(w.shape, lambda i: (0, 0)),
        ],
        out_specs=ospec,
        out_shape=oshape,
    )(x, deg, w)


def _mm_mid(in_mode, fin, out_mode, sy, deg, b, w):
    fo = w.shape[1]
    fp2 = sy.shape[2]
    ospec, oshape = _out_spec(out_mode, fo)
    return pl.pallas_call(
        functools.partial(_mm_mid_body, in_mode, fin, out_mode),
        grid=(NP // _BM,),
        in_specs=[
            pl.BlockSpec((2, _BM, fp2), lambda i: (0, i, 0)),
            pl.BlockSpec((_BM, 1), lambda i: (i, 0)),
            pl.BlockSpec(b.shape, lambda i: (0, 0)),
            pl.BlockSpec(w.shape, lambda i: (0, 0)),
        ],
        out_specs=ospec,
        out_shape=oshape,
    )(sy, deg, b, w)


def _mm_final(sy, deg, b):
    return pl.pallas_call(
        _mm_final_body,
        grid=(NP // _BM,),
        in_specs=[
            pl.BlockSpec((2, _BM, F2), lambda i: (0, i, 0)),
            pl.BlockSpec((_BM, 1), lambda i: (i, 0)),
            pl.BlockSpec(b.shape, lambda i: (0, 0)),
        ],
        out_specs=pl.BlockSpec((_BM, F2), lambda i: (i, 0)),
        out_shape=jax.ShapeDtypeStruct((NP, F2), jnp.float32),
    )(sy, deg, b)



def kernel(t, x, edge_index, W1, b1, W2, b2, W3, b3, W4, b4, W5, b5):
    src = edge_index[0]
    dst = edge_index[1]

    padv = jnp.full((NTILES * CHUNK * CA - E,), N, dtype=jnp.int32)
    src_r = jnp.concatenate([src, padv]).reshape(NTILES, CA, CHUNK)
    dst_a = jnp.concatenate([dst, padv]).reshape(NTILES, CA, CHUNK)
    src_a = jnp.stack([src_r, src_r + NP])

    def split_b(v):
        out = jnp.full((NCORES, EH_PAD), N, dtype=jnp.int32)
        out = out.at[:, :EH].set(v.reshape(NCORES, EH))
        return out.reshape(NCORES, NTILES, CB, CHUNK)

    src_b = split_b(src)
    dst_b = split_b(dst)

    zeros = jnp.zeros((ROWS_PT, F2), jnp.float32)
    ones = jnp.ones((ROWS_PT, F2), jnp.float32)

    dsum = _deg_kernel(ones, dst_b, zeros)
    deg = dsum[0, :, :1] + dsum[1, :, :1]

    xp = jnp.pad(x, ((0, NP - N), (0, 0)))

    y1 = _mm_first(xp, deg, W1)
    sy1 = _spmm_b(y1, src_b, dst_b, zeros)
    y2 = _mm_mid("add", 64, "split", sy1, deg, b1.reshape(1, -1), W2)
    sy2 = _spmm_a(y2.reshape(2 * NP, F2), src_a, dst_a).reshape(2, NP, F2)
    y3 = _mm_mid("concat", 256, "split", sy2, deg, b2.reshape(1, -1), W3)
    sy3 = _spmm_a(y3.reshape(2 * NP, F2), src_a, dst_a).reshape(2, NP, F2)
    y4 = _mm_mid("concat", 256, "plain", sy3, deg, b3.reshape(1, -1), W4)
    sy4 = _spmm_b(y4, src_b, dst_b, zeros)
    y5 = _mm_mid("add", 64, "plain", sy4, deg, b4.reshape(1, -1), W5)
    sy5 = _spmm_b(y5, src_b, dst_b, zeros)
    out = _mm_final(sy5, deg, b5.reshape(1, -1))
    return out[:N]

# --- scband reference (transcript-rebuilt; emitter-appended) ---
"""Pipeline reference for scband-graph-odefunc-gnode-11622181503404 (READ-ONLY COPY).

The authoritative reference and input builder live on the scoring server;
editing this copy changes nothing except your own understanding.
"""

import jax, jax.numpy as jnp
import numpy as np

N = 10000
E = 320000
F_IN = 128
HID = 256


def _init_w(key, fan_in, fan_out):
    return jax.random.normal(key, (fan_in, fan_out), dtype=jnp.float32) * (1.0 / np.sqrt(fan_in))


def setup_inputs(seed: int = 0) -> dict:
    key = jax.random.key(seed)
    ks = jax.random.split(key, 13)
    t = jax.random.normal(ks[0], (1,), dtype=jnp.float32)
    x = jax.random.normal(ks[1], (N, F_IN), dtype=jnp.float32)
    edge_index = jax.random.randint(ks[2], (2, E), 0, N, dtype=jnp.int32)
    dims = [(F_IN, 64), (64, HID), (HID, HID), (HID, 64), (64, F_IN)]
    params = {}
    for i, (fi, fo) in enumerate(dims):
        params[f"W{i+1}"] = _init_w(ks[3 + 2 * i], fi, fo)
        params[f"b{i+1}"] = jnp.zeros((fo,), dtype=jnp.float32)
    out = {"t": t, "x": x, "edge_index": edge_index}
    out.update(params)
    return out


def _gcn_layer(x, W, b, src_f, dst_f):
    # GCNConv with self-loops and symmetric normalization:
    # out = D^{-1/2} (A + I) D^{-1/2} X W + b
    xw = x @ W
    deg = jnp.zeros((N,), dtype=xw.dtype).at[dst_f].add(1.0)
    dinv = jnp.where(deg > 0, 1.0 / jnp.sqrt(deg), 0.0)
    norm = dinv[src_f] * dinv[dst_f]
    msg = jnp.take(xw, src_f, axis=0) * norm[:, None]
    out = jnp.zeros((N, xw.shape[1]), dtype=xw.dtype).at[dst_f].add(msg)
    return out + b


def reference(t, x, edge_index, W1, b1, W2, b2, W3, b3, W4, b4, W5, b5):
    # t is the ODE time point; unused in the graph layers (matches torch forward)
    self_loop = jnp.arange(N, dtype=edge_index.dtype)
    src_f = jnp.concatenate([edge_index[0], self_loop])
    dst_f = jnp.concatenate([edge_index[1], self_loop])
    h = jnp.tanh(_gcn_layer(x, W1, b1, src_f, dst_f))
    h = jnp.tanh(_gcn_layer(h, W2, b2, src_f, dst_f))
    h = jnp.tanh(_gcn_layer(h, W3, b3, src_f, dst_f))
    h = jnp.tanh(_gcn_layer(h, W4, b4, src_f, dst_f))
    h = _gcn_layer(h, W5, b5, src_f, dst_f)
    return h

if __name__ == "__main__":
    import jax
    _d = setup_inputs()
    print(jax.jit(kernel)(*tuple(_d.values())))

</pallas_src>

<mosaic_0001>
#map = affine_map<(d0, d1) -> (0, 0)>
#map1 = affine_map<(d0, d1) -> (0, 0, 0, 0)>
#map2 = affine_map<(d0, d1) -> (0, 0, 0)>
module attributes {stable_mosaic.version = 14 : i64} {
  func.func @_spmm_a_body(%arg0: i32, %arg1: i32, %arg2: memref<20480x128xf32, #tpu.memory_space<hbm>>, %arg3: memref<2x16x157x128xi32, #tpu.memory_space<hbm>>, %arg4: memref<16x157x128xi32, #tpu.memory_space<hbm>>, %arg5: memref<20480x128xf32, #tpu.memory_space<hbm>>, %arg6: memref<128xi32, #tpu.memory_space<vmem>>, %arg7: memref<128xi32, #tpu.memory_space<vmem>>, %arg8: memref<128x128xf32, #tpu.memory_space<vmem>>, %arg9: memref<10240x128xf32, #tpu.memory_space<vmem_shared>>) attributes {dimension_semantics = [#tpu.dimension_semantics<core_parallel>, #tpu.dimension_semantics<subcore_parallel>], iteration_bounds = array<i64: 2, 16>, scalar_prefetch = 0 : i64, scratch_operands = 4 : i64, tpu.core_type = #tpu.core_type<sc_vector_subcore>, window_params = [{transform_indices = #map}, {transform_indices = #map1}, {transform_indices = #map2}, {transform_indices = #map}]} {
    %mul3A = arith.constant 10240 : i32
    %mul3A_0 = arith.muli %arg0, %mul3A : i32
    %mul3A_1 = arith.constant 640 : i32
    %mul3A_2 = arith.muli %arg1, %mul3A_1 : i32
    %add3A = arith.addi %mul3A_0, %mul3A_2 : i32
    %mul3A_3 = arith.constant 640 : i32
    %mul3A_4 = arith.muli %arg1, %mul3A_3 : i32
    "tpu.region"() ({
      %run_scoped3A = tpu.sem_alloc : memref<!tpu.dma_semaphore, #tpu.memory_space<semaphore_mem>>
      %dma_start3A = arith.constant 0 : i32
      %dma_start3A_13 = tpu.memref_slice %arg9[%mul3A_4, %dma_start3A] : memref<10240x128xf32, #tpu.memory_space<vmem_shared>> -> memref<640x128xf32, #tpu.memory_space<vmem_shared>>
      %dma_start3A_14 = arith.constant 0 : i32
      %dma_start3A_15 = tpu.memref_slice %arg2[%add3A, %dma_start3A_14] : memref<20480x128xf32, #tpu.memory_space<hbm>> -> memref<640x128xf32, #tpu.memory_space<hbm>>
      tpu.enqueue_dma source(%dma_start3A_15 : memref<640x128xf32, #tpu.memory_space<hbm>>) target(%dma_start3A_13 : memref<640x128xf32, #tpu.memory_space<vmem_shared>>) target_semaphore(%run_scoped3A : memref<!tpu.dma_semaphore, #tpu.memory_space<semaphore_mem>>)
      %dma_wait3A = arith.constant 0 : i32
      %dma_wait3A_16 = tpu.memref_slice %arg9[%mul3A_4, %dma_wait3A] : memref<10240x128xf32, #tpu.memory_space<vmem_shared>> -> memref<640x128xf32, #tpu.memory_space<vmem_shared>>
      %dma_wait3A_17 = arith.constant 0 : i32
      %dma_wait3A_18 = tpu.memref_slice %arg2[%add3A, %dma_wait3A_17] : memref<20480x128xf32, #tpu.memory_space<hbm>> -> memref<640x128xf32, #tpu.memory_space<hbm>>
      tpu.wait_dma2 semaphore(%run_scoped3A : memref<!tpu.dma_semaphore, #tpu.memory_space<semaphore_mem>>) src(%dma_wait3A_18 : memref<640x128xf32, #tpu.memory_space<hbm>>) dst(%dma_wait3A_16 : memref<640x128xf32, #tpu.memory_space<vmem_shared>>)
      tpu.yield
    }) : () -> ()
    %barrier3A = arith.constant 0 : index
    tpu.barrier barrier_id(%barrier3A)
    %scan3A = arith.constant 0 : i32
    %scan3A_5 = arith.constant 0 : i32
    %scan3A_6 = arith.constant 157 : i32
    %scan3A_7 = arith.addi %scan3A_5, %scan3A_6 : i32
    %scan3A_8 = arith.constant 1 : i32
    scf.for %scan3A_13 = %scan3A_5 to %scan3A_7 step %scan3A_8  : i32 {
      "tpu.region"() ({
        %run_scoped3A = tpu.sem_alloc : memref<!tpu.dma_semaphore, #tpu.memory_space<semaphore_mem>>
        %dma_start3A = arith.constant 0 : i32
        %dma_start3A_14 = tpu.memref_slice %arg3[%arg0, %arg1, %scan3A_13, %dma_start3A] : memref<2x16x157x128xi32, #tpu.memory_space<hbm>> -> memref<1x1x1x128xi32, #tpu.memory_space<hbm>>
        %dma_start3A_15 = tpu.memref_squeeze %dma_start3A_14 : memref<1x1x1x128xi32, #tpu.memory_space<hbm>> -> memref<128xi32, #tpu.memory_space<hbm>>
        %dma_start3A_16 = arith.constant 0 : i32
        %dma_start3A_17 = tpu.memref_slice %arg3[%arg0, %arg1, %scan3A_13, %dma_start3A_16] : memref<2x16x157x128xi32, #tpu.memory_space<hbm>> -> memref<1x1x1x128xi32, #tpu.memory_space<hbm>>
        %dma_start3A_18 = tpu.memref_squeeze %dma_start3A_17 : memref<1x1x1x128xi32, #tpu.memory_space<hbm>> -> memref<128xi32, #tpu.memory_space<hbm>>
        tpu.enqueue_dma source(%dma_start3A_18 : memref<128xi32, #tpu.memory_space<hbm>>) target(%arg6 : memref<128xi32, #tpu.memory_space<vmem>>) target_semaphore(%run_scoped3A : memref<!tpu.dma_semaphore, #tpu.memory_space<semaphore_mem>>)
        %dma_wait3A = arith.constant 0 : i32
        %dma_wait3A_19 = tpu.memref_slice %arg3[%arg0, %arg1, %scan3A_13, %dma_wait3A] : memref<2x16x157x128xi32, #tpu.memory_space<hbm>> -> memref<1x1x1x128xi32, #tpu.memory_space<hbm>>
        %dma_wait3A_20 = tpu.memref_squeeze %dma_wait3A_19 : memref<1x1x1x128xi32, #tpu.memory_space<hbm>> -> memref<128xi32, #tpu.memory_space<hbm>>
        %dma_wait3A_21 = arith.constant 0 : i32
        %dma_wait3A_22 = tpu.memref_slice %arg3[%arg0, %arg1, %scan3A_13, %dma_wait3A_21] : memref<2x16x157x128xi32, #tpu.memory_space<hbm>> -> memref<1x1x1x128xi32, #tpu.memory_space<hbm>>
        %dma_wait3A_23 = tpu.memref_squeeze %dma_wait3A_22 : memref<1x1x1x128xi32, #tpu.memory_space<hbm>> -> memref<128xi32, #tpu.memory_space<hbm>>
        tpu.wait_dma2 semaphore(%run_scoped3A : memref<!tpu.dma_semaphore, #tpu.memory_space<semaphore_mem>>) src(%dma_wait3A_23 : memref<128xi32, #tpu.memory_space<hbm>>) dst(%arg6 : memref<128xi32, #tpu.memory_space<vmem>>)
        tpu.yield
      }) : () -> ()
      "tpu.region"() ({
        %run_scoped3A = tpu.sem_alloc : memref<!tpu.dma_semaphore, #tpu.memory_space<semaphore_mem>>
        %dma_start3A = arith.constant 0 : i32
        %dma_start3A_14 = tpu.memref_slice %arg4[%arg1, %scan3A_13, %dma_start3A] : memref<16x157x128xi32, #tpu.memory_space<hbm>> -> memref<1x1x128xi32, #tpu.memory_space<hbm>>
        %dma_start3A_15 = tpu.memref_squeeze %dma_start3A_14 : memref<1x1x128xi32, #tpu.memory_space<hbm>> -> memref<128xi32, #tpu.memory_space<hbm>>
        %dma_start3A_16 = arith.constant 0 : i32
        %dma_start3A_17 = tpu.memref_slice %arg4[%arg1, %scan3A_13, %dma_start3A_16] : memref<16x157x128xi32, #tpu.memory_space<hbm>> -> memref<1x1x128xi32, #tpu.memory_space<hbm>>
        %dma_start3A_18 = tpu.memref_squeeze %dma_start3A_17 : memref<1x1x128xi32, #tpu.memory_space<hbm>> -> memref<128xi32, #tpu.memory_space<hbm>>
        tpu.enqueue_dma source(%dma_start3A_18 : memref<128xi32, #tpu.memory_space<hbm>>) target(%arg7 : memref<128xi32, #tpu.memory_space<vmem>>) target_semaphore(%run_scoped3A : memref<!tpu.dma_semaphore, #tpu.memory_space<semaphore_mem>>)
        %dma_wait3A = arith.constant 0 : i32
        %dma_wait3A_19 = tpu.memref_slice %arg4[%arg1, %scan3A_13, %dma_wait3A] : memref<16x157x128xi32, #tpu.memory_space<hbm>> -> memref<1x1x128xi32, #tpu.memory_space<hbm>>
        %dma_wait3A_20 = tpu.memref_squeeze %dma_wait3A_19 : memref<1x1x128xi32, #tpu.memory_space<hbm>> -> memref<128xi32, #tpu.memory_space<hbm>>
        %dma_wait3A_21 = arith.constant 0 : i32
        %dma_wait3A_22 = tpu.memref_slice %arg4[%arg1, %scan3A_13, %dma_wait3A_21] : memref<16x157x128xi32, #tpu.memory_space<hbm>> -> memref<1x1x128xi32, #tpu.memory_space<hbm>>
        %dma_wait3A_23 = tpu.memref_squeeze %dma_wait3A_22 : memref<1x1x128xi32, #tpu.memory_space<hbm>> -> memref<128xi32, #tpu.memory_space<hbm>>
        tpu.wait_dma2 semaphore(%run_scoped3A : memref<!tpu.dma_semaphore, #tpu.memory_space<semaphore_mem>>) src(%dma_wait3A_23 : memref<128xi32, #tpu.memory_space<hbm>>) dst(%arg7 : memref<128xi32, #tpu.memory_space<vmem>>)
        tpu.yield
      }) : () -> ()
      "tpu.region"() ({
        %run_scoped3A = tpu.sem_alloc : memref<!tpu.dma_semaphore, #tpu.memory_space<semaphore_mem>>
        %dma_start3A = arith.constant 0 : i32
        %dma_start3A_14 = arith.constant 0 : i32
        %dma_start3A_15 = tpu.memref_slice %arg2[%dma_start3A, %dma_start3A_14] : memref<20480x128xf32, #tpu.memory_space<hbm>> -> memref<20480x128xf32, #tpu.memory_space<hbm>>
        tpu.enqueue_indirect_dma source(%dma_start3A_15 : memref<20480x128xf32, #tpu.memory_space<hbm>>) target(%arg8 : memref<128x128xf32, #tpu.memory_space<vmem>>) offsets(%arg6 : memref<128xi32, #tpu.memory_space<vmem>>) semaphore(%run_scoped3A : memref<!tpu.dma_semaphore, #tpu.memory_space<semaphore_mem>>)
        %dma_wait3A = arith.constant 0 : i32
        %dma_wait3A_16 = arith.constant 0 : i32
        %dma_wait3A_17 = tpu.memref_slice %arg2[%dma_wait3A, %dma_wait3A_16] : memref<20480x128xf32, #tpu.memory_space<hbm>> -> memref<20480x128xf32, #tpu.memory_space<hbm>>
        tpu.wait_indirect_dma semaphore(%run_scoped3A : memref<!tpu.dma_semaphore, #tpu.memory_space<semaphore_mem>>) src(%dma_wait3A_17 : memref<20480x128xf32, #tpu.memory_space<hbm>>) dst(%arg8 : memref<128x128xf32, #tpu.memory_space<vmem>>)
        tpu.yield
      }) : () -> ()
      "tpu.region"() ({
        %run_scoped3A = tpu.sem_alloc : memref<!tpu.dma_semaphore, #tpu.memory_space<semaphore_mem>>
        %dma_start3A = arith.constant 0 : i32
        %dma_start3A_14 = arith.constant 0 : i32
        %dma_start3A_15 = tpu.memref_slice %arg9[%dma_start3A, %dma_start3A_14] : memref<10240x128xf32, #tpu.memory_space<vmem_shared>> -> memref<10240x128xf32, #tpu.memory_space<vmem_shared>>
        tpu.enqueue_indirect_dma source(%arg8 : memref<128x128xf32, #tpu.memory_space<vmem>>) target(%dma_start3A_15 : memref<10240x128xf32, #tpu.memory_space<vmem_shared>>) offsets(%arg7 : memref<128xi32, #tpu.memory_space<vmem>>) semaphore(%run_scoped3A : memref<!tpu.dma_semaphore, #tpu.memory_space<semaphore_mem>>) {add = true}
        %dma_wait3A = arith.constant 0 : i32
        %dma_wait3A_16 = arith.constant 0 : i32
        %dma_wait3A_17 = tpu.memref_slice %arg9[%dma_wait3A, %dma_wait3A_16] : memref<10240x128xf32, #tpu.memory_space<vmem_shared>> -> memref<10240x128xf32, #tpu.memory_space<vmem_shared>>
        tpu.wait_indirect_dma semaphore(%run_scoped3A : memref<!tpu.dma_semaphore, #tpu.memory_space<semaphore_mem>>) src(%arg8 : memref<128x128xf32, #tpu.memory_space<vmem>>) dst(%dma_wait3A_17 : memref<10240x128xf32, #tpu.memory_space<vmem_shared>>)
        tpu.yield
      }) : () -> ()
    }
    %scan3A_9 = arith.constant 157 : i32
    %barrier3A_10 = arith.constant 0 : index
    tpu.barrier barrier_id(%barrier3A_10)
    %mul3A_11 = arith.constant 640 : i32
    %mul3A_12 = arith.muli %arg1, %mul3A_11 : i32
    "tpu.region"() ({
      %run_scoped3A = tpu.sem_alloc : memref<!tpu.dma_semaphore, #tpu.memory_space<semaphore_mem>>
      %dma_start3A = arith.constant 0 : i32
      %dma_start3A_13 = tpu.memref_slice %arg5[%add3A, %dma_start3A] : memref<20480x128xf32, #tpu.memory_space<hbm>> -> memref<640x128xf32, #tpu.memory_space<hbm>>
      %dma_start3A_14 = arith.constant 0 : i32
      %dma_start3A_15 = tpu.memref_slice %arg9[%mul3A_12, %dma_start3A_14] : memref<10240x128xf32, #tpu.memory_space<vmem_shared>> -> memref<640x128xf32, #tpu.memory_space<vmem_shared>>
      tpu.enqueue_dma source(%dma_start3A_15 : memref<640x128xf32, #tpu.memory_space<vmem_shared>>) target(%dma_start3A_13 : memref<640x128xf32, #tpu.memory_space<hbm>>) target_semaphore(%run_scoped3A : memref<!tpu.dma_semaphore, #tpu.memory_space<semaphore_mem>>)
      %dma_wait3A = arith.constant 0 : i32
      %dma_wait3A_16 = tpu.memref_slice %arg5[%add3A, %dma_wait3A] : memref<20480x128xf32, #tpu.memory_space<hbm>> -> memref<640x128xf32, #tpu.memory_space<hbm>>
      %dma_wait3A_17 = arith.constant 0 : i32
      %dma_wait3A_18 = tpu.memref_slice %arg9[%mul3A_12, %dma_wait3A_17] : memref<10240x128xf32, #tpu.memory_space<vmem_shared>> -> memref<640x128xf32, #tpu.memory_space<vmem_shared>>
      tpu.wait_dma2 semaphore(%run_scoped3A : memref<!tpu.dma_semaphore, #tpu.memory_space<semaphore_mem>>) src(%dma_wait3A_18 : memref<640x128xf32, #tpu.memory_space<vmem_shared>>) dst(%dma_wait3A_16 : memref<640x128xf32, #tpu.memory_space<hbm>>)
      tpu.yield
    }) : () -> ()
    return
  }
}

#map = affine_map<(d0, d1) -> (0, 0)>
#map1 = affine_map<(d0, d1) -> (0, 0, 0, 0)>
#map2 = affine_map<(d0, d1) -> (0, 0, 0)>
module attributes {stable_mosaic.version = 14 : i64} {
  func.func @_deg_body(%arg0: i32, %arg1: i32, %arg2: memref<640x128xf32, #tpu.memory_space<hbm>>, %arg3: memref<2x16x79x128xi32, #tpu.memory_space<hbm>>, %arg4: memref<640x128xf32, #tpu.memory_space<hbm>>, %arg5: memref<2x10240x128xf32, #tpu.memory_space<hbm>>, %arg6: memref<128xi32, #tpu.memory_space<vmem>>, %arg7: memref<128x128xf32, #tpu.memory_space<vmem>>, %arg8: memref<10240x128xf32, #tpu.memory_space<vmem_shared>>) attributes {dimension_semantics = [#tpu.dimension_semantics<core_parallel>, #tpu.dimension_semantics<subcore_parallel>], iteration_bounds = array<i64: 2, 16>, scalar_prefetch = 0 : i64, scratch_operands = 3 : i64, tpu.core_type = #tpu.core_type<sc_vector_subcore>, window_params = [{transform_indices = #map}, {transform_indices = #map1}, {transform_indices = #map}, {transform_indices = #map2}]} {
    %eq3A = arith.constant 0 : i32
    %eq3A_0 = arith.cmpi eq, %arg0, %eq3A : i32
    %convert_element_type3A = arith.extui %eq3A_0 : i1 to i32
    %cond3A = arith.constant 0 : i32
    %cond3A_1 = arith.cmpi ne, %convert_element_type3A, %cond3A : i32
    scf.if %cond3A_1 {
      %mul3A_15 = arith.constant 640 : i32
      %mul3A_16 = arith.muli %arg1, %mul3A_15 : i32
      "tpu.region"() ({
        %run_scoped3A = tpu.sem_alloc : memref<!tpu.dma_semaphore, #tpu.memory_space<semaphore_mem>>
        %dma_start3A = arith.constant 0 : i32
        %dma_start3A_17 = tpu.memref_slice %arg8[%mul3A_16, %dma_start3A] : memref<10240x128xf32, #tpu.memory_space<vmem_shared>> -> memref<640x128xf32, #tpu.memory_space<vmem_shared>>
        tpu.enqueue_dma source(%arg2 : memref<640x128xf32, #tpu.memory_space<hbm>>) target(%dma_start3A_17 : memref<640x128xf32, #tpu.memory_space<vmem_shared>>) target_semaphore(%run_scoped3A : memref<!tpu.dma_semaphore, #tpu.memory_space<semaphore_mem>>)
        %dma_wait3A = arith.constant 0 : i32
        %dma_wait3A_18 = tpu.memref_slice %arg8[%mul3A_16, %dma_wait3A] : memref<10240x128xf32, #tpu.memory_space<vmem_shared>> -> memref<640x128xf32, #tpu.memory_space<vmem_shared>>
        tpu.wait_dma2 semaphore(%run_scoped3A : memref<!tpu.dma_semaphore, #tpu.memory_space<semaphore_mem>>) src(%arg2 : memref<640x128xf32, #tpu.memory_space<hbm>>) dst(%dma_wait3A_18 : memref<640x128xf32, #tpu.memory_space<vmem_shared>>)
        tpu.yield
      }) : () -> ()
    } else {
    }
    %ne3A = arith.constant 0 : i32
    %ne3A_2 = arith.cmpi ne, %arg0, %ne3A : i32
    %convert_element_type3A_3 = arith.extui %ne3A_2 : i1 to i32
    %cond3A_4 = arith.constant 0 : i32
    %cond3A_5 = arith.cmpi ne, %convert_element_type3A_3, %cond3A_4 : i32
    scf.if %cond3A_5 {
      %mul3A_15 = arith.constant 640 : i32
      %mul3A_16 = arith.muli %arg1, %mul3A_15 : i32
      "tpu.region"() ({
        %run_scoped3A = tpu.sem_alloc : memref<!tpu.dma_semaphore, #tpu.memory_space<semaphore_mem>>
        %dma_start3A = arith.constant 0 : i32
        %dma_start3A_17 = tpu.memref_slice %arg8[%mul3A_16, %dma_start3A] : memref<10240x128xf32, #tpu.memory_space<vmem_shared>> -> memref<640x128xf32, #tpu.memory_space<vmem_shared>>
        tpu.enqueue_dma source(%arg4 : memref<640x128xf32, #tpu.memory_space<hbm>>) target(%dma_start3A_17 : memref<640x128xf32, #tpu.memory_space<vmem_shared>>) target_semaphore(%run_scoped3A : memref<!tpu.dma_semaphore, #tpu.memory_space<semaphore_mem>>)
        %dma_wait3A = arith.constant 0 : i32
        %dma_wait3A_18 = tpu.memref_slice %arg8[%mul3A_16, %dma_wait3A] : memref<10240x128xf32, #tpu.memory_space<vmem_shared>> -> memref<640x128xf32, #tpu.memory_space<vmem_shared>>
        tpu.wait_dma2 semaphore(%run_scoped3A : memref<!tpu.dma_semaphore, #tpu.memory_space<semaphore_mem>>) src(%arg4 : memref<640x128xf32, #tpu.memory_space<hbm>>) dst(%dma_wait3A_18 : memref<640x128xf32, #tpu.memory_space<vmem_shared>>)
        tpu.yield
      }) : () -> ()
    } else {
    }
    "tpu.region"() ({
      %run_scoped3A = tpu.sem_alloc : memref<!tpu.dma_semaphore, #tpu.memory_space<semaphore_mem>>
      %dma_start3A = arith.constant 0 : i32
      %dma_start3A_15 = arith.constant 0 : i32
      %dma_start3A_16 = tpu.memref_slice %arg2[%dma_start3A, %dma_start3A_15] : memref<640x128xf32, #tpu.memory_space<hbm>> -> memref<128x128xf32, #tpu.memory_space<hbm>>
      %dma_start3A_17 = arith.constant 0 : i32
      %dma_start3A_18 = arith.constant 0 : i32
      %dma_start3A_19 = tpu.memref_slice %arg2[%dma_start3A_17, %dma_start3A_18] : memref<640x128xf32, #tpu.memory_space<hbm>> -> memref<128x128xf32, #tpu.memory_space<hbm>>
      tpu.enqueue_dma source(%dma_start3A_19 : memref<128x128xf32, #tpu.memory_space<hbm>>) target(%arg7 : memref<128x128xf32, #tpu.memory_space<vmem>>) target_semaphore(%run_scoped3A : memref<!tpu.dma_semaphore, #tpu.memory_space<semaphore_mem>>)
      %dma_wait3A = arith.constant 0 : i32
      %dma_wait3A_20 = arith.constant 0 : i32
      %dma_wait3A_21 = tpu.memref_slice %arg2[%dma_wait3A, %dma_wait3A_20] : memref<640x128xf32, #tpu.memory_space<hbm>> -> memref<128x128xf32, #tpu.memory_space<hbm>>
      %dma_wait3A_22 = arith.constant 0 : i32
      %dma_wait3A_23 = arith.constant 0 : i32
      %dma_wait3A_24 = tpu.memref_slice %arg2[%dma_wait3A_22, %dma_wait3A_23] : memref<640x128xf32, #tpu.memory_space<hbm>> -> memref<128x128xf32, #tpu.memory_space<hbm>>
      tpu.wait_dma2 semaphore(%run_scoped3A : memref<!tpu.dma_semaphore, #tpu.memory_space<semaphore_mem>>) src(%dma_wait3A_24 : memref<128x128xf32, #tpu.memory_space<hbm>>) dst(%arg7 : memref<128x128xf32, #tpu.memory_space<vmem>>)
      tpu.yield
    }) : () -> ()
    %barrier3A = arith.constant 0 : index
    tpu.barrier barrier_id(%barrier3A)
    %scan3A = arith.constant 0 : i32
    %scan3A_6 = arith.constant 0 : i32
    %scan3A_7 = arith.constant 79 : i32
    %scan3A_8 = arith.addi %scan3A_6, %scan3A_7 : i32
    %scan3A_9 = arith.constant 1 : i32
    scf.for %scan3A_15 = %scan3A_6 to %scan3A_8 step %scan3A_9  : i32 {
      "tpu.region"() ({
        %run_scoped3A = tpu.sem_alloc : memref<!tpu.dma_semaphore, #tpu.memory_space<semaphore_mem>>
        %dma_start3A = arith.constant 0 : i32
        %dma_start3A_16 = tpu.memref_slice %arg3[%arg0, %arg1, %scan3A_15, %dma_start3A] : memref<2x16x79x128xi32, #tpu.memory_space<hbm>> -> memref<1x1x1x128xi32, #tpu.memory_space<hbm>>
        %dma_start3A_17 = tpu.memref_squeeze %dma_start3A_16 : memref<1x1x1x128xi32, #tpu.memory_space<hbm>> -> memref<128xi32, #tpu.memory_space<hbm>>
        %dma_start3A_18 = arith.constant 0 : i32
        %dma_start3A_19 = tpu.memref_slice %arg3[%arg0, %arg1, %scan3A_15, %dma_start3A_18] : memref<2x16x79x128xi32, #tpu.memory_space<hbm>> -> memref<1x1x1x128xi32, #tpu.memory_space<hbm>>
        %dma_start3A_20 = tpu.memref_squeeze %dma_start3A_19 : memref<1x1x1x128xi32, #tpu.memory_space<hbm>> -> memref<128xi32, #tpu.memory_space<hbm>>
        tpu.enqueue_dma source(%dma_start3A_20 : memref<128xi32, #tpu.memory_space<hbm>>) target(%arg6 : memref<128xi32, #tpu.memory_space<vmem>>) target_semaphore(%run_scoped3A : memref<!tpu.dma_semaphore, #tpu.memory_space<semaphore_mem>>)
        %dma_wait3A = arith.constant 0 : i32
        %dma_wait3A_21 = tpu.memref_slice %arg3[%arg0, %arg1, %scan3A_15, %dma_wait3A] : memref<2x16x79x128xi32, #tpu.memory_space<hbm>> -> memref<1x1x1x128xi32, #tpu.memory_space<hbm>>
        %dma_wait3A_22 = tpu.memref_squeeze %dma_wait3A_21 : memref<1x1x1x128xi32, #tpu.memory_space<hbm>> -> memref<128xi32, #tpu.memory_space<hbm>>
        %dma_wait3A_23 = arith.constant 0 : i32
        %dma_wait3A_24 = tpu.memref_slice %arg3[%arg0, %arg1, %scan3A_15, %dma_wait3A_23] : memref<2x16x79x128xi32, #tpu.memory_space<hbm>> -> memref<1x1x1x128xi32, #tpu.memory_space<hbm>>
        %dma_wait3A_25 = tpu.memref_squeeze %dma_wait3A_24 : memref<1x1x1x128xi32, #tpu.memory_space<hbm>> -> memref<128xi32, #tpu.memory_space<hbm>>
        tpu.wait_dma2 semaphore(%run_scoped3A : memref<!tpu.dma_semaphore, #tpu.memory_space<semaphore_mem>>) src(%dma_wait3A_25 : memref<128xi32, #tpu.memory_space<hbm>>) dst(%arg6 : memref<128xi32, #tpu.memory_space<vmem>>)
        tpu.yield
      }) : () -> ()
      "tpu.region"() ({
        %run_scoped3A = tpu.sem_alloc : memref<!tpu.dma_semaphore, #tpu.memory_space<semaphore_mem>>
        %dma_start3A = arith.constant 0 : i32
        %dma_start3A_16 = arith.constant 0 : i32
        %dma_start3A_17 = tpu.memref_slice %arg8[%dma_start3A, %dma_start3A_16] : memref<10240x128xf32, #tpu.memory_space<vmem_shared>> -> memref<10240x128xf32, #tpu.memory_space<vmem_shared>>
        tpu.enqueue_indirect_dma source(%arg7 : memref<128x128xf32, #tpu.memory_space<vmem>>) target(%dma_start3A_17 : memref<10240x128xf32, #tpu.memory_space<vmem_shared>>) offsets(%arg6 : memref<128xi32, #tpu.memory_space<vmem>>) semaphore(%run_scoped3A : memref<!tpu.dma_semaphore, #tpu.memory_space<semaphore_mem>>) {add = true}
        %dma_wait3A = arith.constant 0 : i32
        %dma_wait3A_18 = arith.constant 0 : i32
        %dma_wait3A_19 = tpu.memref_slice %arg8[%dma_wait3A, %dma_wait3A_18] : memref<10240x128xf32, #tpu.memory_space<vmem_shared>> -> memref<10240x128xf32, #tpu.memory_space<vmem_shared>>
        tpu.wait_indirect_dma semaphore(%run_scoped3A : memref<!tpu.dma_semaphore, #tpu.memory_space<semaphore_mem>>) src(%arg7 : memref<128x128xf32, #tpu.memory_space<vmem>>) dst(%dma_wait3A_19 : memref<10240x128xf32, #tpu.memory_space<vmem_shared>>)
        tpu.yield
      }) : () -> ()
    }
    %scan3A_10 = arith.constant 79 : i32
    %barrier3A_11 = arith.constant 0 : index
    tpu.barrier barrier_id(%barrier3A_11)
    %mul3A = arith.constant 640 : i32
    %mul3A_12 = arith.muli %arg1, %mul3A : i32
    %mul3A_13 = arith.constant 640 : i32
    %mul3A_14 = arith.muli %arg1, %mul3A_13 : i32
    "tpu.region"() ({
      %run_scoped3A = tpu.sem_alloc : memref<!tpu.dma_semaphore, #tpu.memory_space<semaphore_mem>>
      %dma_start3A = arith.constant 0 : i32
      %dma_start3A_15 = tpu.memref_slice %arg5[%arg0, %mul3A_14, %dma_start3A] : memref<2x10240x128xf32, #tpu.memory_space<hbm>> -> memref<1x640x128xf32, #tpu.memory_space<hbm>>
      %dma_start3A_16 = tpu.memref_squeeze %dma_start3A_15 : memref<1x640x128xf32, #tpu.memory_space<hbm>> -> memref<640x128xf32, #tpu.memory_space<hbm>>
      %dma_start3A_17 = arith.constant 0 : i32
      %dma_start3A_18 = tpu.memref_slice %arg8[%mul3A_12, %dma_start3A_17] : memref<10240x128xf32, #tpu.memory_space<vmem_shared>> -> memref<640x128xf32, #tpu.memory_space<vmem_shared>>
      tpu.enqueue_dma source(%dma_start3A_18 : memref<640x128xf32, #tpu.memory_space<vmem_shared>>) target(%dma_start3A_16 : memref<640x128xf32, #tpu.memory_space<hbm>>) target_semaphore(%run_scoped3A : memref<!tpu.dma_semaphore, #tpu.memory_space<semaphore_mem>>)
      %dma_wait3A = arith.constant 0 : i32
      %dma_wait3A_19 = tpu.memref_slice %arg5[%arg0, %mul3A_14, %dma_wait3A] : memref<2x10240x128xf32, #tpu.memory_space<hbm>> -> memref<1x640x128xf32, #tpu.memory_space<hbm>>
      %dma_wait3A_20 = tpu.memref_squeeze %dma_wait3A_19 : memref<1x640x128xf32, #tpu.memory_space<hbm>> -> memref<640x128xf32, #tpu.memory_space<hbm>>
      %dma_wait3A_21 = arith.constant 0 : i32
      %dma_wait3A_22 = tpu.memref_slice %arg8[%mul3A_12, %dma_wait3A_21] : memref<10240x128xf32, #tpu.memory_space<vmem_shared>> -> memref<640x128xf32, #tpu.memory_space<vmem_shared>>
      tpu.wait_dma2 semaphore(%run_scoped3A : memref<!tpu.dma_semaphore, #tpu.memory_space<semaphore_mem>>) src(%dma_wait3A_22 : memref<640x128xf32, #tpu.memory_space<vmem_shared>>) dst(%dma_wait3A_20 : memref<640x128xf32, #tpu.memory_space<hbm>>)
      tpu.yield
    }) : () -> ()
    return
  }
}

#map = affine_map<(d0, d1) -> (0, 0)>
#map1 = affine_map<(d0, d1) -> (0, 0, 0, 0)>
#map2 = affine_map<(d0, d1) -> (0, 0, 0)>
module attributes {stable_mosaic.version = 14 : i64} {
  func.func @_spmm_b_body(%arg0: i32, %arg1: i32, %arg2: memref<10240x128xf32, #tpu.memory_space<hbm>>, %arg3: memref<2x16x79x128xi32, #tpu.memory_space<hbm>>, %arg4: memref<2x16x79x128xi32, #tpu.memory_space<hbm>>, %arg5: memref<640x128xf32, #tpu.memory_space<hbm>>, %arg6: memref<2x10240x128xf32, #tpu.memory_space<hbm>>, %arg7: memref<128xi32, #tpu.memory_space<vmem>>, %arg8: memref<128xi32, #tpu.memory_space<vmem>>, %arg9: memref<128x128xf32, #tpu.memory_space<vmem>>, %arg10: memref<10240x128xf32, #tpu.memory_space<vmem_shared>>) attributes {dimension_semantics = [#tpu.dimension_semantics<core_parallel>, #tpu.dimension_semantics<subcore_parallel>], iteration_bounds = array<i64: 2, 16>, scalar_prefetch = 0 : i64, scratch_operands = 4 : i64, tpu.core_type = #tpu.core_type<sc_vector_subcore>, window_params = [{transform_indices = #map}, {transform_indices = #map1}, {transform_indices = #map1}, {transform_indices = #map}, {transform_indices = #map2}]} {
    %eq3A = arith.constant 0 : i32
    %eq3A_0 = arith.cmpi eq, %arg0, %eq3A : i32
    %convert_element_type3A = arith.extui %eq3A_0 : i1 to i32
    %cond3A = arith.constant 0 : i32
    %cond3A_1 = arith.cmpi ne, %convert_element_type3A, %cond3A : i32
    scf.if %cond3A_1 {
      %mul3A_15 = arith.constant 640 : i32
      %mul3A_16 = arith.muli %arg1, %mul3A_15 : i32
      %mul3A_17 = arith.constant 640 : i32
      %mul3A_18 = arith.muli %arg1, %mul3A_17 : i32
      "tpu.region"() ({
        %run_scoped3A = tpu.sem_alloc : memref<!tpu.dma_semaphore, #tpu.memory_space<semaphore_mem>>
        %dma_start3A = arith.constant 0 : i32
        %dma_start3A_19 = tpu.memref_slice %arg10[%mul3A_18, %dma_start3A] : memref<10240x128xf32, #tpu.memory_space<vmem_shared>> -> memref<640x128xf32, #tpu.memory_space<vmem_shared>>
        %dma_start3A_20 = arith.constant 0 : i32
        %dma_start3A_21 = tpu.memref_slice %arg2[%mul3A_16, %dma_start3A_20] : memref<10240x128xf32, #tpu.memory_space<hbm>> -> memref<640x128xf32, #tpu.memory_space<hbm>>
        tpu.enqueue_dma source(%dma_start3A_21 : memref<640x128xf32, #tpu.memory_space<hbm>>) target(%dma_start3A_19 : memref<640x128xf32, #tpu.memory_space<vmem_shared>>) target_semaphore(%run_scoped3A : memref<!tpu.dma_semaphore, #tpu.memory_space<semaphore_mem>>)
        %dma_wait3A = arith.constant 0 : i32
        %dma_wait3A_22 = tpu.memref_slice %arg10[%mul3A_18, %dma_wait3A] : memref<10240x128xf32, #tpu.memory_space<vmem_shared>> -> memref<640x128xf32, #tpu.memory_space<vmem_shared>>
        %dma_wait3A_23 = arith.constant 0 : i32
        %dma_wait3A_24 = tpu.memref_slice %arg2[%mul3A_16, %dma_wait3A_23] : memref<10240x128xf32, #tpu.memory_space<hbm>> -> memref<640x128xf32, #tpu.memory_space<hbm>>
        tpu.wait_dma2 semaphore(%run_scoped3A : memref<!tpu.dma_semaphore, #tpu.memory_space<semaphore_mem>>) src(%dma_wait3A_24 : memref<640x128xf32, #tpu.memory_space<hbm>>) dst(%dma_wait3A_22 : memref<640x128xf32, #tpu.memory_space<vmem_shared>>)
        tpu.yield
      }) : () -> ()
    } else {
    }
    %ne3A = arith.constant 0 : i32
    %ne3A_2 = arith.cmpi ne, %arg0, %ne3A : i32
    %convert_element_type3A_3 = arith.extui %ne3A_2 : i1 to i32
    %cond3A_4 = arith.constant 0 : i32
    %cond3A_5 = arith.cmpi ne, %convert_element_type3A_3, %cond3A_4 : i32
    scf.if %cond3A_5 {
      %mul3A_15 = arith.constant 640 : i32
      %mul3A_16 = arith.muli %arg1, %mul3A_15 : i32
      "tpu.region"() ({
        %run_scoped3A = tpu.sem_alloc : memref<!tpu.dma_semaphore, #tpu.memory_space<semaphore_mem>>
        %dma_start3A = arith.constant 0 : i32
        %dma_start3A_17 = tpu.memref_slice %arg10[%mul3A_16, %dma_start3A] : memref<10240x128xf32, #tpu.memory_space<vmem_shared>> -> memref<640x128xf32, #tpu.memory_space<vmem_shared>>
        tpu.enqueue_dma source(%arg5 : memref<640x128xf32, #tpu.memory_space<hbm>>) target(%dma_start3A_17 : memref<640x128xf32, #tpu.memory_space<vmem_shared>>) target_semaphore(%run_scoped3A : memref<!tpu.dma_semaphore, #tpu.memory_space<semaphore_mem>>)
        %dma_wait3A = arith.constant 0 : i32
        %dma_wait3A_18 = tpu.memref_slice %arg10[%mul3A_16, %dma_wait3A] : memref<10240x128xf32, #tpu.memory_space<vmem_shared>> -> memref<640x128xf32, #tpu.memory_space<vmem_shared>>
        tpu.wait_dma2 semaphore(%run_scoped3A : memref<!tpu.dma_semaphore, #tpu.memory_space<semaphore_mem>>) src(%arg5 : memref<640x128xf32, #tpu.memory_space<hbm>>) dst(%dma_wait3A_18 : memref<640x128xf32, #tpu.memory_space<vmem_shared>>)
        tpu.yield
      }) : () -> ()
    } else {
    }
    %barrier3A = arith.constant 0 : index
    tpu.barrier barrier_id(%barrier3A)
    %scan3A = arith.constant 0 : i32
    %scan3A_6 = arith.constant 0 : i32
    %scan3A_7 = arith.constant 79 : i32
    %scan3A_8 = arith.addi %scan3A_6, %scan3A_7 : i32
    %scan3A_9 = arith.constant 1 : i32
    scf.for %scan3A_15 = %scan3A_6 to %scan3A_8 step %scan3A_9  : i32 {
      "tpu.region"() ({
        %run_scoped3A = tpu.sem_alloc : memref<!tpu.dma_semaphore, #tpu.memory_space<semaphore_mem>>
        %dma_start3A = arith.constant 0 : i32
        %dma_start3A_16 = tpu.memref_slice %arg3[%arg0, %arg1, %scan3A_15, %dma_start3A] : memref<2x16x79x128xi32, #tpu.memory_space<hbm>> -> memref<1x1x1x128xi32, #tpu.memory_space<hbm>>
        %dma_start3A_17 = tpu.memref_squeeze %dma_start3A_16 : memref<1x1x1x128xi32, #tpu.memory_space<hbm>> -> memref<128xi32, #tpu.memory_space<hbm>>
        %dma_start3A_18 = arith.constant 0 : i32
        %dma_start3A_19 = tpu.memref_slice %arg3[%arg0, %arg1, %scan3A_15, %dma_start3A_18] : memref<2x16x79x128xi32, #tpu.memory_space<hbm>> -> memref<1x1x1x128xi32, #tpu.memory_space<hbm>>
        %dma_start3A_20 = tpu.memref_squeeze %dma_start3A_19 : memref<1x1x1x128xi32, #tpu.memory_space<hbm>> -> memref<128xi32, #tpu.memory_space<hbm>>
        tpu.enqueue_dma source(%dma_start3A_20 : memref<128xi32, #tpu.memory_space<hbm>>) target(%arg7 : memref<128xi32, #tpu.memory_space<vmem>>) target_semaphore(%run_scoped3A : memref<!tpu.dma_semaphore, #tpu.memory_space<semaphore_mem>>)
        %dma_wait3A = arith.constant 0 : i32
        %dma_wait3A_21 = tpu.memref_slice %arg3[%arg0, %arg1, %scan3A_15, %dma_wait3A] : memref<2x16x79x128xi32, #tpu.memory_space<hbm>> -> memref<1x1x1x128xi32, #tpu.memory_space<hbm>>
        %dma_wait3A_22 = tpu.memref_squeeze %dma_wait3A_21 : memref<1x1x1x128xi32, #tpu.memory_space<hbm>> -> memref<128xi32, #tpu.memory_space<hbm>>
        %dma_wait3A_23 = arith.constant 0 : i32
        %dma_wait3A_24 = tpu.memref_slice %arg3[%arg0, %arg1, %scan3A_15, %dma_wait3A_23] : memref<2x16x79x128xi32, #tpu.memory_space<hbm>> -> memref<1x1x1x128xi32, #tpu.memory_space<hbm>>
        %dma_wait3A_25 = tpu.memref_squeeze %dma_wait3A_24 : memref<1x1x1x128xi32, #tpu.memory_space<hbm>> -> memref<128xi32, #tpu.memory_space<hbm>>
        tpu.wait_dma2 semaphore(%run_scoped3A : memref<!tpu.dma_semaphore, #tpu.memory_space<semaphore_mem>>) src(%dma_wait3A_25 : memref<128xi32, #tpu.memory_space<hbm>>) dst(%arg7 : memref<128xi32, #tpu.memory_space<vmem>>)
        tpu.yield
      }) : () -> ()
      "tpu.region"() ({
        %run_scoped3A = tpu.sem_alloc : memref<!tpu.dma_semaphore, #tpu.memory_space<semaphore_mem>>
        %dma_start3A = arith.constant 0 : i32
        %dma_start3A_16 = tpu.memref_slice %arg4[%arg0, %arg1, %scan3A_15, %dma_start3A] : memref<2x16x79x128xi32, #tpu.memory_space<hbm>> -> memref<1x1x1x128xi32, #tpu.memory_space<hbm>>
        %dma_start3A_17 = tpu.memref_squeeze %dma_start3A_16 : memref<1x1x1x128xi32, #tpu.memory_space<hbm>> -> memref<128xi32, #tpu.memory_space<hbm>>
        %dma_start3A_18 = arith.constant 0 : i32
        %dma_start3A_19 = tpu.memref_slice %arg4[%arg0, %arg1, %scan3A_15, %dma_start3A_18] : memref<2x16x79x128xi32, #tpu.memory_space<hbm>> -> memref<1x1x1x128xi32, #tpu.memory_space<hbm>>
        %dma_start3A_20 = tpu.memref_squeeze %dma_start3A_19 : memref<1x1x1x128xi32, #tpu.memory_space<hbm>> -> memref<128xi32, #tpu.memory_space<hbm>>
        tpu.enqueue_dma source(%dma_start3A_20 : memref<128xi32, #tpu.memory_space<hbm>>) target(%arg8 : memref<128xi32, #tpu.memory_space<vmem>>) target_semaphore(%run_scoped3A : memref<!tpu.dma_semaphore, #tpu.memory_space<semaphore_mem>>)
        %dma_wait3A = arith.constant 0 : i32
        %dma_wait3A_21 = tpu.memref_slice %arg4[%arg0, %arg1, %scan3A_15, %dma_wait3A] : memref<2x16x79x128xi32, #tpu.memory_space<hbm>> -> memref<1x1x1x128xi32, #tpu.memory_space<hbm>>
        %dma_wait3A_22 = tpu.memref_squeeze %dma_wait3A_21 : memref<1x1x1x128xi32, #tpu.memory_space<hbm>> -> memref<128xi32, #tpu.memory_space<hbm>>
        %dma_wait3A_23 = arith.constant 0 : i32
        %dma_wait3A_24 = tpu.memref_slice %arg4[%arg0, %arg1, %scan3A_15, %dma_wait3A_23] : memref<2x16x79x128xi32, #tpu.memory_space<hbm>> -> memref<1x1x1x128xi32, #tpu.memory_space<hbm>>
        %dma_wait3A_25 = tpu.memref_squeeze %dma_wait3A_24 : memref<1x1x1x128xi32, #tpu.memory_space<hbm>> -> memref<128xi32, #tpu.memory_space<hbm>>
        tpu.wait_dma2 semaphore(%run_scoped3A : memref<!tpu.dma_semaphore, #tpu.memory_space<semaphore_mem>>) src(%dma_wait3A_25 : memref<128xi32, #tpu.memory_space<hbm>>) dst(%arg8 : memref<128xi32, #tpu.memory_space<vmem>>)
        tpu.yield
      }) : () -> ()
      "tpu.region"() ({
        %run_scoped3A = tpu.sem_alloc : memref<!tpu.dma_semaphore, #tpu.memory_space<semaphore_mem>>
        %dma_start3A = arith.constant 0 : i32
        %dma_start3A_16 = arith.constant 0 : i32
        %dma_start3A_17 = tpu.memref_slice %arg2[%dma_start3A, %dma_start3A_16] : memref<10240x128xf32, #tpu.memory_space<hbm>> -> memref<10240x128xf32, #tpu.memory_space<hbm>>
        tpu.enqueue_indirect_dma source(%dma_start3A_17 : memref<10240x128xf32, #tpu.memory_space<hbm>>) target(%arg9 : memref<128x128xf32, #tpu.memory_space<vmem>>) offsets(%arg7 : memref<128xi32, #tpu.memory_space<vmem>>) semaphore(%run_scoped3A : memref<!tpu.dma_semaphore, #tpu.memory_space<semaphore_mem>>)
        %dma_wait3A = arith.constant 0 : i32
        %dma_wait3A_18 = arith.constant 0 : i32
        %dma_wait3A_19 = tpu.memref_slice %arg2[%dma_wait3A, %dma_wait3A_18] : memref<10240x128xf32, #tpu.memory_space<hbm>> -> memref<10240x128xf32, #tpu.memory_space<hbm>>
        tpu.wait_indirect_dma semaphore(%run_scoped3A : memref<!tpu.dma_semaphore, #tpu.memory_space<semaphore_mem>>) src(%dma_wait3A_19 : memref<10240x128xf32, #tpu.memory_space<hbm>>) dst(%arg9 : memref<128x128xf32, #tpu.memory_space<vmem>>)
        tpu.yield
      }) : () -> ()
      "tpu.region"() ({
        %run_scoped3A = tpu.sem_alloc : memref<!tpu.dma_semaphore, #tpu.memory_space<semaphore_mem>>
        %dma_start3A = arith.constant 0 : i32
        %dma_start3A_16 = arith.constant 0 : i32
        %dma_start3A_17 = tpu.memref_slice %arg10[%dma_start3A, %dma_start3A_16] : memref<10240x128xf32, #tpu.memory_space<vmem_shared>> -> memref<10240x128xf32, #tpu.memory_space<vmem_shared>>
        tpu.enqueue_indirect_dma source(%arg9 : memref<128x128xf32, #tpu.memory_space<vmem>>) target(%dma_start3A_17 : memref<10240x128xf32, #tpu.memory_space<vmem_shared>>) offsets(%arg8 : memref<128xi32, #tpu.memory_space<vmem>>) semaphore(%run_scoped3A : memref<!tpu.dma_semaphore, #tpu.memory_space<semaphore_mem>>) {add = true}
        %dma_wait3A = arith.constant 0 : i32
        %dma_wait3A_18 = arith.constant 0 : i32
        %dma_wait3A_19 = tpu.memref_slice %arg10[%dma_wait3A, %dma_wait3A_18] : memref<10240x128xf32, #tpu.memory_space<vmem_shared>> -> memref<10240x128xf32, #tpu.memory_space<vmem_shared>>
        tpu.wait_indirect_dma semaphore(%run_scoped3A : memref<!tpu.dma_semaphore, #tpu.memory_space<semaphore_mem>>) src(%arg9 : memref<128x128xf32, #tpu.memory_space<vmem>>) dst(%dma_wait3A_19 : memref<10240x128xf32, #tpu.memory_space<vmem_shared>>)
        tpu.yield
      }) : () -> ()
    }
    %scan3A_10 = arith.constant 79 : i32
    %barrier3A_11 = arith.constant 0 : index
    tpu.barrier barrier_id(%barrier3A_11)
    %mul3A = arith.constant 640 : i32
    %mul3A_12 = arith.muli %arg1, %mul3A : i32
    %mul3A_13 = arith.constant 640 : i32
    %mul3A_14 = arith.muli %arg1, %mul3A_13 : i32
    "tpu.region"() ({
      %run_scoped3A = tpu.sem_alloc : memref<!tpu.dma_semaphore, #tpu.memory_space<semaphore_mem>>
      %dma_start3A = arith.constant 0 : i32
      %dma_start3A_15 = tpu.memref_slice %arg6[%arg0, %mul3A_14, %dma_start3A] : memref<2x10240x128xf32, #tpu.memory_space<hbm>> -> memref<1x640x128xf32, #tpu.memory_space<hbm>>
      %dma_start3A_16 = tpu.memref_squeeze %dma_start3A_15 : memref<1x640x128xf32, #tpu.memory_space<hbm>> -> memref<640x128xf32, #tpu.memory_space<hbm>>
      %dma_start3A_17 = arith.constant 0 : i32
      %dma_start3A_18 = tpu.memref_slice %arg10[%mul3A_12, %dma_start3A_17] : memref<10240x128xf32, #tpu.memory_space<vmem_shared>> -> memref<640x128xf32, #tpu.memory_space<vmem_shared>>
      tpu.enqueue_dma source(%dma_start3A_18 : memref<640x128xf32, #tpu.memory_space<vmem_shared>>) target(%dma_start3A_16 : memref<640x128xf32, #tpu.memory_space<hbm>>) target_semaphore(%run_scoped3A : memref<!tpu.dma_semaphore, #tpu.memory_space<semaphore_mem>>)
      %dma_wait3A = arith.constant 0 : i32
      %dma_wait3A_19 = tpu.memref_slice %arg6[%arg0, %mul3A_14, %dma_wait3A] : memref<2x10240x128xf32, #tpu.memory_space<hbm>> -> memref<1x640x128xf32, #tpu.memory_space<hbm>>
      %dma_wait3A_20 = tpu.memref_squeeze %dma_wait3A_19 : memref<1x640x128xf32, #tpu.memory_space<hbm>> -> memref<640x128xf32, #tpu.memory_space<hbm>>
      %dma_wait3A_21 = arith.constant 0 : i32
      %dma_wait3A_22 = tpu.memref_slice %arg10[%mul3A_12, %dma_wait3A_21] : memref<10240x128xf32, #tpu.memory_space<vmem_shared>> -> memref<640x128xf32, #tpu.memory_space<vmem_shared>>
      tpu.wait_dma2 semaphore(%run_scoped3A : memref<!tpu.dma_semaphore, #tpu.memory_space<semaphore_mem>>) src(%dma_wait3A_22 : memref<640x128xf32, #tpu.memory_space<vmem_shared>>) dst(%dma_wait3A_20 : memref<640x128xf32, #tpu.memory_space<hbm>>)
      tpu.yield
    }) : () -> ()
    return
  }
}

#map = affine_map<(d0, d1) -> (0, 0)>
#map1 = affine_map<(d0, d1) -> (0, 0, 0, 0)>
#map2 = affine_map<(d0, d1) -> (0, 0, 0)>
module attributes {stable_mosaic.version = 14 : i64} {
  func.func @_spmm_a_body(%arg0: i32, %arg1: i32, %arg2: memref<20480x128xf32, #tpu.memory_space<hbm>>, %arg3: memref<2x16x157x128xi32, #tpu.memory_space<hbm>>, %arg4: memref<16x157x128xi32, #tpu.memory_space<hbm>>, %arg5: memref<20480x128xf32, #tpu.memory_space<hbm>>, %arg6: memref<128xi32, #tpu.memory_space<vmem>>, %arg7: memref<128xi32, #tpu.memory_space<vmem>>, %arg8: memref<128x128xf32, #tpu.memory_space<vmem>>, %arg9: memref<10240x128xf32, #tpu.memory_space<vmem_shared>>) attributes {dimension_semantics = [#tpu.dimension_semantics<core_parallel>, #tpu.dimension_semantics<subcore_parallel>], iteration_bounds = array<i64: 2, 16>, scalar_prefetch = 0 : i64, scratch_operands = 4 : i64, tpu.core_type = #tpu.core_type<sc_vector_subcore>, window_params = [{transform_indices = #map}, {transform_indices = #map1}, {transform_indices = #map2}, {transform_indices = #map}]} {
    %mul3A = arith.constant 10240 : i32
    %mul3A_0 = arith.muli %arg0, %mul3A : i32
    %mul3A_1 = arith.constant 640 : i32
    %mul3A_2 = arith.muli %arg1, %mul3A_1 : i32
    %add3A = arith.addi %mul3A_0, %mul3A_2 : i32
    %mul3A_3 = arith.constant 640 : i32
    %mul3A_4 = arith.muli %arg1, %mul3A_3 : i32
    "tpu.region"() ({
      %run_scoped3A = tpu.sem_alloc : memref<!tpu.dma_semaphore, #tpu.memory_space<semaphore_mem>>
      %dma_start3A = arith.constant 0 : i32
      %dma_start3A_13 = tpu.memref_slice %arg9[%mul3A_4, %dma_start3A] : memref<10240x128xf32, #tpu.memory_space<vmem_shared>> -> memref<640x128xf32, #tpu.memory_space<vmem_shared>>
      %dma_start3A_14 = arith.constant 0 : i32
      %dma_start3A_15 = tpu.memref_slice %arg2[%add3A, %dma_start3A_14] : memref<20480x128xf32, #tpu.memory_space<hbm>> -> memref<640x128xf32, #tpu.memory_space<hbm>>
      tpu.enqueue_dma source(%dma_start3A_15 : memref<640x128xf32, #tpu.memory_space<hbm>>) target(%dma_start3A_13 : memref<640x128xf32, #tpu.memory_space<vmem_shared>>) target_semaphore(%run_scoped3A : memref<!tpu.dma_semaphore, #tpu.memory_space<semaphore_mem>>)
      %dma_wait3A = arith.constant 0 : i32
      %dma_wait3A_16 = tpu.memref_slice %arg9[%mul3A_4, %dma_wait3A] : memref<10240x128xf32, #tpu.memory_space<vmem_shared>> -> memref<640x128xf32, #tpu.memory_space<vmem_shared>>
      %dma_wait3A_17 = arith.constant 0 : i32
      %dma_wait3A_18 = tpu.memref_slice %arg2[%add3A, %dma_wait3A_17] : memref<20480x128xf32, #tpu.memory_space<hbm>> -> memref<640x128xf32, #tpu.memory_space<hbm>>
      tpu.wait_dma2 semaphore(%run_scoped3A : memref<!tpu.dma_semaphore, #tpu.memory_space<semaphore_mem>>) src(%dma_wait3A_18 : memref<640x128xf32, #tpu.memory_space<hbm>>) dst(%dma_wait3A_16 : memref<640x128xf32, #tpu.memory_space<vmem_shared>>)
      tpu.yield
    }) : () -> ()
    %barrier3A = arith.constant 0 : index
    tpu.barrier barrier_id(%barrier3A)
    %scan3A = arith.constant 0 : i32
    %scan3A_5 = arith.constant 0 : i32
    %scan3A_6 = arith.constant 157 : i32
    %scan3A_7 = arith.addi %scan3A_5, %scan3A_6 : i32
    %scan3A_8 = arith.constant 1 : i32
    scf.for %scan3A_13 = %scan3A_5 to %scan3A_7 step %scan3A_8  : i32 {
      "tpu.region"() ({
        %run_scoped3A = tpu.sem_alloc : memref<!tpu.dma_semaphore, #tpu.memory_space<semaphore_mem>>
        %dma_start3A = arith.constant 0 : i32
        %dma_start3A_14 = tpu.memref_slice %arg3[%arg0, %arg1, %scan3A_13, %dma_start3A] : memref<2x16x157x128xi32, #tpu.memory_space<hbm>> -> memref<1x1x1x128xi32, #tpu.memory_space<hbm>>
        %dma_start3A_15 = tpu.memref_squeeze %dma_start3A_14 : memref<1x1x1x128xi32, #tpu.memory_space<hbm>> -> memref<128xi32, #tpu.memory_space<hbm>>
        %dma_start3A_16 = arith.constant 0 : i32
        %dma_start3A_17 = tpu.memref_slice %arg3[%arg0, %arg1, %scan3A_13, %dma_start3A_16] : memref<2x16x157x128xi32, #tpu.memory_space<hbm>> -> memref<1x1x1x128xi32, #tpu.memory_space<hbm>>
        %dma_start3A_18 = tpu.memref_squeeze %dma_start3A_17 : memref<1x1x1x128xi32, #tpu.memory_space<hbm>> -> memref<128xi32, #tpu.memory_space<hbm>>
        tpu.enqueue_dma source(%dma_start3A_18 : memref<128xi32, #tpu.memory_space<hbm>>) target(%arg6 : memref<128xi32, #tpu.memory_space<vmem>>) target_semaphore(%run_scoped3A : memref<!tpu.dma_semaphore, #tpu.memory_space<semaphore_mem>>)
        %dma_wait3A = arith.constant 0 : i32
        %dma_wait3A_19 = tpu.memref_slice %arg3[%arg0, %arg1, %scan3A_13, %dma_wait3A] : memref<2x16x157x128xi32, #tpu.memory_space<hbm>> -> memref<1x1x1x128xi32, #tpu.memory_space<hbm>>
        %dma_wait3A_20 = tpu.memref_squeeze %dma_wait3A_19 : memref<1x1x1x128xi32, #tpu.memory_space<hbm>> -> memref<128xi32, #tpu.memory_space<hbm>>
        %dma_wait3A_21 = arith.constant 0 : i32
        %dma_wait3A_22 = tpu.memref_slice %arg3[%arg0, %arg1, %scan3A_13, %dma_wait3A_21] : memref<2x16x157x128xi32, #tpu.memory_space<hbm>> -> memref<1x1x1x128xi32, #tpu.memory_space<hbm>>
        %dma_wait3A_23 = tpu.memref_squeeze %dma_wait3A_22 : memref<1x1x1x128xi32, #tpu.memory_space<hbm>> -> memref<128xi32, #tpu.memory_space<hbm>>
        tpu.wait_dma2 semaphore(%run_scoped3A : memref<!tpu.dma_semaphore, #tpu.memory_space<semaphore_mem>>) src(%dma_wait3A_23 : memref<128xi32, #tpu.memory_space<hbm>>) dst(%arg6 : memref<128xi32, #tpu.memory_space<vmem>>)
        tpu.yield
      }) : () -> ()
      "tpu.region"() ({
        %run_scoped3A = tpu.sem_alloc : memref<!tpu.dma_semaphore, #tpu.memory_space<semaphore_mem>>
        %dma_start3A = arith.constant 0 : i32
        %dma_start3A_14 = tpu.memref_slice %arg4[%arg1, %scan3A_13, %dma_start3A] : memref<16x157x128xi32, #tpu.memory_space<hbm>> -> memref<1x1x128xi32, #tpu.memory_space<hbm>>
        %dma_start3A_15 = tpu.memref_squeeze %dma_start3A_14 : memref<1x1x128xi32, #tpu.memory_space<hbm>> -> memref<128xi32, #tpu.memory_space<hbm>>
        %dma_start3A_16 = arith.constant 0 : i32
        %dma_start3A_17 = tpu.memref_slice %arg4[%arg1, %scan3A_13, %dma_start3A_16] : memref<16x157x128xi32, #tpu.memory_space<hbm>> -> memref<1x1x128xi32, #tpu.memory_space<hbm>>
        %dma_start3A_18 = tpu.memref_squeeze %dma_start3A_17 : memref<1x1x128xi32, #tpu.memory_space<hbm>> -> memref<128xi32, #tpu.memory_space<hbm>>
        tpu.enqueue_dma source(%dma_start3A_18 : memref<128xi32, #tpu.memory_space<hbm>>) target(%arg7 : memref<128xi32, #tpu.memory_space<vmem>>) target_semaphore(%run_scoped3A : memref<!tpu.dma_semaphore, #tpu.memory_space<semaphore_mem>>)
        %dma_wait3A = arith.constant 0 : i32
        %dma_wait3A_19 = tpu.memref_slice %arg4[%arg1, %scan3A_13, %dma_wait3A] : memref<16x157x128xi32, #tpu.memory_space<hbm>> -> memref<1x1x128xi32, #tpu.memory_space<hbm>>
        %dma_wait3A_20 = tpu.memref_squeeze %dma_wait3A_19 : memref<1x1x128xi32, #tpu.memory_space<hbm>> -> memref<128xi32, #tpu.memory_space<hbm>>
        %dma_wait3A_21 = arith.constant 0 : i32
        %dma_wait3A_22 = tpu.memref_slice %arg4[%arg1, %scan3A_13, %dma_wait3A_21] : memref<16x157x128xi32, #tpu.memory_space<hbm>> -> memref<1x1x128xi32, #tpu.memory_space<hbm>>
        %dma_wait3A_23 = tpu.memref_squeeze %dma_wait3A_22 : memref<1x1x128xi32, #tpu.memory_space<hbm>> -> memref<128xi32, #tpu.memory_space<hbm>>
        tpu.wait_dma2 semaphore(%run_scoped3A : memref<!tpu.dma_semaphore, #tpu.memory_space<semaphore_mem>>) src(%dma_wait3A_23 : memref<128xi32, #tpu.memory_space<hbm>>) dst(%arg7 : memref<128xi32, #tpu.memory_space<vmem>>)
        tpu.yield
      }) : () -> ()
      "tpu.region"() ({
        %run_scoped3A = tpu.sem_alloc : memref<!tpu.dma_semaphore, #tpu.memory_space<semaphore_mem>>
        %dma_start3A = arith.constant 0 : i32
        %dma_start3A_14 = arith.constant 0 : i32
        %dma_start3A_15 = tpu.memref_slice %arg2[%dma_start3A, %dma_start3A_14] : memref<20480x128xf32, #tpu.memory_space<hbm>> -> memref<20480x128xf32, #tpu.memory_space<hbm>>
        tpu.enqueue_indirect_dma source(%dma_start3A_15 : memref<20480x128xf32, #tpu.memory_space<hbm>>) target(%arg8 : memref<128x128xf32, #tpu.memory_space<vmem>>) offsets(%arg6 : memref<128xi32, #tpu.memory_space<vmem>>) semaphore(%run_scoped3A : memref<!tpu.dma_semaphore, #tpu.memory_space<semaphore_mem>>)
        %dma_wait3A = arith.constant 0 : i32
        %dma_wait3A_16 = arith.constant 0 : i32
        %dma_wait3A_17 = tpu.memref_slice %arg2[%dma_wait3A, %dma_wait3A_16] : memref<20480x128xf32, #tpu.memory_space<hbm>> -> memref<20480x128xf32, #tpu.memory_space<hbm>>
        tpu.wait_indirect_dma semaphore(%run_scoped3A : memref<!tpu.dma_semaphore, #tpu.memory_space<semaphore_mem>>) src(%dma_wait3A_17 : memref<20480x128xf32, #tpu.memory_space<hbm>>) dst(%arg8 : memref<128x128xf32, #tpu.memory_space<vmem>>)
        tpu.yield
      }) : () -> ()
      "tpu.region"() ({
        %run_scoped3A = tpu.sem_alloc : memref<!tpu.dma_semaphore, #tpu.memory_space<semaphore_mem>>
        %dma_start3A = arith.constant 0 : i32
        %dma_start3A_14 = arith.constant 0 : i32
        %dma_start3A_15 = tpu.memref_slice %arg9[%dma_start3A, %dma_start3A_14] : memref<10240x128xf32, #tpu.memory_space<vmem_shared>> -> memref<10240x128xf32, #tpu.memory_space<vmem_shared>>
        tpu.enqueue_indirect_dma source(%arg8 : memref<128x128xf32, #tpu.memory_space<vmem>>) target(%dma_start3A_15 : memref<10240x128xf32, #tpu.memory_space<vmem_shared>>) offsets(%arg7 : memref<128xi32, #tpu.memory_space<vmem>>) semaphore(%run_scoped3A : memref<!tpu.dma_semaphore, #tpu.memory_space<semaphore_mem>>) {add = true}
        %dma_wait3A = arith.constant 0 : i32
        %dma_wait3A_16 = arith.constant 0 : i32
        %dma_wait3A_17 = tpu.memref_slice %arg9[%dma_wait3A, %dma_wait3A_16] : memref<10240x128xf32, #tpu.memory_space<vmem_shared>> -> memref<10240x128xf32, #tpu.memory_space<vmem_shared>>
        tpu.wait_indirect_dma semaphore(%run_scoped3A : memref<!tpu.dma_semaphore, #tpu.memory_space<semaphore_mem>>) src(%arg8 : memref<128x128xf32, #tpu.memory_space<vmem>>) dst(%dma_wait3A_17 : memref<10240x128xf32, #tpu.memory_space<vmem_shared>>)
        tpu.yield
      }) : () -> ()
    }
    %scan3A_9 = arith.constant 157 : i32
    %barrier3A_10 = arith.constant 0 : index
    tpu.barrier barrier_id(%barrier3A_10)
    %mul3A_11 = arith.constant 640 : i32
    %mul3A_12 = arith.muli %arg1, %mul3A_11 : i32
    "tpu.region"() ({
      %run_scoped3A = tpu.sem_alloc : memref<!tpu.dma_semaphore, #tpu.memory_space<semaphore_mem>>
      %dma_start3A = arith.constant 0 : i32
      %dma_start3A_13 = tpu.memref_slice %arg5[%add3A, %dma_start3A] : memref<20480x128xf32, #tpu.memory_space<hbm>> -> memref<640x128xf32, #tpu.memory_space<hbm>>
      %dma_start3A_14 = arith.constant 0 : i32
      %dma_start3A_15 = tpu.memref_slice %arg9[%mul3A_12, %dma_start3A_14] : memref<10240x128xf32, #tpu.memory_space<vmem_shared>> -> memref<640x128xf32, #tpu.memory_space<vmem_shared>>
      tpu.enqueue_dma source(%dma_start3A_15 : memref<640x128xf32, #tpu.memory_space<vmem_shared>>) target(%dma_start3A_13 : memref<640x128xf32, #tpu.memory_space<hbm>>) target_semaphore(%run_scoped3A : memref<!tpu.dma_semaphore, #tpu.memory_space<semaphore_mem>>)
      %dma_wait3A = arith.constant 0 : i32
      %dma_wait3A_16 = tpu.memref_slice %arg5[%add3A, %dma_wait3A] : memref<20480x128xf32, #tpu.memory_space<hbm>> -> memref<640x128xf32, #tpu.memory_space<hbm>>
      %dma_wait3A_17 = arith.constant 0 : i32
      %dma_wait3A_18 = tpu.memref_slice %arg9[%mul3A_12, %dma_wait3A_17] : memref<10240x128xf32, #tpu.memory_space<vmem_shared>> -> memref<640x128xf32, #tpu.memory_space<vmem_shared>>
      tpu.wait_dma2 semaphore(%run_scoped3A : memref<!tpu.dma_semaphore, #tpu.memory_space<semaphore_mem>>) src(%dma_wait3A_18 : memref<640x128xf32, #tpu.memory_space<vmem_shared>>) dst(%dma_wait3A_16 : memref<640x128xf32, #tpu.memory_space<hbm>>)
      tpu.yield
    }) : () -> ()
    return
  }
}

#map = affine_map<(d0, d1) -> (0, 0)>
#map1 = affine_map<(d0, d1) -> (0, 0, 0, 0)>
#map2 = affine_map<(d0, d1) -> (0, 0, 0)>
module attributes {stable_mosaic.version = 14 : i64} {
  func.func @_spmm_b_body(%arg0: i32, %arg1: i32, %arg2: memref<10240x128xf32, #tpu.memory_space<hbm>>, %arg3: memref<2x16x79x128xi32, #tpu.memory_space<hbm>>, %arg4: memref<2x16x79x128xi32, #tpu.memory_space<hbm>>, %arg5: memref<640x128xf32, #tpu.memory_space<hbm>>, %arg6: memref<2x10240x128xf32, #tpu.memory_space<hbm>>, %arg7: memref<128xi32, #tpu.memory_space<vmem>>, %arg8: memref<128xi32, #tpu.memory_space<vmem>>, %arg9: memref<128x128xf32, #tpu.memory_space<vmem>>, %arg10: memref<10240x128xf32, #tpu.memory_space<vmem_shared>>) attributes {dimension_semantics = [#tpu.dimension_semantics<core_parallel>, #tpu.dimension_semantics<subcore_parallel>], iteration_bounds = array<i64: 2, 16>, scalar_prefetch = 0 : i64, scratch_operands = 4 : i64, tpu.core_type = #tpu.core_type<sc_vector_subcore>, window_params = [{transform_indices = #map}, {transform_indices = #map1}, {transform_indices = #map1}, {transform_indices = #map}, {transform_indices = #map2}]} {
    %eq3A = arith.constant 0 : i32
    %eq3A_0 = arith.cmpi eq, %arg0, %eq3A : i32
    %convert_element_type3A = arith.extui %eq3A_0 : i1 to i32
    %cond3A = arith.constant 0 : i32
    %cond3A_1 = arith.cmpi ne, %convert_element_type3A, %cond3A : i32
    scf.if %cond3A_1 {
      %mul3A_15 = arith.constant 640 : i32
      %mul3A_16 = arith.muli %arg1, %mul3A_15 : i32
      %mul3A_17 = arith.constant 640 : i32
      %mul3A_18 = arith.muli %arg1, %mul3A_17 : i32
      "tpu.region"() ({
        %run_scoped3A = tpu.sem_alloc : memref<!tpu.dma_semaphore, #tpu.memory_space<semaphore_mem>>
        %dma_start3A = arith.constant 0 : i32
        %dma_start3A_19 = tpu.memref_slice %arg10[%mul3A_18, %dma_start3A] : memref<10240x128xf32, #tpu.memory_space<vmem_shared>> -> memref<640x128xf32, #tpu.memory_space<vmem_shared>>
        %dma_start3A_20 = arith.constant 0 : i32
        %dma_start3A_21 = tpu.memref_slice %arg2[%mul3A_16, %dma_start3A_20] : memref<10240x128xf32, #tpu.memory_space<hbm>> -> memref<640x128xf32, #tpu.memory_space<hbm>>
        tpu.enqueue_dma source(%dma_start3A_21 : memref<640x128xf32, #tpu.memory_space<hbm>>) target(%dma_start3A_19 : memref<640x128xf32, #tpu.memory_space<vmem_shared>>) target_semaphore(%run_scoped3A : memref<!tpu.dma_semaphore, #tpu.memory_space<semaphore_mem>>)
        %dma_wait3A = arith.constant 0 : i32
        %dma_wait3A_22 = tpu.memref_slice %arg10[%mul3A_18, %dma_wait3A] : memref<10240x128xf32, #tpu.memory_space<vmem_shared>> -> memref<640x128xf32, #tpu.memory_space<vmem_shared>>
        %dma_wait3A_23 = arith.constant 0 : i32
        %dma_wait3A_24 = tpu.memref_slice %arg2[%mul3A_16, %dma_wait3A_23] : memref<10240x128xf32, #tpu.memory_space<hbm>> -> memref<640x128xf32, #tpu.memory_space<hbm>>
        tpu.wait_dma2 semaphore(%run_scoped3A : memref<!tpu.dma_semaphore, #tpu.memory_space<semaphore_mem>>) src(%dma_wait3A_24 : memref<640x128xf32, #tpu.memory_space<hbm>>) dst(%dma_wait3A_22 : memref<640x128xf32, #tpu.memory_space<vmem_shared>>)
        tpu.yield
      }) : () -> ()
    } else {
    }
    %ne3A = arith.constant 0 : i32
    %ne3A_2 = arith.cmpi ne, %arg0, %ne3A : i32
    %convert_element_type3A_3 = arith.extui %ne3A_2 : i1 to i32
    %cond3A_4 = arith.constant 0 : i32
    %cond3A_5 = arith.cmpi ne, %convert_element_type3A_3, %cond3A_4 : i32
    scf.if %cond3A_5 {
      %mul3A_15 = arith.constant 640 : i32
      %mul3A_16 = arith.muli %arg1, %mul3A_15 : i32
      "tpu.region"() ({
        %run_scoped3A = tpu.sem_alloc : memref<!tpu.dma_semaphore, #tpu.memory_space<semaphore_mem>>
        %dma_start3A = arith.constant 0 : i32
        %dma_start3A_17 = tpu.memref_slice %arg10[%mul3A_16, %dma_start3A] : memref<10240x128xf32, #tpu.memory_space<vmem_shared>> -> memref<640x128xf32, #tpu.memory_space<vmem_shared>>
        tpu.enqueue_dma source(%arg5 : memref<640x128xf32, #tpu.memory_space<hbm>>) target(%dma_start3A_17 : memref<640x128xf32, #tpu.memory_space<vmem_shared>>) target_semaphore(%run_scoped3A : memref<!tpu.dma_semaphore, #tpu.memory_space<semaphore_mem>>)
        %dma_wait3A = arith.constant 0 : i32
        %dma_wait3A_18 = tpu.memref_slice %arg10[%mul3A_16, %dma_wait3A] : memref<10240x128xf32, #tpu.memory_space<vmem_shared>> -> memref<640x128xf32, #tpu.memory_space<vmem_shared>>
        tpu.wait_dma2 semaphore(%run_scoped3A : memref<!tpu.dma_semaphore, #tpu.memory_space<semaphore_mem>>) src(%arg5 : memref<640x128xf32, #tpu.memory_space<hbm>>) dst(%dma_wait3A_18 : memref<640x128xf32, #tpu.memory_space<vmem_shared>>)
        tpu.yield
      }) : () -> ()
    } else {
    }
    %barrier3A = arith.constant 0 : index
    tpu.barrier barrier_id(%barrier3A)
    %scan3A = arith.constant 0 : i32
    %scan3A_6 = arith.constant 0 : i32
    %scan3A_7 = arith.constant 79 : i32
    %scan3A_8 = arith.addi %scan3A_6, %scan3A_7 : i32
    %scan3A_9 = arith.constant 1 : i32
    scf.for %scan3A_15 = %scan3A_6 to %scan3A_8 step %scan3A_9  : i32 {
      "tpu.region"() ({
        %run_scoped3A = tpu.sem_alloc : memref<!tpu.dma_semaphore, #tpu.memory_space<semaphore_mem>>
        %dma_start3A = arith.constant 0 : i32
        %dma_start3A_16 = tpu.memref_slice %arg3[%arg0, %arg1, %scan3A_15, %dma_start3A] : memref<2x16x79x128xi32, #tpu.memory_space<hbm>> -> memref<1x1x1x128xi32, #tpu.memory_space<hbm>>
        %dma_start3A_17 = tpu.memref_squeeze %dma_start3A_16 : memref<1x1x1x128xi32, #tpu.memory_space<hbm>> -> memref<128xi32, #tpu.memory_space<hbm>>
        %dma_start3A_18 = arith.constant 0 : i32
        %dma_start3A_19 = tpu.memref_slice %arg3[%arg0, %arg1, %scan3A_15, %dma_start3A_18] : memref<2x16x79x128xi32, #tpu.memory_space<hbm>> -> memref<1x1x1x128xi32, #tpu.memory_space<hbm>>
        %dma_start3A_20 = tpu.memref_squeeze %dma_start3A_19 : memref<1x1x1x128xi32, #tpu.memory_space<hbm>> -> memref<128xi32, #tpu.memory_space<hbm>>
        tpu.enqueue_dma source(%dma_start3A_20 : memref<128xi32, #tpu.memory_space<hbm>>) target(%arg7 : memref<128xi32, #tpu.memory_space<vmem>>) target_semaphore(%run_scoped3A : memref<!tpu.dma_semaphore, #tpu.memory_space<semaphore_mem>>)
        %dma_wait3A = arith.constant 0 : i32
        %dma_wait3A_21 = tpu.memref_slice %arg3[%arg0, %arg1, %scan3A_15, %dma_wait3A] : memref<2x16x79x128xi32, #tpu.memory_space<hbm>> -> memref<1x1x1x128xi32, #tpu.memory_space<hbm>>
        %dma_wait3A_22 = tpu.memref_squeeze %dma_wait3A_21 : memref<1x1x1x128xi32, #tpu.memory_space<hbm>> -> memref<128xi32, #tpu.memory_space<hbm>>
        %dma_wait3A_23 = arith.constant 0 : i32
        %dma_wait3A_24 = tpu.memref_slice %arg3[%arg0, %arg1, %scan3A_15, %dma_wait3A_23] : memref<2x16x79x128xi32, #tpu.memory_space<hbm>> -> memref<1x1x1x128xi32, #tpu.memory_space<hbm>>
        %dma_wait3A_25 = tpu.memref_squeeze %dma_wait3A_24 : memref<1x1x1x128xi32, #tpu.memory_space<hbm>> -> memref<128xi32, #tpu.memory_space<hbm>>
        tpu.wait_dma2 semaphore(%run_scoped3A : memref<!tpu.dma_semaphore, #tpu.memory_space<semaphore_mem>>) src(%dma_wait3A_25 : memref<128xi32, #tpu.memory_space<hbm>>) dst(%arg7 : memref<128xi32, #tpu.memory_space<vmem>>)
        tpu.yield
      }) : () -> ()
      "tpu.region"() ({
        %run_scoped3A = tpu.sem_alloc : memref<!tpu.dma_semaphore, #tpu.memory_space<semaphore_mem>>
        %dma_start3A = arith.constant 0 : i32
        %dma_start3A_16 = tpu.memref_slice %arg4[%arg0, %arg1, %scan3A_15, %dma_start3A] : memref<2x16x79x128xi32, #tpu.memory_space<hbm>> -> memref<1x1x1x128xi32, #tpu.memory_space<hbm>>
        %dma_start3A_17 = tpu.memref_squeeze %dma_start3A_16 : memref<1x1x1x128xi32, #tpu.memory_space<hbm>> -> memref<128xi32, #tpu.memory_space<hbm>>
        %dma_start3A_18 = arith.constant 0 : i32
        %dma_start3A_19 = tpu.memref_slice %arg4[%arg0, %arg1, %scan3A_15, %dma_start3A_18] : memref<2x16x79x128xi32, #tpu.memory_space<hbm>> -> memref<1x1x1x128xi32, #tpu.memory_space<hbm>>
        %dma_start3A_20 = tpu.memref_squeeze %dma_start3A_19 : memref<1x1x1x128xi32, #tpu.memory_space<hbm>> -> memref<128xi32, #tpu.memory_space<hbm>>
        tpu.enqueue_dma source(%dma_start3A_20 : memref<128xi32, #tpu.memory_space<hbm>>) target(%arg8 : memref<128xi32, #tpu.memory_space<vmem>>) target_semaphore(%run_scoped3A : memref<!tpu.dma_semaphore, #tpu.memory_space<semaphore_mem>>)
        %dma_wait3A = arith.constant 0 : i32
        %dma_wait3A_21 = tpu.memref_slice %arg4[%arg0, %arg1, %scan3A_15, %dma_wait3A] : memref<2x16x79x128xi32, #tpu.memory_space<hbm>> -> memref<1x1x1x128xi32, #tpu.memory_space<hbm>>
        %dma_wait3A_22 = tpu.memref_squeeze %dma_wait3A_21 : memref<1x1x1x128xi32, #tpu.memory_space<hbm>> -> memref<128xi32, #tpu.memory_space<hbm>>
        %dma_wait3A_23 = arith.constant 0 : i32
        %dma_wait3A_24 = tpu.memref_slice %arg4[%arg0, %arg1, %scan3A_15, %dma_wait3A_23] : memref<2x16x79x128xi32, #tpu.memory_space<hbm>> -> memref<1x1x1x128xi32, #tpu.memory_space<hbm>>
        %dma_wait3A_25 = tpu.memref_squeeze %dma_wait3A_24 : memref<1x1x1x128xi32, #tpu.memory_space<hbm>> -> memref<128xi32, #tpu.memory_space<hbm>>
        tpu.wait_dma2 semaphore(%run_scoped3A : memref<!tpu.dma_semaphore, #tpu.memory_space<semaphore_mem>>) src(%dma_wait3A_25 : memref<128xi32, #tpu.memory_space<hbm>>) dst(%arg8 : memref<128xi32, #tpu.memory_space<vmem>>)
        tpu.yield
      }) : () -> ()
      "tpu.region"() ({
        %run_scoped3A = tpu.sem_alloc : memref<!tpu.dma_semaphore, #tpu.memory_space<semaphore_mem>>
        %dma_start3A = arith.constant 0 : i32
        %dma_start3A_16 = arith.constant 0 : i32
        %dma_start3A_17 = tpu.memref_slice %arg2[%dma_start3A, %dma_start3A_16] : memref<10240x128xf32, #tpu.memory_space<hbm>> -> memref<10240x128xf32, #tpu.memory_space<hbm>>
        tpu.enqueue_indirect_dma source(%dma_start3A_17 : memref<10240x128xf32, #tpu.memory_space<hbm>>) target(%arg9 : memref<128x128xf32, #tpu.memory_space<vmem>>) offsets(%arg7 : memref<128xi32, #tpu.memory_space<vmem>>) semaphore(%run_scoped3A : memref<!tpu.dma_semaphore, #tpu.memory_space<semaphore_mem>>)
        %dma_wait3A = arith.constant 0 : i32
        %dma_wait3A_18 = arith.constant 0 : i32
        %dma_wait3A_19 = tpu.memref_slice %arg2[%dma_wait3A, %dma_wait3A_18] : memref<10240x128xf32, #tpu.memory_space<hbm>> -> memref<10240x128xf32, #tpu.memory_space<hbm>>
        tpu.wait_indirect_dma semaphore(%run_scoped3A : memref<!tpu.dma_semaphore, #tpu.memory_space<semaphore_mem>>) src(%dma_wait3A_19 : memref<10240x128xf32, #tpu.memory_space<hbm>>) dst(%arg9 : memref<128x128xf32, #tpu.memory_space<vmem>>)
        tpu.yield
      }) : () -> ()
      "tpu.region"() ({
        %run_scoped3A = tpu.sem_alloc : memref<!tpu.dma_semaphore, #tpu.memory_space<semaphore_mem>>
        %dma_start3A = arith.constant 0 : i32
        %dma_start3A_16 = arith.constant 0 : i32
        %dma_start3A_17 = tpu.memref_slice %arg10[%dma_start3A, %dma_start3A_16] : memref<10240x128xf32, #tpu.memory_space<vmem_shared>> -> memref<10240x128xf32, #tpu.memory_space<vmem_shared>>
        tpu.enqueue_indirect_dma source(%arg9 : memref<128x128xf32, #tpu.memory_space<vmem>>) target(%dma_start3A_17 : memref<10240x128xf32, #tpu.memory_space<vmem_shared>>) offsets(%arg8 : memref<128xi32, #tpu.memory_space<vmem>>) semaphore(%run_scoped3A : memref<!tpu.dma_semaphore, #tpu.memory_space<semaphore_mem>>) {add = true}
        %dma_wait3A = arith.constant 0 : i32
        %dma_wait3A_18 = arith.constant 0 : i32
        %dma_wait3A_19 = tpu.memref_slice %arg10[%dma_wait3A, %dma_wait3A_18] : memref<10240x128xf32, #tpu.memory_space<vmem_shared>> -> memref<10240x128xf32, #tpu.memory_space<vmem_shared>>
        tpu.wait_indirect_dma semaphore(%run_scoped3A : memref<!tpu.dma_semaphore, #tpu.memory_space<semaphore_mem>>) src(%arg9 : memref<128x128xf32, #tpu.memory_space<vmem>>) dst(%dma_wait3A_19 : memref<10240x128xf32, #tpu.memory_space<vmem_shared>>)
        tpu.yield
      }) : () -> ()
    }
    %scan3A_10 = arith.constant 79 : i32
    %barrier3A_11 = arith.constant 0 : index
    tpu.barrier barrier_id(%barrier3A_11)
    %mul3A = arith.constant 640 : i32
    %mul3A_12 = arith.muli %arg1, %mul3A : i32
    %mul3A_13 = arith.constant 640 : i32
    %mul3A_14 = arith.muli %arg1, %mul3A_13 : i32
    "tpu.region"() ({
      %run_scoped3A = tpu.sem_alloc : memref<!tpu.dma_semaphore, #tpu.memory_space<semaphore_mem>>
      %dma_start3A = arith.constant 0 : i32
      %dma_start3A_15 = tpu.memref_slice %arg6[%arg0, %mul3A_14, %dma_start3A] : memref<2x10240x128xf32, #tpu.memory_space<hbm>> -> memref<1x640x128xf32, #tpu.memory_space<hbm>>
      %dma_start3A_16 = tpu.memref_squeeze %dma_start3A_15 : memref<1x640x128xf32, #tpu.memory_space<hbm>> -> memref<640x128xf32, #tpu.memory_space<hbm>>
      %dma_start3A_17 = arith.constant 0 : i32
      %dma_start3A_18 = tpu.memref_slice %arg10[%mul3A_12, %dma_start3A_17] : memref<10240x128xf32, #tpu.memory_space<vmem_shared>> -> memref<640x128xf32, #tpu.memory_space<vmem_shared>>
      tpu.enqueue_dma source(%dma_start3A_18 : memref<640x128xf32, #tpu.memory_space<vmem_shared>>) target(%dma_start3A_16 : memref<640x128xf32, #tpu.memory_space<hbm>>) target_semaphore(%run_scoped3A : memref<!tpu.dma_semaphore, #tpu.memory_space<semaphore_mem>>)
      %dma_wait3A = arith.constant 0 : i32
      %dma_wait3A_19 = tpu.memref_slice %arg6[%arg0, %mul3A_14, %dma_wait3A] : memref<2x10240x128xf32, #tpu.memory_space<hbm>> -> memref<1x640x128xf32, #tpu.memory_space<hbm>>
      %dma_wait3A_20 = tpu.memref_squeeze %dma_wait3A_19 : memref<1x640x128xf32, #tpu.memory_space<hbm>> -> memref<640x128xf32, #tpu.memory_space<hbm>>
      %dma_wait3A_21 = arith.constant 0 : i32
      %dma_wait3A_22 = tpu.memref_slice %arg10[%mul3A_12, %dma_wait3A_21] : memref<10240x128xf32, #tpu.memory_space<vmem_shared>> -> memref<640x128xf32, #tpu.memory_space<vmem_shared>>
      tpu.wait_dma2 semaphore(%run_scoped3A : memref<!tpu.dma_semaphore, #tpu.memory_space<semaphore_mem>>) src(%dma_wait3A_22 : memref<640x128xf32, #tpu.memory_space<vmem_shared>>) dst(%dma_wait3A_20 : memref<640x128xf32, #tpu.memory_space<hbm>>)
      tpu.yield
    }) : () -> ()
    return
  }
}

#map = affine_map<(d0, d1) -> (0, 0)>
#map1 = affine_map<(d0, d1) -> (0, 0, 0, 0)>
#map2 = affine_map<(d0, d1) -> (0, 0, 0)>
module attributes {stable_mosaic.version = 14 : i64} {
  func.func @_spmm_b_body(%arg0: i32, %arg1: i32, %arg2: memref<10240x128xf32, #tpu.memory_space<hbm>>, %arg3: memref<2x16x79x128xi32, #tpu.memory_space<hbm>>, %arg4: memref<2x16x79x128xi32, #tpu.memory_space<hbm>>, %arg5: memref<640x128xf32, #tpu.memory_space<hbm>>, %arg6: memref<2x10240x128xf32, #tpu.memory_space<hbm>>, %arg7: memref<128xi32, #tpu.memory_space<vmem>>, %arg8: memref<128xi32, #tpu.memory_space<vmem>>, %arg9: memref<128x128xf32, #tpu.memory_space<vmem>>, %arg10: memref<10240x128xf32, #tpu.memory_space<vmem_shared>>) attributes {dimension_semantics = [#tpu.dimension_semantics<core_parallel>, #tpu.dimension_semantics<subcore_parallel>], iteration_bounds = array<i64: 2, 16>, scalar_prefetch = 0 : i64, scratch_operands = 4 : i64, tpu.core_type = #tpu.core_type<sc_vector_subcore>, window_params = [{transform_indices = #map}, {transform_indices = #map1}, {transform_indices = #map1}, {transform_indices = #map}, {transform_indices = #map2}]} {
    %eq3A = arith.constant 0 : i32
    %eq3A_0 = arith.cmpi eq, %arg0, %eq3A : i32
    %convert_element_type3A = arith.extui %eq3A_0 : i1 to i32
    %cond3A = arith.constant 0 : i32
    %cond3A_1 = arith.cmpi ne, %convert_element_type3A, %cond3A : i32
    scf.if %cond3A_1 {
      %mul3A_15 = arith.constant 640 : i32
      %mul3A_16 = arith.muli %arg1, %mul3A_15 : i32
      %mul3A_17 = arith.constant 640 : i32
      %mul3A_18 = arith.muli %arg1, %mul3A_17 : i32
      "tpu.region"() ({
        %run_scoped3A = tpu.sem_alloc : memref<!tpu.dma_semaphore, #tpu.memory_space<semaphore_mem>>
        %dma_start3A = arith.constant 0 : i32
        %dma_start3A_19 = tpu.memref_slice %arg10[%mul3A_18, %dma_start3A] : memref<10240x128xf32, #tpu.memory_space<vmem_shared>> -> memref<640x128xf32, #tpu.memory_space<vmem_shared>>
        %dma_start3A_20 = arith.constant 0 : i32
        %dma_start3A_21 = tpu.memref_slice %arg2[%mul3A_16, %dma_start3A_20] : memref<10240x128xf32, #tpu.memory_space<hbm>> -> memref<640x128xf32, #tpu.memory_space<hbm>>
        tpu.enqueue_dma source(%dma_start3A_21 : memref<640x128xf32, #tpu.memory_space<hbm>>) target(%dma_start3A_19 : memref<640x128xf32, #tpu.memory_space<vmem_shared>>) target_semaphore(%run_scoped3A : memref<!tpu.dma_semaphore, #tpu.memory_space<semaphore_mem>>)
        %dma_wait3A = arith.constant 0 : i32
        %dma_wait3A_22 = tpu.memref_slice %arg10[%mul3A_18, %dma_wait3A] : memref<10240x128xf32, #tpu.memory_space<vmem_shared>> -> memref<640x128xf32, #tpu.memory_space<vmem_shared>>
        %dma_wait3A_23 = arith.constant 0 : i32
        %dma_wait3A_24 = tpu.memref_slice %arg2[%mul3A_16, %dma_wait3A_23] : memref<10240x128xf32, #tpu.memory_space<hbm>> -> memref<640x128xf32, #tpu.memory_space<hbm>>
        tpu.wait_dma2 semaphore(%run_scoped3A : memref<!tpu.dma_semaphore, #tpu.memory_space<semaphore_mem>>) src(%dma_wait3A_24 : memref<640x128xf32, #tpu.memory_space<hbm>>) dst(%dma_wait3A_22 : memref<640x128xf32, #tpu.memory_space<vmem_shared>>)
        tpu.yield
      }) : () -> ()
    } else {
    }
    %ne3A = arith.constant 0 : i32
    %ne3A_2 = arith.cmpi ne, %arg0, %ne3A : i32
    %convert_element_type3A_3 = arith.extui %ne3A_2 : i1 to i32
    %cond3A_4 = arith.constant 0 : i32
    %cond3A_5 = arith.cmpi ne, %convert_element_type3A_3, %cond3A_4 : i32
    scf.if %cond3A_5 {
      %mul3A_15 = arith.constant 640 : i32
      %mul3A_16 = arith.muli %arg1, %mul3A_15 : i32
      "tpu.region"() ({
        %run_scoped3A = tpu.sem_alloc : memref<!tpu.dma_semaphore, #tpu.memory_space<semaphore_mem>>
        %dma_start3A = arith.constant 0 : i32
        %dma_start3A_17 = tpu.memref_slice %arg10[%mul3A_16, %dma_start3A] : memref<10240x128xf32, #tpu.memory_space<vmem_shared>> -> memref<640x128xf32, #tpu.memory_space<vmem_shared>>
        tpu.enqueue_dma source(%arg5 : memref<640x128xf32, #tpu.memory_space<hbm>>) target(%dma_start3A_17 : memref<640x128xf32, #tpu.memory_space<vmem_shared>>) target_semaphore(%run_scoped3A : memref<!tpu.dma_semaphore, #tpu.memory_space<semaphore_mem>>)
        %dma_wait3A = arith.constant 0 : i32
        %dma_wait3A_18 = tpu.memref_slice %arg10[%mul3A_16, %dma_wait3A] : memref<10240x128xf32, #tpu.memory_space<vmem_shared>> -> memref<640x128xf32, #tpu.memory_space<vmem_shared>>
        tpu.wait_dma2 semaphore(%run_scoped3A : memref<!tpu.dma_semaphore, #tpu.memory_space<semaphore_mem>>) src(%arg5 : memref<640x128xf32, #tpu.memory_space<hbm>>) dst(%dma_wait3A_18 : memref<640x128xf32, #tpu.memory_space<vmem_shared>>)
        tpu.yield
      }) : () -> ()
    } else {
    }
    %barrier3A = arith.constant 0 : index
    tpu.barrier barrier_id(%barrier3A)
    %scan3A = arith.constant 0 : i32
    %scan3A_6 = arith.constant 0 : i32
    %scan3A_7 = arith.constant 79 : i32
    %scan3A_8 = arith.addi %scan3A_6, %scan3A_7 : i32
    %scan3A_9 = arith.constant 1 : i32
    scf.for %scan3A_15 = %scan3A_6 to %scan3A_8 step %scan3A_9  : i32 {
      "tpu.region"() ({
        %run_scoped3A = tpu.sem_alloc : memref<!tpu.dma_semaphore, #tpu.memory_space<semaphore_mem>>
        %dma_start3A = arith.constant 0 : i32
        %dma_start3A_16 = tpu.memref_slice %arg3[%arg0, %arg1, %scan3A_15, %dma_start3A] : memref<2x16x79x128xi32, #tpu.memory_space<hbm>> -> memref<1x1x1x128xi32, #tpu.memory_space<hbm>>
        %dma_start3A_17 = tpu.memref_squeeze %dma_start3A_16 : memref<1x1x1x128xi32, #tpu.memory_space<hbm>> -> memref<128xi32, #tpu.memory_space<hbm>>
        %dma_start3A_18 = arith.constant 0 : i32
        %dma_start3A_19 = tpu.memref_slice %arg3[%arg0, %arg1, %scan3A_15, %dma_start3A_18] : memref<2x16x79x128xi32, #tpu.memory_space<hbm>> -> memref<1x1x1x128xi32, #tpu.memory_space<hbm>>
        %dma_start3A_20 = tpu.memref_squeeze %dma_start3A_19 : memref<1x1x1x128xi32, #tpu.memory_space<hbm>> -> memref<128xi32, #tpu.memory_space<hbm>>
        tpu.enqueue_dma source(%dma_start3A_20 : memref<128xi32, #tpu.memory_space<hbm>>) target(%arg7 : memref<128xi32, #tpu.memory_space<vmem>>) target_semaphore(%run_scoped3A : memref<!tpu.dma_semaphore, #tpu.memory_space<semaphore_mem>>)
        %dma_wait3A = arith.constant 0 : i32
        %dma_wait3A_21 = tpu.memref_slice %arg3[%arg0, %arg1, %scan3A_15, %dma_wait3A] : memref<2x16x79x128xi32, #tpu.memory_space<hbm>> -> memref<1x1x1x128xi32, #tpu.memory_space<hbm>>
        %dma_wait3A_22 = tpu.memref_squeeze %dma_wait3A_21 : memref<1x1x1x128xi32, #tpu.memory_space<hbm>> -> memref<128xi32, #tpu.memory_space<hbm>>
        %dma_wait3A_23 = arith.constant 0 : i32
        %dma_wait3A_24 = tpu.memref_slice %arg3[%arg0, %arg1, %scan3A_15, %dma_wait3A_23] : memref<2x16x79x128xi32, #tpu.memory_space<hbm>> -> memref<1x1x1x128xi32, #tpu.memory_space<hbm>>
        %dma_wait3A_25 = tpu.memref_squeeze %dma_wait3A_24 : memref<1x1x1x128xi32, #tpu.memory_space<hbm>> -> memref<128xi32, #tpu.memory_space<hbm>>
        tpu.wait_dma2 semaphore(%run_scoped3A : memref<!tpu.dma_semaphore, #tpu.memory_space<semaphore_mem>>) src(%dma_wait3A_25 : memref<128xi32, #tpu.memory_space<hbm>>) dst(%arg7 : memref<128xi32, #tpu.memory_space<vmem>>)
        tpu.yield
      }) : () -> ()
      "tpu.region"() ({
        %run_scoped3A = tpu.sem_alloc : memref<!tpu.dma_semaphore, #tpu.memory_space<semaphore_mem>>
        %dma_start3A = arith.constant 0 : i32
        %dma_start3A_16 = tpu.memref_slice %arg4[%arg0, %arg1, %scan3A_15, %dma_start3A] : memref<2x16x79x128xi32, #tpu.memory_space<hbm>> -> memref<1x1x1x128xi32, #tpu.memory_space<hbm>>
        %dma_start3A_17 = tpu.memref_squeeze %dma_start3A_16 : memref<1x1x1x128xi32, #tpu.memory_space<hbm>> -> memref<128xi32, #tpu.memory_space<hbm>>
        %dma_start3A_18 = arith.constant 0 : i32
        %dma_start3A_19 = tpu.memref_slice %arg4[%arg0, %arg1, %scan3A_15, %dma_start3A_18] : memref<2x16x79x128xi32, #tpu.memory_space<hbm>> -> memref<1x1x1x128xi32, #tpu.memory_space<hbm>>
        %dma_start3A_20 = tpu.memref_squeeze %dma_start3A_19 : memref<1x1x1x128xi32, #tpu.memory_space<hbm>> -> memref<128xi32, #tpu.memory_space<hbm>>
        tpu.enqueue_dma source(%dma_start3A_20 : memref<128xi32, #tpu.memory_space<hbm>>) target(%arg8 : memref<128xi32, #tpu.memory_space<vmem>>) target_semaphore(%run_scoped3A : memref<!tpu.dma_semaphore, #tpu.memory_space<semaphore_mem>>)
        %dma_wait3A = arith.constant 0 : i32
        %dma_wait3A_21 = tpu.memref_slice %arg4[%arg0, %arg1, %scan3A_15, %dma_wait3A] : memref<2x16x79x128xi32, #tpu.memory_space<hbm>> -> memref<1x1x1x128xi32, #tpu.memory_space<hbm>>
        %dma_wait3A_22 = tpu.memref_squeeze %dma_wait3A_21 : memref<1x1x1x128xi32, #tpu.memory_space<hbm>> -> memref<128xi32, #tpu.memory_space<hbm>>
        %dma_wait3A_23 = arith.constant 0 : i32
        %dma_wait3A_24 = tpu.memref_slice %arg4[%arg0, %arg1, %scan3A_15, %dma_wait3A_23] : memref<2x16x79x128xi32, #tpu.memory_space<hbm>> -> memref<1x1x1x128xi32, #tpu.memory_space<hbm>>
        %dma_wait3A_25 = tpu.memref_squeeze %dma_wait3A_24 : memref<1x1x1x128xi32, #tpu.memory_space<hbm>> -> memref<128xi32, #tpu.memory_space<hbm>>
        tpu.wait_dma2 semaphore(%run_scoped3A : memref<!tpu.dma_semaphore, #tpu.memory_space<semaphore_mem>>) src(%dma_wait3A_25 : memref<128xi32, #tpu.memory_space<hbm>>) dst(%arg8 : memref<128xi32, #tpu.memory_space<vmem>>)
        tpu.yield
      }) : () -> ()
      "tpu.region"() ({
        %run_scoped3A = tpu.sem_alloc : memref<!tpu.dma_semaphore, #tpu.memory_space<semaphore_mem>>
        %dma_start3A = arith.constant 0 : i32
        %dma_start3A_16 = arith.constant 0 : i32
        %dma_start3A_17 = tpu.memref_slice %arg2[%dma_start3A, %dma_start3A_16] : memref<10240x128xf32, #tpu.memory_space<hbm>> -> memref<10240x128xf32, #tpu.memory_space<hbm>>
        tpu.enqueue_indirect_dma source(%dma_start3A_17 : memref<10240x128xf32, #tpu.memory_space<hbm>>) target(%arg9 : memref<128x128xf32, #tpu.memory_space<vmem>>) offsets(%arg7 : memref<128xi32, #tpu.memory_space<vmem>>) semaphore(%run_scoped3A : memref<!tpu.dma_semaphore, #tpu.memory_space<semaphore_mem>>)
        %dma_wait3A = arith.constant 0 : i32
        %dma_wait3A_18 = arith.constant 0 : i32
        %dma_wait3A_19 = tpu.memref_slice %arg2[%dma_wait3A, %dma_wait3A_18] : memref<10240x128xf32, #tpu.memory_space<hbm>> -> memref<10240x128xf32, #tpu.memory_space<hbm>>
        tpu.wait_indirect_dma semaphore(%run_scoped3A : memref<!tpu.dma_semaphore, #tpu.memory_space<semaphore_mem>>) src(%dma_wait3A_19 : memref<10240x128xf32, #tpu.memory_space<hbm>>) dst(%arg9 : memref<128x128xf32, #tpu.memory_space<vmem>>)
        tpu.yield
      }) : () -> ()
      "tpu.region"() ({
        %run_scoped3A = tpu.sem_alloc : memref<!tpu.dma_semaphore, #tpu.memory_space<semaphore_mem>>
        %dma_start3A = arith.constant 0 : i32
        %dma_start3A_16 = arith.constant 0 : i32
        %dma_start3A_17 = tpu.memref_slice %arg10[%dma_start3A, %dma_start3A_16] : memref<10240x128xf32, #tpu.memory_space<vmem_shared>> -> memref<10240x128xf32, #tpu.memory_space<vmem_shared>>
        tpu.enqueue_indirect_dma source(%arg9 : memref<128x128xf32, #tpu.memory_space<vmem>>) target(%dma_start3A_17 : memref<10240x128xf32, #tpu.memory_space<vmem_shared>>) offsets(%arg8 : memref<128xi32, #tpu.memory_space<vmem>>) semaphore(%run_scoped3A : memref<!tpu.dma_semaphore, #tpu.memory_space<semaphore_mem>>) {add = true}
        %dma_wait3A = arith.constant 0 : i32
        %dma_wait3A_18 = arith.constant 0 : i32
        %dma_wait3A_19 = tpu.memref_slice %arg10[%dma_wait3A, %dma_wait3A_18] : memref<10240x128xf32, #tpu.memory_space<vmem_shared>> -> memref<10240x128xf32, #tpu.memory_space<vmem_shared>>
        tpu.wait_indirect_dma semaphore(%run_scoped3A : memref<!tpu.dma_semaphore, #tpu.memory_space<semaphore_mem>>) src(%arg9 : memref<128x128xf32, #tpu.memory_space<vmem>>) dst(%dma_wait3A_19 : memref<10240x128xf32, #tpu.memory_space<vmem_shared>>)
        tpu.yield
      }) : () -> ()
    }
    %scan3A_10 = arith.constant 79 : i32
    %barrier3A_11 = arith.constant 0 : index
    tpu.barrier barrier_id(%barrier3A_11)
    %mul3A = arith.constant 640 : i32
    %mul3A_12 = arith.muli %arg1, %mul3A : i32
    %mul3A_13 = arith.constant 640 : i32
    %mul3A_14 = arith.muli %arg1, %mul3A_13 : i32
    "tpu.region"() ({
      %run_scoped3A = tpu.sem_alloc : memref<!tpu.dma_semaphore, #tpu.memory_space<semaphore_mem>>
      %dma_start3A = arith.constant 0 : i32
      %dma_start3A_15 = tpu.memref_slice %arg6[%arg0, %mul3A_14, %dma_start3A] : memref<2x10240x128xf32, #tpu.memory_space<hbm>> -> memref<1x640x128xf32, #tpu.memory_space<hbm>>
      %dma_start3A_16 = tpu.memref_squeeze %dma_start3A_15 : memref<1x640x128xf32, #tpu.memory_space<hbm>> -> memref<640x128xf32, #tpu.memory_space<hbm>>
      %dma_start3A_17 = arith.constant 0 : i32
      %dma_start3A_18 = tpu.memref_slice %arg10[%mul3A_12, %dma_start3A_17] : memref<10240x128xf32, #tpu.memory_space<vmem_shared>> -> memref<640x128xf32, #tpu.memory_space<vmem_shared>>
      tpu.enqueue_dma source(%dma_start3A_18 : memref<640x128xf32, #tpu.memory_space<vmem_shared>>) target(%dma_start3A_16 : memref<640x128xf32, #tpu.memory_space<hbm>>) target_semaphore(%run_scoped3A : memref<!tpu.dma_semaphore, #tpu.memory_space<semaphore_mem>>)
      %dma_wait3A = arith.constant 0 : i32
      %dma_wait3A_19 = tpu.memref_slice %arg6[%arg0, %mul3A_14, %dma_wait3A] : memref<2x10240x128xf32, #tpu.memory_space<hbm>> -> memref<1x640x128xf32, #tpu.memory_space<hbm>>
      %dma_wait3A_20 = tpu.memref_squeeze %dma_wait3A_19 : memref<1x640x128xf32, #tpu.memory_space<hbm>> -> memref<640x128xf32, #tpu.memory_space<hbm>>
      %dma_wait3A_21 = arith.constant 0 : i32
      %dma_wait3A_22 = tpu.memref_slice %arg10[%mul3A_12, %dma_wait3A_21] : memref<10240x128xf32, #tpu.memory_space<vmem_shared>> -> memref<640x128xf32, #tpu.memory_space<vmem_shared>>
      tpu.wait_dma2 semaphore(%run_scoped3A : memref<!tpu.dma_semaphore, #tpu.memory_space<semaphore_mem>>) src(%dma_wait3A_22 : memref<640x128xf32, #tpu.memory_space<vmem_shared>>) dst(%dma_wait3A_20 : memref<640x128xf32, #tpu.memory_space<hbm>>)
      tpu.yield
    }) : () -> ()
    return
  }
}

module attributes {stable_mosaic.version = 14 : i64} {
  func.func @_mm_first_body(%arg0: i32, %arg1: memref<1024x128xf32, #tpu.memory_space<vmem>>, %arg2: memref<1024x1xf32, #tpu.memory_space<vmem>>, %arg3: memref<128x64xf32, #tpu.memory_space<vmem>>, %arg4: memref<1024x128xf32, #tpu.memory_space<vmem>>) attributes {dimension_semantics = [#tpu.dimension_semantics<arbitrary>], iteration_bounds = array<i64: 10>, scalar_prefetch = 0 : i64, scratch_operands = 0 : i64, tpu.core_type = #tpu.core_type<tc>, window_params = [{transform_indices = @transform_0, window_bounds = array<i64: 1024, 128>}, {transform_indices = @transform_1, window_bounds = array<i64: 1024, 1>}, {pipeline_mode = #tpu.pipeline_mode<synchronous>, transform_indices = @transform_2, window_bounds = array<i64: 128, 64>}, {transform_indices = @transform_3, window_bounds = array<i64: 1024, 128>}]} {
    %get3A = arith.constant 0 : index
    %get3A_0 = arith.constant 0 : index
    %get3A_1 = vector.load %arg2[%get3A, %get3A_0] : memref<1024x1xf32, #tpu.memory_space<vmem>>, vector<1024x1xf32>
    %rsqrt3A = math.rsqrt %get3A_1 : vector<1024x1xf32>
    %get3A_2 = arith.constant 0 : index
    %get3A_3 = arith.constant 0 : index
    %get3A_4 = vector.load %arg1[%get3A_2, %get3A_3] : memref<1024x128xf32, #tpu.memory_space<vmem>>, vector<1024x128xf32>
    %mul3A = vector.broadcast %rsqrt3A : vector<1024x1xf32> to vector<1024x128xf32>
    %mul3A_5 = arith.mulf %get3A_4, %mul3A : vector<1024x128xf32>
    %get3A_6 = arith.constant 0 : index
    %get3A_7 = arith.constant 0 : index
    %get3A_8 = vector.load %arg3[%get3A_6, %get3A_7] : memref<128x64xf32, #tpu.memory_space<vmem>>, vector<128x64xf32>
    %dot_general3A = arith.constant dense<0.000000e+00> : vector<1024x64xf32>
    %dot_general3A_9 = tpu.matmul %mul3A_5, %get3A_8, %dot_general3A {dimension_numbers = #tpu.dot_dimension_numbers<[1], [0], [0], [1], [0, 0, 1, 1], [], []>, precision = #tpu.contract_precision<fp32>, transpose_lhs_hint = false} : vector<1024x128xf32>, vector<128x64xf32>, vector<1024x64xf32> -> vector<1024x64xf32>
    %broadcast_in_dim3A = arith.constant 0.000000e+00 : f32
    %broadcast_in_dim3A_10 = vector.broadcast %broadcast_in_dim3A : f32 to vector<1024x64xf32>
    %concatenate3A = tpu.concatenate %dot_general3A_9, %broadcast_in_dim3A_10 in 1 : vector<1024x64xf32>, vector<1024x64xf32> -> vector<1024x128xf32>
    %swap3A = arith.constant 0 : index
    %swap3A_11 = arith.constant 0 : index
    %swap3A_12 = vector.load %arg4[%swap3A, %swap3A_11] : memref<1024x128xf32, #tpu.memory_space<vmem>>, vector<1024x128xf32>
    tpu.vector_store %arg4[%swap3A, %swap3A_11], %concatenate3A {strides = array<i32>} : memref<1024x128xf32, #tpu.memory_space<vmem>>, vector<1024x128xf32>,
    return
  }
  func.func @transform_0(%arg0: i32) -> (i32, i32) {
    %c0_i32 = arith.constant 0 : i32
    %c0_i32_0 = arith.constant 0 : i32
    return %arg0, %c0_i32 : i32, i32
  }
  func.func @transform_1(%arg0: i32) -> (i32, i32) {
    %c0_i32 = arith.constant 0 : i32
    %c0_i32_0 = arith.constant 0 : i32
    return %arg0, %c0_i32 : i32, i32
  }
  func.func @transform_2(%arg0: i32) -> (i32, i32) {
    %c0_i32 = arith.constant 0 : i32
    %c0_i32_0 = arith.constant 0 : i32
    %c0_i32_1 = arith.constant 0 : i32
    return %c0_i32, %c0_i32_0 : i32, i32
  }
  func.func @transform_3(%arg0: i32) -> (i32, i32) {
    %c0_i32 = arith.constant 0 : i32
    %c0_i32_0 = arith.constant 0 : i32
    return %arg0, %c0_i32 : i32, i32
  }
}

module attributes {stable_mosaic.version = 14 : i64} {
  func.func @_mm_mid_body(%arg0: i32, %arg1: memref<2x1024x128xf32, #tpu.memory_space<vmem>>, %arg2: memref<1024x1xf32, #tpu.memory_space<vmem>>, %arg3: memref<1x64xf32, #tpu.memory_space<vmem>>, %arg4: memref<64x256xf32, #tpu.memory_space<vmem>>, %arg5: memref<2x1024x128xf32, #tpu.memory_space<vmem>>) attributes {dimension_semantics = [#tpu.dimension_semantics<arbitrary>], iteration_bounds = array<i64: 10>, scalar_prefetch = 0 : i64, scratch_operands = 0 : i64, tpu.core_type = #tpu.core_type<tc>, window_params = [{transform_indices = @transform_0, window_bounds = array<i64: 2, 1024, 128>}, {transform_indices = @transform_1, window_bounds = array<i64: 1024, 1>}, {pipeline_mode = #tpu.pipeline_mode<synchronous>, transform_indices = @transform_2, window_bounds = array<i64: 1, 64>}, {pipeline_mode = #tpu.pipeline_mode<synchronous>, transform_indices = @transform_3, window_bounds = array<i64: 64, 256>}, {transform_indices = @transform_4, window_bounds = array<i64: 2, 1024, 128>}]} {
    %get3A = arith.constant 0 : index
    %get3A_0 = arith.constant 0 : index
    %get3A_1 = vector.load %arg2[%get3A, %get3A_0] : memref<1024x1xf32, #tpu.memory_space<vmem>>, vector<1024x1xf32>
    %rsqrt3A = math.rsqrt %get3A_1 : vector<1024x1xf32>
    %get3A_2 = arith.constant 0 : index
    %get3A_3 = arith.constant 0 : index
    %get3A_4 = arith.constant 0 : index
    %get3A_5 = vector.load %arg1[%get3A_2, %get3A_3, %get3A_4] : memref<2x1024x128xf32, #tpu.memory_space<vmem>>, vector<1x1024x128xf32>
    %get3A_6 = vector.shape_cast %get3A_5 : vector<1x1024x128xf32> to vector<1024x128xf32>
    %get3A_7 = arith.constant 1 : index
    %get3A_8 = arith.constant 0 : index
    %get3A_9 = arith.constant 0 : index
    %get3A_10 = vector.load %arg1[%get3A_7, %get3A_8, %get3A_9] : memref<2x1024x128xf32, #tpu.memory_space<vmem>>, vector<1x1024x128xf32>
    %get3A_11 = vector.shape_cast %get3A_10 : vector<1x1024x128xf32> to vector<1024x128xf32>
    %add3A = arith.addf %get3A_6, %get3A_11 : vector<1024x128xf32>
    %slice3A = vector.extract_strided_slice %add3A {offsets = [0, 0], sizes = [1024, 64], strides = [1, 1]} : vector<1024x128xf32> to vector<1024x64xf32>
    %mul3A = vector.broadcast %rsqrt3A : vector<1024x1xf32> to vector<1024x64xf32>
    %mul3A_12 = arith.mulf %slice3A, %mul3A : vector<1024x64xf32>
    %get3A_13 = arith.constant 0 : index
    %get3A_14 = arith.constant 0 : index
    %get3A_15 = vector.load %arg3[%get3A_13, %get3A_14] : memref<1x64xf32, #tpu.memory_space<vmem>>, vector<1x64xf32>
    %add3A_16 = vector.broadcast %get3A_15 : vector<1x64xf32> to vector<1024x64xf32>
    %add3A_17 = arith.addf %mul3A_12, %add3A_16 : vector<1024x64xf32>
    %tanh3A = math.tanh %add3A_17 : vector<1024x64xf32>
    %mul3A_18 = vector.broadcast %rsqrt3A : vector<1024x1xf32> to vector<1024x64xf32>
    %mul3A_19 = arith.mulf %tanh3A, %mul3A_18 : vector<1024x64xf32>
    %get3A_20 = arith.constant 0 : index
    %get3A_21 = arith.constant 0 : index
    %get3A_22 = vector.load %arg4[%get3A_20, %get3A_21] : memref<64x256xf32, #tpu.memory_space<vmem>>, vector<64x256xf32>
    %dot_general3A = arith.constant dense<0.000000e+00> : vector<1024x256xf32>
    %dot_general3A_23 = tpu.matmul %mul3A_19, %get3A_22, %dot_general3A {dimension_numbers = #tpu.dot_dimension_numbers<[1], [0], [0], [1], [0, 0, 1, 1], [], []>, precision = #tpu.contract_precision<fp32>, transpose_lhs_hint = false} : vector<1024x64xf32>, vector<64x256xf32>, vector<1024x256xf32> -> vector<1024x256xf32>
    %slice3A_24 = vector.extract_strided_slice %dot_general3A_23 {offsets = [0, 0], sizes = [1024, 128], strides = [1, 1]} : vector<1024x256xf32> to vector<1024x128xf32>
    %swap3A = arith.constant 0 : index
    %swap3A_25 = arith.constant 0 : index
    %swap3A_26 = arith.constant 0 : index
    %swap3A_27 = vector.load %arg5[%swap3A, %swap3A_25, %swap3A_26] : memref<2x1024x128xf32, #tpu.memory_space<vmem>>, vector<1x1024x128xf32>
    %swap3A_28 = vector.shape_cast %swap3A_27 : vector<1x1024x128xf32> to vector<1024x128xf32>
    %swap3A_29 = vector.shape_cast %slice3A_24 : vector<1024x128xf32> to vector<1x1024x128xf32>
    tpu.vector_store %arg5[%swap3A, %swap3A_25, %swap3A_26], %swap3A_29 {strides = array<i32>} : memref<2x1024x128xf32, #tpu.memory_space<vmem>>, vector<1x1024x128xf32>,
    %slice3A_30 = vector.extract_strided_slice %dot_general3A_23 {offsets = [0, 128], sizes = [1024, 128], strides = [1, 1]} : vector<1024x256xf32> to vector<1024x128xf32>
    %swap3A_31 = arith.constant 1 : index
    %swap3A_32 = arith.constant 0 : index
    %swap3A_33 = arith.constant 0 : index
    %swap3A_34 = vector.load %arg5[%swap3A_31, %swap3A_32, %swap3A_33] : memref<2x1024x128xf32, #tpu.memory_space<vmem>>, vector<1x1024x128xf32>
    %swap3A_35 = vector.shape_cast %swap3A_34 : vector<1x1024x128xf32> to vector<1024x128xf32>
    %swap3A_36 = vector.shape_cast %slice3A_30 : vector<1024x128xf32> to vector<1x1024x128xf32>
    tpu.vector_store %arg5[%swap3A_31, %swap3A_32, %swap3A_33], %swap3A_36 {strides = array<i32>} : memref<2x1024x128xf32, #tpu.memory_space<vmem>>, vector<1x1024x128xf32>,
    return
  }
  func.func @transform_0(%arg0: i32) -> (i32, i32, i32) {
    %c0_i32 = arith.constant 0 : i32
    %c0_i32_0 = arith.constant 0 : i32
    %c0_i32_1 = arith.constant 0 : i32
    return %c0_i32, %arg0, %c0_i32_0 : i32, i32, i32
  }
  func.func @transform_1(%arg0: i32) -> (i32, i32) {
    %c0_i32 = arith.constant 0 : i32
    %c0_i32_0 = arith.constant 0 : i32
    return %arg0, %c0_i32 : i32, i32
  }
  func.func @transform_2(%arg0: i32) -> (i32, i32) {
    %c0_i32 = arith.constant 0 : i32
    %c0_i32_0 = arith.constant 0 : i32
    %c0_i32_1 = arith.constant 0 : i32
    return %c0_i32, %c0_i32_0 : i32, i32
  }
  func.func @transform_3(%arg0: i32) -> (i32, i32) {
    %c0_i32 = arith.constant 0 : i32
    %c0_i32_0 = arith.constant 0 : i32
    %c0_i32_1 = arith.constant 0 : i32
    return %c0_i32, %c0_i32_0 : i32, i32
  }
  func.func @transform_4(%arg0: i32) -> (i32, i32, i32) {
    %c0_i32 = arith.constant 0 : i32
    %c0_i32_0 = arith.constant 0 : i32
    %c0_i32_1 = arith.constant 0 : i32
    return %c0_i32, %arg0, %c0_i32_0 : i32, i32, i32
  }
}

module attributes {stable_mosaic.version = 14 : i64} {
  func.func @_mm_mid_body(%arg0: i32, %arg1: memref<2x1024x128xf32, #tpu.memory_space<vmem>>, %arg2: memref<1024x1xf32, #tpu.memory_space<vmem>>, %arg3: memref<1x256xf32, #tpu.memory_space<vmem>>, %arg4: memref<256x256xf32, #tpu.memory_space<vmem>>, %arg5: memref<2x1024x128xf32, #tpu.memory_space<vmem>>) attributes {dimension_semantics = [#tpu.dimension_semantics<arbitrary>], iteration_bounds = array<i64: 10>, scalar_prefetch = 0 : i64, scratch_operands = 0 : i64, tpu.core_type = #tpu.core_type<tc>, window_params = [{transform_indices = @transform_0, window_bounds = array<i64: 2, 1024, 128>}, {transform_indices = @transform_1, window_bounds = array<i64: 1024, 1>}, {pipeline_mode = #tpu.pipeline_mode<synchronous>, transform_indices = @transform_2, window_bounds = array<i64: 1, 256>}, {pipeline_mode = #tpu.pipeline_mode<synchronous>, transform_indices = @transform_3, window_bounds = array<i64: 256, 256>}, {transform_indices = @transform_4, window_bounds = array<i64: 2, 1024, 128>}]} {
    %get3A = arith.constant 0 : index
    %get3A_0 = arith.constant 0 : index
    %get3A_1 = vector.load %arg2[%get3A, %get3A_0] : memref<1024x1xf32, #tpu.memory_space<vmem>>, vector<1024x1xf32>
    %rsqrt3A = math.rsqrt %get3A_1 : vector<1024x1xf32>
    %get3A_2 = arith.constant 0 : index
    %get3A_3 = arith.constant 0 : index
    %get3A_4 = arith.constant 0 : index
    %get3A_5 = vector.load %arg1[%get3A_2, %get3A_3, %get3A_4] : memref<2x1024x128xf32, #tpu.memory_space<vmem>>, vector<1x1024x128xf32>
    %get3A_6 = vector.shape_cast %get3A_5 : vector<1x1024x128xf32> to vector<1024x128xf32>
    %get3A_7 = arith.constant 1 : index
    %get3A_8 = arith.constant 0 : index
    %get3A_9 = arith.constant 0 : index
    %get3A_10 = vector.load %arg1[%get3A_7, %get3A_8, %get3A_9] : memref<2x1024x128xf32, #tpu.memory_space<vmem>>, vector<1x1024x128xf32>
    %get3A_11 = vector.shape_cast %get3A_10 : vector<1x1024x128xf32> to vector<1024x128xf32>
    %concatenate3A = tpu.concatenate %get3A_6, %get3A_11 in 1 : vector<1024x128xf32>, vector<1024x128xf32> -> vector<1024x256xf32>
    %mul3A = vector.broadcast %rsqrt3A : vector<1024x1xf32> to vector<1024x256xf32>
    %mul3A_12 = arith.mulf %concatenate3A, %mul3A : vector<1024x256xf32>
    %get3A_13 = arith.constant 0 : index
    %get3A_14 = arith.constant 0 : index
    %get3A_15 = vector.load %arg3[%get3A_13, %get3A_14] : memref<1x256xf32, #tpu.memory_space<vmem>>, vector<1x256xf32>
    %add3A = vector.broadcast %get3A_15 : vector<1x256xf32> to vector<1024x256xf32>
    %add3A_16 = arith.addf %mul3A_12, %add3A : vector<1024x256xf32>
    %tanh3A = math.tanh %add3A_16 : vector<1024x256xf32>
    %mul3A_17 = vector.broadcast %rsqrt3A : vector<1024x1xf32> to vector<1024x256xf32>
    %mul3A_18 = arith.mulf %tanh3A, %mul3A_17 : vector<1024x256xf32>
    %get3A_19 = arith.constant 0 : index
    %get3A_20 = arith.constant 0 : index
    %get3A_21 = vector.load %arg4[%get3A_19, %get3A_20] : memref<256x256xf32, #tpu.memory_space<vmem>>, vector<256x256xf32>
    %dot_general3A = arith.constant dense<0.000000e+00> : vector<1024x256xf32>
    %dot_general3A_22 = tpu.matmul %mul3A_18, %get3A_21, %dot_general3A {dimension_numbers = #tpu.dot_dimension_numbers<[1], [0], [0], [1], [0, 0, 1, 1], [], []>, precision = #tpu.contract_precision<fp32>, transpose_lhs_hint = false} : vector<1024x256xf32>, vector<256x256xf32>, vector<1024x256xf32> -> vector<1024x256xf32>
    %slice3A = vector.extract_strided_slice %dot_general3A_22 {offsets = [0, 0], sizes = [1024, 128], strides = [1, 1]} : vector<1024x256xf32> to vector<1024x128xf32>
    %swap3A = arith.constant 0 : index
    %swap3A_23 = arith.constant 0 : index
    %swap3A_24 = arith.constant 0 : index
    %swap3A_25 = vector.load %arg5[%swap3A, %swap3A_23, %swap3A_24] : memref<2x1024x128xf32, #tpu.memory_space<vmem>>, vector<1x1024x128xf32>
    %swap3A_26 = vector.shape_cast %swap3A_25 : vector<1x1024x128xf32> to vector<1024x128xf32>
    %swap3A_27 = vector.shape_cast %slice3A : vector<1024x128xf32> to vector<1x1024x128xf32>
    tpu.vector_store %arg5[%swap3A, %swap3A_23, %swap3A_24], %swap3A_27 {strides = array<i32>} : memref<2x1024x128xf32, #tpu.memory_space<vmem>>, vector<1x1024x128xf32>,
    %slice3A_28 = vector.extract_strided_slice %dot_general3A_22 {offsets = [0, 128], sizes = [1024, 128], strides = [1, 1]} : vector<1024x256xf32> to vector<1024x128xf32>
    %swap3A_29 = arith.constant 1 : index
    %swap3A_30 = arith.constant 0 : index
    %swap3A_31 = arith.constant 0 : index
    %swap3A_32 = vector.load %arg5[%swap3A_29, %swap3A_30, %swap3A_31] : memref<2x1024x128xf32, #tpu.memory_space<vmem>>, vector<1x1024x128xf32>
    %swap3A_33 = vector.shape_cast %swap3A_32 : vector<1x1024x128xf32> to vector<1024x128xf32>
    %swap3A_34 = vector.shape_cast %slice3A_28 : vector<1024x128xf32> to vector<1x1024x128xf32>
    tpu.vector_store %arg5[%swap3A_29, %swap3A_30, %swap3A_31], %swap3A_34 {strides = array<i32>} : memref<2x1024x128xf32, #tpu.memory_space<vmem>>, vector<1x1024x128xf32>,
    return
  }
  func.func @transform_0(%arg0: i32) -> (i32, i32, i32) {
    %c0_i32 = arith.constant 0 : i32
    %c0_i32_0 = arith.constant 0 : i32
    %c0_i32_1 = arith.constant 0 : i32
    return %c0_i32, %arg0, %c0_i32_0 : i32, i32, i32
  }
  func.func @transform_1(%arg0: i32) -> (i32, i32) {
    %c0_i32 = arith.constant 0 : i32
    %c0_i32_0 = arith.constant 0 : i32
    return %arg0, %c0_i32 : i32, i32
  }
  func.func @transform_2(%arg0: i32) -> (i32, i32) {
    %c0_i32 = arith.constant 0 : i32
    %c0_i32_0 = arith.constant 0 : i32
    %c0_i32_1 = arith.constant 0 : i32
    return %c0_i32, %c0_i32_0 : i32, i32
  }
  func.func @transform_3(%arg0: i32) -> (i32, i32) {
    %c0_i32 = arith.constant 0 : i32
    %c0_i32_0 = arith.constant 0 : i32
    %c0_i32_1 = arith.constant 0 : i32
    return %c0_i32, %c0_i32_0 : i32, i32
  }
  func.func @transform_4(%arg0: i32) -> (i32, i32, i32) {
    %c0_i32 = arith.constant 0 : i32
    %c0_i32_0 = arith.constant 0 : i32
    %c0_i32_1 = arith.constant 0 : i32
    return %c0_i32, %arg0, %c0_i32_0 : i32, i32, i32
  }
}

module attributes {stable_mosaic.version = 14 : i64} {
  func.func @_mm_mid_body(%arg0: i32, %arg1: memref<2x1024x128xf32, #tpu.memory_space<vmem>>, %arg2: memref<1024x1xf32, #tpu.memory_space<vmem>>, %arg3: memref<1x256xf32, #tpu.memory_space<vmem>>, %arg4: memref<256x64xf32, #tpu.memory_space<vmem>>, %arg5: memref<1024x128xf32, #tpu.memory_space<vmem>>) attributes {dimension_semantics = [#tpu.dimension_semantics<arbitrary>], iteration_bounds = array<i64: 10>, scalar_prefetch = 0 : i64, scratch_operands = 0 : i64, tpu.core_type = #tpu.core_type<tc>, window_params = [{transform_indices = @transform_0, window_bounds = array<i64: 2, 1024, 128>}, {transform_indices = @transform_1, window_bounds = array<i64: 1024, 1>}, {pipeline_mode = #tpu.pipeline_mode<synchronous>, transform_indices = @transform_2, window_bounds = array<i64: 1, 256>}, {pipeline_mode = #tpu.pipeline_mode<synchronous>, transform_indices = @transform_3, window_bounds = array<i64: 256, 64>}, {transform_indices = @transform_4, window_bounds = array<i64: 1024, 128>}]} {
    %get3A = arith.constant 0 : index
    %get3A_0 = arith.constant 0 : index
    %get3A_1 = vector.load %arg2[%get3A, %get3A_0] : memref<1024x1xf32, #tpu.memory_space<vmem>>, vector<1024x1xf32>
    %rsqrt3A = math.rsqrt %get3A_1 : vector<1024x1xf32>
    %get3A_2 = arith.constant 0 : index
    %get3A_3 = arith.constant 0 : index
    %get3A_4 = arith.constant 0 : index
    %get3A_5 = vector.load %arg1[%get3A_2, %get3A_3, %get3A_4] : memref<2x1024x128xf32, #tpu.memory_space<vmem>>, vector<1x1024x128xf32>
    %get3A_6 = vector.shape_cast %get3A_5 : vector<1x1024x128xf32> to vector<1024x128xf32>
    %get3A_7 = arith.constant 1 : index
    %get3A_8 = arith.constant 0 : index
    %get3A_9 = arith.constant 0 : index
    %get3A_10 = vector.load %arg1[%get3A_7, %get3A_8, %get3A_9] : memref<2x1024x128xf32, #tpu.memory_space<vmem>>, vector<1x1024x128xf32>
    %get3A_11 = vector.shape_cast %get3A_10 : vector<1x1024x128xf32> to vector<1024x128xf32>
    %concatenate3A = tpu.concatenate %get3A_6, %get3A_11 in 1 : vector<1024x128xf32>, vector<1024x128xf32> -> vector<1024x256xf32>
    %mul3A = vector.broadcast %rsqrt3A : vector<1024x1xf32> to vector<1024x256xf32>
    %mul3A_12 = arith.mulf %concatenate3A, %mul3A : vector<1024x256xf32>
    %get3A_13 = arith.constant 0 : index
    %get3A_14 = arith.constant 0 : index
    %get3A_15 = vector.load %arg3[%get3A_13, %get3A_14] : memref<1x256xf32, #tpu.memory_space<vmem>>, vector<1x256xf32>
    %add3A = vector.broadcast %get3A_15 : vector<1x256xf32> to vector<1024x256xf32>
    %add3A_16 = arith.addf %mul3A_12, %add3A : vector<1024x256xf32>
    %tanh3A = math.tanh %add3A_16 : vector<1024x256xf32>
    %mul3A_17 = vector.broadcast %rsqrt3A : vector<1024x1xf32> to vector<1024x256xf32>
    %mul3A_18 = arith.mulf %tanh3A, %mul3A_17 : vector<1024x256xf32>
    %get3A_19 = arith.constant 0 : index
    %get3A_20 = arith.constant 0 : index
    %get3A_21 = vector.load %arg4[%get3A_19, %get3A_20] : memref<256x64xf32, #tpu.memory_space<vmem>>, vector<256x64xf32>
    %dot_general3A = arith.constant dense<0.000000e+00> : vector<1024x64xf32>
    %dot_general3A_22 = tpu.matmul %mul3A_18, %get3A_21, %dot_general3A {dimension_numbers = #tpu.dot_dimension_numbers<[1], [0], [0], [1], [0, 0, 1, 1], [], []>, precision = #tpu.contract_precision<fp32>, transpose_lhs_hint = false} : vector<1024x256xf32>, vector<256x64xf32>, vector<1024x64xf32> -> vector<1024x64xf32>
    %broadcast_in_dim3A = arith.constant 0.000000e+00 : f32
    %broadcast_in_dim3A_23 = vector.broadcast %broadcast_in_dim3A : f32 to vector<1024x64xf32>
    %concatenate3A_24 = tpu.concatenate %dot_general3A_22, %broadcast_in_dim3A_23 in 1 : vector<1024x64xf32>, vector<1024x64xf32> -> vector<1024x128xf32>
    %swap3A = arith.constant 0 : index
    %swap3A_25 = arith.constant 0 : index
    %swap3A_26 = vector.load %arg5[%swap3A, %swap3A_25] : memref<1024x128xf32, #tpu.memory_space<vmem>>, vector<1024x128xf32>
    tpu.vector_store %arg5[%swap3A, %swap3A_25], %concatenate3A_24 {strides = array<i32>} : memref<1024x128xf32, #tpu.memory_space<vmem>>, vector<1024x128xf32>,
    return
  }
  func.func @transform_0(%arg0: i32) -> (i32, i32, i32) {
    %c0_i32 = arith.constant 0 : i32
    %c0_i32_0 = arith.constant 0 : i32
    %c0_i32_1 = arith.constant 0 : i32
    return %c0_i32, %arg0, %c0_i32_0 : i32, i32, i32
  }
  func.func @transform_1(%arg0: i32) -> (i32, i32) {
    %c0_i32 = arith.constant 0 : i32
    %c0_i32_0 = arith.constant 0 : i32
    return %arg0, %c0_i32 : i32, i32
  }
  func.func @transform_2(%arg0: i32) -> (i32, i32) {
    %c0_i32 = arith.constant 0 : i32
    %c0_i32_0 = arith.constant 0 : i32
    %c0_i32_1 = arith.constant 0 : i32
    return %c0_i32, %c0_i32_0 : i32, i32
  }
  func.func @transform_3(%arg0: i32) -> (i32, i32) {
    %c0_i32 = arith.constant 0 : i32
    %c0_i32_0 = arith.constant 0 : i32
    %c0_i32_1 = arith.constant 0 : i32
    return %c0_i32, %c0_i32_0 : i32, i32
  }
  func.func @transform_4(%arg0: i32) -> (i32, i32) {
    %c0_i32 = arith.constant 0 : i32
    %c0_i32_0 = arith.constant 0 : i32
    return %arg0, %c0_i32 : i32, i32
  }
}

module attributes {stable_mosaic.version = 14 : i64} {
  func.func @_mm_mid_body(%arg0: i32, %arg1: memref<2x1024x128xf32, #tpu.memory_space<vmem>>, %arg2: memref<1024x1xf32, #tpu.memory_space<vmem>>, %arg3: memref<1x64xf32, #tpu.memory_space<vmem>>, %arg4: memref<64x128xf32, #tpu.memory_space<vmem>>, %arg5: memref<1024x128xf32, #tpu.memory_space<vmem>>) attributes {dimension_semantics = [#tpu.dimension_semantics<arbitrary>], iteration_bounds = array<i64: 10>, scalar_prefetch = 0 : i64, scratch_operands = 0 : i64, tpu.core_type = #tpu.core_type<tc>, window_params = [{transform_indices = @transform_0, window_bounds = array<i64: 2, 1024, 128>}, {transform_indices = @transform_1, window_bounds = array<i64: 1024, 1>}, {pipeline_mode = #tpu.pipeline_mode<synchronous>, transform_indices = @transform_2, window_bounds = array<i64: 1, 64>}, {pipeline_mode = #tpu.pipeline_mode<synchronous>, transform_indices = @transform_3, window_bounds = array<i64: 64, 128>}, {transform_indices = @transform_4, window_bounds = array<i64: 1024, 128>}]} {
    %get3A = arith.constant 0 : index
    %get3A_0 = arith.constant 0 : index
    %get3A_1 = vector.load %arg2[%get3A, %get3A_0] : memref<1024x1xf32, #tpu.memory_space<vmem>>, vector<1024x1xf32>
    %rsqrt3A = math.rsqrt %get3A_1 : vector<1024x1xf32>
    %get3A_2 = arith.constant 0 : index
    %get3A_3 = arith.constant 0 : index
    %get3A_4 = arith.constant 0 : index
    %get3A_5 = vector.load %arg1[%get3A_2, %get3A_3, %get3A_4] : memref<2x1024x128xf32, #tpu.memory_space<vmem>>, vector<1x1024x128xf32>
    %get3A_6 = vector.shape_cast %get3A_5 : vector<1x1024x128xf32> to vector<1024x128xf32>
    %get3A_7 = arith.constant 1 : index
    %get3A_8 = arith.constant 0 : index
    %get3A_9 = arith.constant 0 : index
    %get3A_10 = vector.load %arg1[%get3A_7, %get3A_8, %get3A_9] : memref<2x1024x128xf32, #tpu.memory_space<vmem>>, vector<1x1024x128xf32>
    %get3A_11 = vector.shape_cast %get3A_10 : vector<1x1024x128xf32> to vector<1024x128xf32>
    %add3A = arith.addf %get3A_6, %get3A_11 : vector<1024x128xf32>
    %slice3A = vector.extract_strided_slice %add3A {offsets = [0, 0], sizes = [1024, 64], strides = [1, 1]} : vector<1024x128xf32> to vector<1024x64xf32>
    %mul3A = vector.broadcast %rsqrt3A : vector<1024x1xf32> to vector<1024x64xf32>
    %mul3A_12 = arith.mulf %slice3A, %mul3A : vector<1024x64xf32>
    %get3A_13 = arith.constant 0 : index
    %get3A_14 = arith.constant 0 : index
    %get3A_15 = vector.load %arg3[%get3A_13, %get3A_14] : memref<1x64xf32, #tpu.memory_space<vmem>>, vector<1x64xf32>
    %add3A_16 = vector.broadcast %get3A_15 : vector<1x64xf32> to vector<1024x64xf32>
    %add3A_17 = arith.addf %mul3A_12, %add3A_16 : vector<1024x64xf32>
    %tanh3A = math.tanh %add3A_17 : vector<1024x64xf32>
    %mul3A_18 = vector.broadcast %rsqrt3A : vector<1024x1xf32> to vector<1024x64xf32>
    %mul3A_19 = arith.mulf %tanh3A, %mul3A_18 : vector<1024x64xf32>
    %get3A_20 = arith.constant 0 : index
    %get3A_21 = arith.constant 0 : index
    %get3A_22 = vector.load %arg4[%get3A_20, %get3A_21] : memref<64x128xf32, #tpu.memory_space<vmem>>, vector<64x128xf32>
    %dot_general3A = arith.constant dense<0.000000e+00> : vector<1024x128xf32>
    %dot_general3A_23 = tpu.matmul %mul3A_19, %get3A_22, %dot_general3A {dimension_numbers = #tpu.dot_dimension_numbers<[1], [0], [0], [1], [0, 0, 1, 1], [], []>, precision = #tpu.contract_precision<fp32>, transpose_lhs_hint = false} : vector<1024x64xf32>, vector<64x128xf32>, vector<1024x128xf32> -> vector<1024x128xf32>
    %swap3A = arith.constant 0 : index
    %swap3A_24 = arith.constant 0 : index
    %swap3A_25 = vector.load %arg5[%swap3A, %swap3A_24] : memref<1024x128xf32, #tpu.memory_space<vmem>>, vector<1024x128xf32>
    tpu.vector_store %arg5[%swap3A, %swap3A_24], %dot_general3A_23 {strides = array<i32>} : memref<1024x128xf32, #tpu.memory_space<vmem>>, vector<1024x128xf32>,
    return
  }
  func.func @transform_0(%arg0: i32) -> (i32, i32, i32) {
    %c0_i32 = arith.constant 0 : i32
    %c0_i32_0 = arith.constant 0 : i32
    %c0_i32_1 = arith.constant 0 : i32
    return %c0_i32, %arg0, %c0_i32_0 : i32, i32, i32
  }
  func.func @transform_1(%arg0: i32) -> (i32, i32) {
    %c0_i32 = arith.constant 0 : i32
    %c0_i32_0 = arith.constant 0 : i32
    return %arg0, %c0_i32 : i32, i32
  }
  func.func @transform_2(%arg0: i32) -> (i32, i32) {
    %c0_i32 = arith.constant 0 : i32
    %c0_i32_0 = arith.constant 0 : i32
    %c0_i32_1 = arith.constant 0 : i32
    return %c0_i32, %c0_i32_0 : i32, i32
  }
  func.func @transform_3(%arg0: i32) -> (i32, i32) {
    %c0_i32 = arith.constant 0 : i32
    %c0_i32_0 = arith.constant 0 : i32
    %c0_i32_1 = arith.constant 0 : i32
    return %c0_i32, %c0_i32_0 : i32, i32
  }
  func.func @transform_4(%arg0: i32) -> (i32, i32) {
    %c0_i32 = arith.constant 0 : i32
    %c0_i32_0 = arith.constant 0 : i32
    return %arg0, %c0_i32 : i32, i32
  }
}

module attributes {stable_mosaic.version = 14 : i64} {
  func.func @_mm_final_body(%arg0: i32, %arg1: memref<2x1024x128xf32, #tpu.memory_space<vmem>>, %arg2: memref<1024x1xf32, #tpu.memory_space<vmem>>, %arg3: memref<1x128xf32, #tpu.memory_space<vmem>>, %arg4: memref<1024x128xf32, #tpu.memory_space<vmem>>) attributes {dimension_semantics = [#tpu.dimension_semantics<arbitrary>], iteration_bounds = array<i64: 10>, scalar_prefetch = 0 : i64, scratch_operands = 0 : i64, tpu.core_type = #tpu.core_type<tc>, window_params = [{transform_indices = @transform_0, window_bounds = array<i64: 2, 1024, 128>}, {transform_indices = @transform_1, window_bounds = array<i64: 1024, 1>}, {pipeline_mode = #tpu.pipeline_mode<synchronous>, transform_indices = @transform_2, window_bounds = array<i64: 1, 128>}, {transform_indices = @transform_3, window_bounds = array<i64: 1024, 128>}]} {
    %get3A = arith.constant 0 : index
    %get3A_0 = arith.constant 0 : index
    %get3A_1 = vector.load %arg2[%get3A, %get3A_0] : memref<1024x1xf32, #tpu.memory_space<vmem>>, vector<1024x1xf32>
    %rsqrt3A = math.rsqrt %get3A_1 : vector<1024x1xf32>
    %get3A_2 = arith.constant 0 : index
    %get3A_3 = arith.constant 0 : index
    %get3A_4 = arith.constant 0 : index
    %get3A_5 = vector.load %arg1[%get3A_2, %get3A_3, %get3A_4] : memref<2x1024x128xf32, #tpu.memory_space<vmem>>, vector<1x1024x128xf32>
    %get3A_6 = vector.shape_cast %get3A_5 : vector<1x1024x128xf32> to vector<1024x128xf32>
    %get3A_7 = arith.constant 1 : index
    %get3A_8 = arith.constant 0 : index
    %get3A_9 = arith.constant 0 : index
    %get3A_10 = vector.load %arg1[%get3A_7, %get3A_8, %get3A_9] : memref<2x1024x128xf32, #tpu.memory_space<vmem>>, vector<1x1024x128xf32>
    %get3A_11 = vector.shape_cast %get3A_10 : vector<1x1024x128xf32> to vector<1024x128xf32>
    %add3A = arith.addf %get3A_6, %get3A_11 : vector<1024x128xf32>
    %mul3A = vector.broadcast %rsqrt3A : vector<1024x1xf32> to vector<1024x128xf32>
    %mul3A_12 = arith.mulf %add3A, %mul3A : vector<1024x128xf32>
    %get3A_13 = arith.constant 0 : index
    %get3A_14 = arith.constant 0 : index
    %get3A_15 = vector.load %arg3[%get3A_13, %get3A_14] : memref<1x128xf32, #tpu.memory_space<vmem>>, vector<1x128xf32>
    %add3A_16 = vector.broadcast %get3A_15 : vector<1x128xf32> to vector<1024x128xf32>
    %add3A_17 = arith.addf %mul3A_12, %add3A_16 : vector<1024x128xf32>
    %swap3A = arith.constant 0 : index
    %swap3A_18 = arith.constant 0 : index
    %swap3A_19 = vector.load %arg4[%swap3A, %swap3A_18] : memref<1024x128xf32, #tpu.memory_space<vmem>>, vector<1024x128xf32>
    tpu.vector_store %arg4[%swap3A, %swap3A_18], %add3A_17 {strides = array<i32>} : memref<1024x128xf32, #tpu.memory_space<vmem>>, vector<1024x128xf32>,
    return
  }
  func.func @transform_0(%arg0: i32) -> (i32, i32, i32) {
    %c0_i32 = arith.constant 0 : i32
    %c0_i32_0 = arith.constant 0 : i32
    %c0_i32_1 = arith.constant 0 : i32
    return %c0_i32, %arg0, %c0_i32_0 : i32, i32, i32
  }
  func.func @transform_1(%arg0: i32) -> (i32, i32) {
    %c0_i32 = arith.constant 0 : i32
    %c0_i32_0 = arith.constant 0 : i32
    return %arg0, %c0_i32 : i32, i32
  }
  func.func @transform_2(%arg0: i32) -> (i32, i32) {
    %c0_i32 = arith.constant 0 : i32
    %c0_i32_0 = arith.constant 0 : i32
    %c0_i32_1 = arith.constant 0 : i32
    return %c0_i32, %c0_i32_0 : i32, i32
  }
  func.func @transform_3(%arg0: i32) -> (i32, i32) {
    %c0_i32 = arith.constant 0 : i32
    %c0_i32_0 = arith.constant 0 : i32
    return %arg0, %c0_i32 : i32, i32
  }
}

</mosaic_0001>

<sc_bundles>
// kernel: kernel.14.cloned.1.call-start
scs
__scs_entry_jumppad:
0x0: {  	(pc) =	sbr.rel $0x88, $3  }
0x1: {  	(tag) =	ssettag $0x0;
	lr =	simm.s32 $0x1  }
0x2: {  	[smem:$0x3F95] =	sst lr;
	_ =	strace $0xD0000000  }
0x3: {  	_ = 	snop  }
0x4: {  	_ = 	snop  }
0x5: {  	_ = 	snop  }
0x6: {  	_ = 	snop  }
0x7: {  	_ = 	snop  }
__scs_overlays_trampoline_lowered:
0x8: {  	[smem:$0x3FA4] =	sst s0  }
0x9: {  	[smem:$0x3FA5] =	sst s1  }
0xa: {  	[smem:$0x3FA6] =	sst s2  }
0xb: {  	[smem:$0x3FA7] =	sst s3  }
0xc: {  	[smem:$0x3FA8] =	sst s4  }
0xd: {  	[smem:$0x3FA9] =	sst s5  }
0xe: {  	[smem:$0x3FAA] =	sst s6  }
0xf: {  	[smem:$0x3FAB] =	sst s7  }
0x10: {  	[smem:$0x3FAC] =	sst s8  }
0x11: {  	[smem:$0x3FAD] =	sst s9;
	s0 =	simm.s32 @!p0 $0x0  }
0x12: {  	s1 =	sld [smem:$0x3F93];
	s0 =	simm.s32 @p0 $0x1  }
0x13: {  	[smem:$0x3FAE] =	sst s0;
	s0 =	simm.s32 @!p1 $0x0  }
0x14: {  	s2 =	sld [smem:$0x3F92];
	s0 =	simm.s32 @p1 $0x1  }
0x15: {  	[smem:$0x3FAF] =	sst s0;
	s0 =	simm.s32 @!p2 $0x0  }
0x16: {  	s3 =	sld [smem:$0x3FDB];
	s0 =	simm.s32 @p2 $0x1  }
0x17: {  	s4 =	simm.s32 $0x1BF5;
	[smem:$0x3FB1] =	sst s0  }
0x18: {  	s0 =	sld [smem:$0x3F94];
	_ =	swait.ge [sflag:s4], $0x0  }
0x19: {  	s7 =	sld [smem:$0x3F95]  }
0x1a: {  	s8 =	sadd.s32 $0xFFFFE003, lr  }
0x1b: {  	s9 =	sadd.s32 $0xFFFFFEF7, lr;
	s5 =	simm.s32 $0xFFFFFFFF;
	p2 =	slt.u32 s8, $0xFFFFF086  }
0x1c: {  	p1 =	slt.u32 s9, $0xF7A;
	s5 =	simm.s32 @!p2 $0x0  }
0x1d: {  	s5 =	simm.s32 @p1 $0x1;
	p0 =	seq.s32 s7, s2  }
0x1e: {  	s7 =	smul.u32 @!p0 $0xF7A, s2;
	p2 =	seq.s32 @!p0 s5, $0x0  }
0x1f: {  	s9 =	smul.u32 $0xF7A, s1;
	s8 =	simm.s32 @!p0 $0x1BF5;
	p2 =	por !p2, p0  }
0x20: {  	[sflag:s8] =	ssyncset.s32 @!p0 $0xFFFFF086;
	s6 =	sadd.s32 @!p0 s3, s7;
	s7 =	simm.s32 @!p0 $0x108  }
0x21: {  	s3 =	sadd.s32 s3, s9;
	s6 =	sadd.s32 @!p0 $0x88, s6;
	s7 =	simm.s32 @p2 $0x1082  }
0x22: {  	[simem:s7], [sflag:s8] =	dma.local @!p0 [hbm:s6], $0xF7A  }
0x23: {  	s9 =	sor.u32 $0xD0000000, s2;
	s6 =	simm.s32 $0x108;
	_ =	swait.ge @!p0 [sflag:s8], $0x0  }
0x24: {  	s3 =	sadd.s32 $0x88, s3;
	s6 =	simm.s32 @!p1 $0x1082;
	[sflag:s4] =	ssyncset.s32 $0xFFFFF086  }
0x25: {  	[simem:s6], [sflag:s4] =	dma.local [hbm:s3], $0xF7A  }
0x26: {  	[smem:$0x3F95] =	sst s1;
	(tag) =	ssettag s2;
	_ =	strace s9  }
0x27: {  	s1 =	sld [smem:$0x3FA5]  }
0x28: {  	s2 =	sld [smem:$0x3FA6]  }
0x29: {  	s4 =	sld [smem:$0x3FA8]  }
0x2a: {  	p0 =	seq.s32 s5, $0x0;
	s5 =	sld [smem:$0x3FA9]  }
0x2b: {  	s6 =	sld [smem:$0x3FAA]  }
0x2c: {  	s7 =	sld [smem:$0x3FAB]  }
0x2d: {  	s3 =	simm.s32 $0x108;
	s8 =	sld [smem:$0x3FAC]  }
0x2e: {  	s3 =	simm.s32 @!p0 $0x1082;
	s9 =	sld [smem:$0x3FAD]  }
0x2f: {  	lr =	sadd.s32 s0, s3;
	s0 =	sld [smem:$0x3FA4]  }
0x30: {  	s3 =	sld [smem:$0x3FA7]  }
0x31: {  	[smem:$0x3FB0] =	sst s10  }
0x32: {  	s10 =	sld [smem:$0x3FAE];
	_ =	sdelay $0x3  }
0x33: {  	p0 =	seq.s32 s10, $0x1;
	s10 =	sld [smem:$0x3FB0];
	_ =	sdelay $0x3  }
0x34: {  	[smem:$0x3FB0] =	sst s10  }
0x35: {  	s10 =	sld [smem:$0x3FAF];
	_ =	sdelay $0x3  }
0x36: {  	p1 =	seq.s32 s10, $0x1;
	s10 =	sld [smem:$0x3FB0];
	_ =	sdelay $0x3  }
0x37: {  	[smem:$0x3FB0] =	sst s10  }
0x38: {  	s10 =	sld [smem:$0x3FB1]  }
0x39: {  	_ = 	snop;
	(pc) =	sbr.ind lr, $3  }
0x3a: {  	_ = 	snop  }
0x3b: {  	_ = 	snop  }
0x3c: {  	p2 =	seq.s32 s10, $0x1;
	s10 =	sld [smem:$0x3FB0]  }
0x3d: {  	_ =	shalt  }
0x3e: {  	_ =	shalt  }
0x3f: {  	_ =	shalt  }
0x40: {  	_ =	shalt  }
0x41: {  	_ =	shalt  }
0x42: {  	_ =	shalt  }
0x43: {  	_ =	shalt  }
0x44: {  	_ =	shalt  }
0x45: {  	_ =	shalt  }
0x46: {  	_ =	shalt  }
0x47: {  	_ =	shalt  }
0x48: {  	_ =	shalt  }
0x49: {  	_ =	shalt  }
0x4a: {  	_ =	shalt  }
0x4b: {  	_ =	shalt  }
0x4c: {  	_ =	shalt  }
0x4d: {  	_ =	shalt  }
0x4e: {  	_ =	shalt  }
0x4f: {  	_ =	shalt  }
0x50: {  	_ =	shalt  }
0x51: {  	_ =	shalt  }
0x52: {  	_ =	shalt  }
0x53: {  	_ =	shalt  }
0x54: {  	_ =	shalt  }
0x55: {  	_ =	shalt  }
0x56: {  	_ =	shalt  }
0x57: {  	_ =	shalt  }
0x58: {  	_ =	shalt  }
0x59: {  	_ =	shalt  }
0x5a: {  	_ =	shalt  }
0x5b: {  	_ =	shalt  }
0x5c: {  	_ =	shalt  }
0x5d: {  	_ =	shalt  }
0x5e: {  	_ =	shalt  }
0x5f: {  	_ =	shalt  }
0x60: {  	_ =	shalt  }
0x61: {  	_ =	shalt  }
0x62: {  	_ =	shalt  }
0x63: {  	_ =	shalt  }
0x64: {  	_ =	shalt  }
0x65: {  	_ =	shalt  }
0x66: {  	_ =	shalt  }
0x67: {  	_ =	shalt  }
0x68: {  	_ =	shalt  }
0x69: {  	_ =	shalt  }
0x6a: {  	_ =	shalt  }
0x6b: {  	_ =	shalt  }
0x6c: {  	_ =	shalt  }
0x6d: {  	_ =	shalt  }
0x6e: {  	_ =	shalt  }
0x6f: {  	_ =	shalt  }
0x70: {  	_ =	shalt  }
0x71: {  	_ =	shalt  }
0x72: {  	_ =	shalt  }
0x73: {  	_ =	shalt  }
0x74: {  	_ =	shalt  }
0x75: {  	_ =	shalt  }
0x76: {  	_ =	shalt  }
0x77: {  	_ =	shalt  }
0x78: {  	_ =	shalt  }
0x79: {  	_ =	shalt  }
0x7a: {  	_ =	shalt  }
0x7b: {  	_ =	shalt  }
0x7c: {  	_ =	shalt  }
0x7d: {  	_ =	shalt  }
0x7e: {  	_ =	shalt  }
0x7f: {  	_ =	shalt  }
0x80: {  	_ =	shalt  }
0x81: {  	_ =	shalt  }
0x82: {  	_ =	shalt  }
0x83: {  	_ =	shalt  }
0x84: {  	_ =	shalt  }
0x85: {  	_ =	shalt  }
0x86: {  	_ =	shalt  }
0x87: {  	_ =	shalt  }
.Lfunc_end0:
.L_simem_size_0:
called_computation_lowered:
.L_overlay_start_0:
0x88: {  	s2 =	sld [smem:$0x3FD9]  }
0x89: {  	s3 =	sld [smem:$0x3FFE];
	_ =	sdelay $0x1  }
0x8a: {  	s1 =	srdreg.scid  }
0x8b: {  	s0 =	sand.u32 $0x1, s1  }
0x8c: {  	s17 =	sshll.u32 s0, $0xA;
	s2 =	sadd.s32 s3, s2  }
0x8d: {  	s2 =	sadd.s32 s2, s17  }
0x8e: {  	[smem:$0x3FBC] =	sst s2  }
0x8f: {  	_ = 	snop  }
0x90: {  	s2 =	sld [smem:$0x3FD0];
	(tm) =	ssettm $0x1  }
0x91: {  	s18 =	sld [smem:$0x3FFB];
	_ =	sdelay $0x3  }
0x92: {  	_ =	strace s18  }
0x93: {  	s3 =	sld [smem:$0x3FFC];
	_ =	sdelay $0x3  }
0x94: {  	_ =	strace s3  }
0x95: {  	s3 =	sld [smem:$0x3FFD];
	_ =	sdelay $0x3  }
0x96: {  	_ =	strace s3  }
0x97: {  	_ =	strace $0x8FFFFFFF  }
0x98: {  	s19 =	sld [smem:$0x3FDB];
	_ =	sdelay $0x1  }
0x99: {  	s4 =	simm.s32 $_scs_section_size  }
0x9a: {  	s5 =	simm.s32 $_size__tile_overlayer_lowered;
	s6 =	simm.s32 $_tile_overlayer_lowered  }
0x9b: {  	s22 =	simm.s32 $0x1BFF;
	s21 =	sshll.u32 s6, $0x1;
	s3 =	sadd.s32 s4, s19  }
0x9c: {  	s7 =	simm.s32 $0x0;
	s20 =	sshll.u32 s5, $0x1;
	s5 =	sadd.s32 s21, s3  }
0x9d: {  	[timem:s7], [sflag:s22] =	dma.local [hbm:s5], s20  }
0x9e: {  	_ =	swait.ge [sflag:s22], s20  }
0x9f: {  	s4 =	ssub.s32 $0x0, s20;
	[sflag:s22] =	ssyncset.done $0x0  }
0xa0: {  	[sflag:s22] =	ssyncadd.s32 s4;
	_ =	sdelay $0x1  }
0xa1: {  	s23 =	simm.s32 $0x1B8B  }
0xa2: {  	_ =	swait.ge [sflag:s23], $0x1  }
0xa3: {  	[sflag:s23] =	ssyncset.done $0x0  }
0xa4: {  	s25 =	simm.s32 $0x1B8E;
	s24 =	sld [smem:$0x3FFE];
	[sflag:s23] =	ssyncadd.s32 $0xFFFFFFFF  }
0xa5: {  	s26 =	simm.s32 $execute0_lowered;
	[smem:$0x3FD2] =	sst s25  }
0xa6: {  	s5 =	sshll.u32 s26, $0x1;
	_ =	strace $0x80000046;
	[dreg:$0x1] =	wrdreg $0xFFFFFFFF  }
0xa7: {  	s28 =	simm.s32 $_size_execute0_lowered;
	s3 =	sadd.s32 s3, s5;
	[dreg:$0x0] =	wrdreg $0x0  }
0xa8: {  	s5 =	sshll.u32 s28, $0x1;
	[dreg:$0x2] =	wrdreg s3  }
0xa9: {  	[dreg:$0x3] =	wrdreg s5  }
0xaa: {  	[dreg:$0x4] =	wrdreg $0xC0  }
0xab: {  	_ =	task [dreg:s7], $0x5FFFF  }
0xac: {  	[dreg:$0x1] =	wrdreg $0xFFFFFFFF  }
0xad: {  	[dreg:$0x0] =	wrdreg $0x60  }
0xae: {  	[dreg:$0x2] =	wrdreg s2  }
0xaf: {  	[dreg:$0x3] =	wrdreg s24  }
0xb0: {  	[dreg:$0x4] =	wrdreg $0x40800  }
0xb1: {  	[dreg:$0x5] =	wrdreg $0x9  }
0xb2: {  	_ =	task.clear_ibuf [dreg:s7], $0x6FFFF;
	_ =	strace $0x90000046  }
0xb3: {  	s29 =	simm.s32 $0x9;
	_ =	strace $0x80000048  }
0xb4: {  	_ =	swait.ge [sflag:s29], $0x1  }
0xb5: {  	[sflag:s29] =	ssyncadd.s32 $0xFFFFFFFF  }
0xb6: {  	_ =	strace $0x90000048  }
0xb7: {  	_ =	sfence  }
0xb8: {  	s30 =	sld [smem:$0x0];
	_ =	sdelay $0x2  }
0xb9: {  	s31 =	sshll.u32 s1, $0xD;
	s1 =	sshrl.u32 s1, $0x2  }
0xba: {  	s3 =	sand.u32 $0x4000, s31;
	s1 =	sadd.s32 s1, s30  }
0xbb: {  	s0 =	sor.u32 s3, s0;
	s1 =	sshll.u32 s1, $0x11  }
0xbc: {  	s0 =	sor.u32 s1, s0  }
0xbd: {  	s0 =	sadd.s32 $0x8F2B, s0  }
0xbe: {  	[sflag:s0] =	ssyncadd.remote.s32 $0x1  }
0xbf: {  	_ =	sfence.sel $0xFFFF  }
0xc0: {  	[dreg:$0x0] =	wrdreg $0xFFFFFFFF;
	(pc) =	sbr.abs _section_cstart, $3  }
0xc1: {  	[dreg:$0x1] =	wrdreg $0xFFFFFFFF  }
0xc2: {  	_ =	task.clear_ibuf [dreg:s7], $0x2FFFF;
	_ =	strace $0x9FFFFFFF  }
0xc3: {  	(tm) =	ssettm $0x7FFFFFFF  }
tec
execute0_lowered:
.L_overlay_start_1:
0x0: {  	(tag) =	ssettag $0x1  }
0x1: {  	s1 =	rddreg [dreg:$0x0]  }
0x2: {  	s7 =	rddreg [dreg:$0x1];
	s3 =	srdreg.scid  }
0x3: {  	s2 =	rddreg [dreg:$0x2];
	s8 =	sand.u32 $0x1, s3  }
0x4: {  	s3 =	stileid.u32;
	s9 =	smul.u32 $0x140000, s8  }
0x5: {  	s0 =	rddreg [dreg:$0x3];
	s4 =	simm.s32 $0x0;
	s10 =	smul.u32 $0x14000, s3  }
0x6: {  	[smem:$0x7FF] =	sst s4;
	s11 =	smul.u32 $0x50000, s3  }
0x7: {  	s5 =	sadd.s32 $0x2A00, s7;
	s6 =	sadd.s32 $0xCA00, s7;
	s12 =	smul.u32 $0x28000, s8  }
0x8: {  	_ =	strace $0x80000047;
	s29 =	ssub.s32 $0x2, s8;
	s14 =	smul.u32 $0x2800, s3  }
0x9: {  	p0 =	seq.s32 s8, $0x0;
	s31 =	sshll.u32 s3, $0x6;
	s13 =	sshrl.u32 s29, $0x1  }
0xa: {  	s6 =	smov.u32 @p0 s1;
	s9 =	sadd.s32 s10, s9;
	s10 =	ssub.s32 s29, s13  }
0xb: {  	s30 =	sshrl.u32 s11, $0x2;
	s13 =	simm.s32 $0x80;
	s9 =	sshrl.u32 s9, $0x3  }
0xc: {  	s11 =	sadd.s32 s30, s2;
	s9 =	sadd.s32 s9, s7;
	s7 =	sadd.s32 s14, s12  }
0xd: {  	s11 =	sshrl.u32 s11, $0x3;
	s12 =	simm.s32 $0x1;
	s14 =	simm.s32 $0x0  }
0xe: {  	s8 =	sadd.s32 $0xF200, s9;
	s9 =	smax.u32 s10, $0x1;
	s10 =	sor.u32 $0x1C01, s31  }
.LBB2_1:
0xf: {  	[spmem:s11], [sflag:s10] =	dma.local [hbm:s6], $0x2800  }
0x10: {  	_ =	swait.ge [sflag:s12], $0x2800  }
0x11: {  	[sflag:s12] =	ssyncset.done $0x0  }
0x12: {  	s15 =	sand.u32 $0x3C00, s4;
	[sflag:s12] =	ssyncadd.s32 $0xFFFFD800  }
0x13: {  	[tilespmem:s13], [sflag:$0x1] =	stream.linear.gather [hbm4b:s1+s4], $0x4000, $0x38;
	[tilespmem:$0x18080] =	vst v63  }
0x14: {  	s16 =	sand.u32 $0x380, s4;
	s15 =	sadd.s32 s15, s7;
	_ =	swait.ge [sflag:s12], $0x4000  }
0x15: {  	s15 =	sor.u32 s16, s15;
	[sflag:s12] =	ssyncset.done $0x0  }
0x16: {  	s15 =	sshrl.u32 s15, $0x3;
	[sflag:s12] =	ssyncadd.s32 $0xFFFFC000  }
0x17: {  	s15 =	sadd.s32 s5, s15;
	[bflag:$0x0] =	sbarrier.arrive $0xFFFF  }
0x18: {  	[tilespmem:s4], [sflag:$0x1] =	stream.linear.gather [hbm4b:s15+s4], $0x80, $0x38;
	[tilespmem:$0x18080] =	vst v63  }
0x19: {  	_ =	swait.ge [sflag:s12], $0x80  }
0x1a: {  	s30 =	simm.s32 $0x80;
	[sflag:s12] =	ssyncset.done $0x0  }
0x1b: {  	s31 =	sand.u32 $0x3C00, s30;
	[sflag:s12] =	ssyncadd.s32 $0xFFFFFF80  }
0x1c: {  	[spmem:s2] =	stream.indirect.scatter.add.f32 [tilespmem:s13], [sflag:$0x1], $0x80, s4, s13, $0xb8;
	[tilespmem:$0x18080] =	vst v63  }
0x1d: {  	s17 =	sand.u32 $0x380, s30;
	s16 =	sadd.s32 s31, s7;
	_ =	swait.ge [sflag:s12], $0x4000  }
0x1e: {  	s16 =	sor.u32 s17, s16;
	s15 =	simm.s32 $0x100;
	[sflag:s12] =	ssyncset.done $0x0  }
.LBB2_2:
0x1f: {  	s16 =	sshrl.u32 s16, $0x3  }
0x20: {  	[sflag:s12] =	ssyncadd.s32 $0xFFFFC000;
	s17 =	smov.u32 s15;
	s18 =	sadd.s32 $0x80, s15  }
0x21: {  	p0 =	sne.s32 s15, $0x2700;
	s15 =	sadd.s32 s5, s16  }
0x22: {  	[tilespmem:s4], [sflag:$0x1] =	stream.linear.gather [hbm4b:s15+s4], $0x80, $0x38;
	[tilespmem:$0x18080] =	vst v63  }
0x23: {  	_ =	swait.ge [sflag:s12], $0x80  }
.Ltmp0:
0x24: {  	[sflag:s12] =	ssyncset.done $0x0;
	(pc) =	sbr.rel @p0 .LBB2_2-.Ltmp0, $4  }
0x25: {  	s15 =	sand.u32 $0x3C00, s17;
	[sflag:s12] =	ssyncadd.s32 $0xFFFFFF80  }
0x26: {  	[spmem:s2] =	stream.indirect.scatter.add.f32 [tilespmem:s13], [sflag:$0x1], $0x80, s4, s13, $0xb8;
	[tilespmem:$0x18080] =	vst v63  }
0x27: {  	s16 =	sand.u32 $0x380, s17;
	s15 =	sadd.s32 s15, s7;
	_ =	swait.ge [sflag:s12], $0x4000  }
0x28: {  	s16 =	sor.u32 s16, s15;
	s15 =	smov.u32 s18;
	[sflag:s12] =	ssyncset.done $0x0  }
0x29: {  	s15 =	sshrl.u32 s16, $0x3  }
0x2a: {  	[sflag:s12] =	ssyncadd.s32 $0xFFFFC000;
	s15 =	sadd.s32 s5, s15  }
0x2b: {  	[tilespmem:s4], [sflag:$0x1] =	stream.linear.gather [hbm4b:s15+s4], $0x80, $0x38;
	[tilespmem:$0x18080] =	vst v63  }
0x2c: {  	_ =	swait.ge [sflag:s12], $0x80  }
0x2d: {  	[sflag:s12] =	ssyncset.done $0x0  }
0x2e: {  	[sflag:s12] =	ssyncadd.s32 $0xFFFFFF80  }
0x2f: {  	[spmem:s2] =	stream.indirect.scatter.add.f32 [tilespmem:s13], [sflag:$0x1], $0x80, s4, s13, $0xb8;
	[tilespmem:$0x18080] =	vst v63  }
0x30: {  	_ =	swait.ge [sflag:s12], $0x4000  }
0x31: {  	s14 =	sadd.s32 $0x1, s14;
	[sflag:s12] =	ssyncset.done $0x0  }
0x32: {  	p0 =	sne.s32 s14, s9;
	[sflag:s12] =	ssyncadd.s32 $0xFFFFC000  }
.Ltmp1:
0x33: {  	[bflag:$0x0] =	sbarrier.arrive $0xFFFF;
	(pc) =	sbr.rel @p0 .LBB2_1-.Ltmp1, $4  }
0x34: {  	[hbm:s8], [sflag:s10] =	dma.local [spmem:s11], $0x2800  }
0x35: {  	_ =	swait.ge [sflag:s12], $0x2800  }
0x36: {  	[sflag:s12] =	ssyncset.done $0x0  }
0x37: {  	[sflag:s12] =	ssyncadd.s32 $0xFFFFD800  }
0x38: {  	_ =	sfence.sel $0x180000  }
0x39: {  	[bflag:$0x0] =	sbarrier.arrive $0xFFFF  }
0x3a: {  	p0 =	sne.s32 s3, $0x0;
	_ =	strace $0x90000047  }
0x3b: {  	s0 =	sadd.s32 @!p0 $0x100000, s0;
	[bflag:$0x2] =	sbarrier.arrive $0xFFFF  }
0x3c: {  	[sflag:s0] =	ssyncadd.tile.s32 @!p0 $0x1;
	_ =	shalt  }
.Lfunc_end2:
_tile_overlayer_lowered:
.L_overlay_start_2:
0x3d: {  	(tag) =	ssettag $0x2  }
0x3e: {  	s0 =	rddreg [dreg:$0x0];
	s2 =	stileid.u32  }
0x3f: {  	s1 =	rddreg [dreg:$0x1];
	p0 =	sne.s32 s2, $0x0  }
0x40: {  	s3 =	rddreg [dreg:$0x2];
	[bflag:$0x3] =	sbarrier.arrive $0xFFFF;
	s2 =	simm.s32 @!p0 $0x1C01  }
0x41: {  	[timem:s3], [sflag:s2] =	dma.local @!p0 [hbm:s0], s1  }
0x42: {  	s0 =	simm.s32 @!p0 $0x1  }
0x43: {  	_ =	swait.ge @!p0 [sflag:s0], s1  }
0x44: {  	s1 =	ssub.s32 @!p0 $0x0, s1;
	[sflag:s0] =	ssyncset.done @!p0 $0x0  }
0x45: {  	[sflag:s0] =	ssyncadd.s32 @!p0 s1  }
0x46: {  	[bflag:$0x3] =	sbarrier.arrive $0xFFFF  }
0x47: {  	_ =	shalt  }

// kernel: kernel.17.cloned.1.call-start
scs
__scs_entry_jumppad:
0x0: {  	(pc) =	sbr.rel $0x88, $3  }
0x1: {  	(tag) =	ssettag $0x0;
	lr =	simm.s32 $0x1  }
0x2: {  	[smem:$0x3F95] =	sst lr;
	_ =	strace $0xD0000000  }
0x3: {  	_ = 	snop  }
0x4: {  	_ = 	snop  }
0x5: {  	_ = 	snop  }
0x6: {  	_ = 	snop  }
0x7: {  	_ = 	snop  }
__scs_overlays_trampoline_lowered:
0x8: {  	[smem:$0x3FA4] =	sst s0  }
0x9: {  	[smem:$0x3FA5] =	sst s1  }
0xa: {  	[smem:$0x3FA6] =	sst s2  }
0xb: {  	[smem:$0x3FA7] =	sst s3  }
0xc: {  	[smem:$0x3FA8] =	sst s4  }
0xd: {  	[smem:$0x3FA9] =	sst s5  }
0xe: {  	[smem:$0x3FAA] =	sst s6  }
0xf: {  	[smem:$0x3FAB] =	sst s7  }
0x10: {  	[smem:$0x3FAC] =	sst s8  }
0x11: {  	[smem:$0x3FAD] =	sst s9;
	s0 =	simm.s32 @!p0 $0x0  }
0x12: {  	s1 =	sld [smem:$0x3F93];
	s0 =	simm.s32 @p0 $0x1  }
0x13: {  	[smem:$0x3FAE] =	sst s0;
	s0 =	simm.s32 @!p1 $0x0  }
0x14: {  	s2 =	sld [smem:$0x3F92];
	s0 =	simm.s32 @p1 $0x1  }
0x15: {  	[smem:$0x3FAF] =	sst s0;
	s0 =	simm.s32 @!p2 $0x0  }
0x16: {  	s3 =	sld [smem:$0x3FDB];
	s0 =	simm.s32 @p2 $0x1  }
0x17: {  	s4 =	simm.s32 $0x1BF5;
	[smem:$0x3FB1] =	sst s0  }
0x18: {  	s0 =	sld [smem:$0x3F94];
	_ =	swait.ge [sflag:s4], $0x0  }
0x19: {  	s7 =	sld [smem:$0x3F95]  }
0x1a: {  	s8 =	sadd.s32 $0xFFFFE003, lr  }
0x1b: {  	s9 =	sadd.s32 $0xFFFFFEF7, lr;
	s5 =	simm.s32 $0xFFFFFFFF;
	p2 =	slt.u32 s8, $0xFFFFF086  }
0x1c: {  	p1 =	slt.u32 s9, $0xF7A;
	s5 =	simm.s32 @!p2 $0x0  }
0x1d: {  	s5 =	simm.s32 @p1 $0x1;
	p0 =	seq.s32 s7, s2  }
0x1e: {  	s7 =	smul.u32 @!p0 $0xF7A, s2;
	p2 =	seq.s32 @!p0 s5, $0x0  }
0x1f: {  	s9 =	smul.u32 $0xF7A, s1;
	s8 =	simm.s32 @!p0 $0x1BF5;
	p2 =	por !p2, p0  }
0x20: {  	[sflag:s8] =	ssyncset.s32 @!p0 $0xFFFFF086;
	s6 =	sadd.s32 @!p0 s3, s7;
	s7 =	simm.s32 @!p0 $0x108  }
0x21: {  	s3 =	sadd.s32 s3, s9;
	s6 =	sadd.s32 @!p0 $0x88, s6;
	s7 =	simm.s32 @p2 $0x1082  }
0x22: {  	[simem:s7], [sflag:s8] =	dma.local @!p0 [hbm:s6], $0xF7A  }
0x23: {  	s9 =	sor.u32 $0xD0000000, s2;
	s6 =	simm.s32 $0x108;
	_ =	swait.ge @!p0 [sflag:s8], $0x0  }
0x24: {  	s3 =	sadd.s32 $0x88, s3;
	s6 =	simm.s32 @!p1 $0x1082;
	[sflag:s4] =	ssyncset.s32 $0xFFFFF086  }
0x25: {  	[simem:s6], [sflag:s4] =	dma.local [hbm:s3], $0xF7A  }
0x26: {  	[smem:$0x3F95] =	sst s1;
	(tag) =	ssettag s2;
	_ =	strace s9  }
0x27: {  	s1 =	sld [smem:$0x3FA5]  }
0x28: {  	s2 =	sld [smem:$0x3FA6]  }
0x29: {  	s4 =	sld [smem:$0x3FA8]  }
0x2a: {  	p0 =	seq.s32 s5, $0x0;
	s5 =	sld [smem:$0x3FA9]  }
0x2b: {  	s6 =	sld [smem:$0x3FAA]  }
0x2c: {  	s7 =	sld [smem:$0x3FAB]  }
0x2d: {  	s3 =	simm.s32 $0x108;
	s8 =	sld [smem:$0x3FAC]  }
0x2e: {  	s3 =	simm.s32 @!p0 $0x1082;
	s9 =	sld [smem:$0x3FAD]  }
0x2f: {  	lr =	sadd.s32 s0, s3;
	s0 =	sld [smem:$0x3FA4]  }
0x30: {  	s3 =	sld [smem:$0x3FA7]  }
0x31: {  	[smem:$0x3FB0] =	sst s10  }
0x32: {  	s10 =	sld [smem:$0x3FAE];
	_ =	sdelay $0x3  }
0x33: {  	p0 =	seq.s32 s10, $0x1;
	s10 =	sld [smem:$0x3FB0];
	_ =	sdelay $0x3  }
0x34: {  	[smem:$0x3FB0] =	sst s10  }
0x35: {  	s10 =	sld [smem:$0x3FAF];
	_ =	sdelay $0x3  }
0x36: {  	p1 =	seq.s32 s10, $0x1;
	s10 =	sld [smem:$0x3FB0];
	_ =	sdelay $0x3  }
0x37: {  	[smem:$0x3FB0] =	sst s10  }
0x38: {  	s10 =	sld [smem:$0x3FB1]  }
0x39: {  	_ = 	snop;
	(pc) =	sbr.ind lr, $3  }
0x3a: {  	_ = 	snop  }
0x3b: {  	_ = 	snop  }
0x3c: {  	p2 =	seq.s32 s10, $0x1;
	s10 =	sld [smem:$0x3FB0]  }
0x3d: {  	_ =	shalt  }
0x3e: {  	_ =	shalt  }
0x3f: {  	_ =	shalt  }
0x40: {  	_ =	shalt  }
0x41: {  	_ =	shalt  }
0x42: {  	_ =	shalt  }
0x43: {  	_ =	shalt  }
0x44: {  	_ =	shalt  }
0x45: {  	_ =	shalt  }
0x46: {  	_ =	shalt  }
0x47: {  	_ =	shalt  }
0x48: {  	_ =	shalt  }
0x49: {  	_ =	shalt  }
0x4a: {  	_ =	shalt  }
0x4b: {  	_ =	shalt  }
0x4c: {  	_ =	shalt  }
0x4d: {  	_ =	shalt  }
0x4e: {  	_ =	shalt  }
0x4f: {  	_ =	shalt  }
0x50: {  	_ =	shalt  }
0x51: {  	_ =	shalt  }
0x52: {  	_ =	shalt  }
0x53: {  	_ =	shalt  }
0x54: {  	_ =	shalt  }
0x55: {  	_ =	shalt  }
0x56: {  	_ =	shalt  }
0x57: {  	_ =	shalt  }
0x58: {  	_ =	shalt  }
0x59: {  	_ =	shalt  }
0x5a: {  	_ =	shalt  }
0x5b: {  	_ =	shalt  }
0x5c: {  	_ =	shalt  }
0x5d: {  	_ =	shalt  }
0x5e: {  	_ =	shalt  }
0x5f: {  	_ =	shalt  }
0x60: {  	_ =	shalt  }
0x61: {  	_ =	shalt  }
0x62: {  	_ =	shalt  }
0x63: {  	_ =	shalt  }
0x64: {  	_ =	shalt  }
0x65: {  	_ =	shalt  }
0x66: {  	_ =	shalt  }
0x67: {  	_ =	shalt  }
0x68: {  	_ =	shalt  }
0x69: {  	_ =	shalt  }
0x6a: {  	_ =	shalt  }
0x6b: {  	_ =	shalt  }
0x6c: {  	_ =	shalt  }
0x6d: {  	_ =	shalt  }
0x6e: {  	_ =	shalt  }
0x6f: {  	_ =	shalt  }
0x70: {  	_ =	shalt  }
0x71: {  	_ =	shalt  }
0x72: {  	_ =	shalt  }
0x73: {  	_ =	shalt  }
0x74: {  	_ =	shalt  }
0x75: {  	_ =	shalt  }
0x76: {  	_ =	shalt  }
0x77: {  	_ =	shalt  }
0x78: {  	_ =	shalt  }
0x79: {  	_ =	shalt  }
0x7a: {  	_ =	shalt  }
0x7b: {  	_ =	shalt  }
0x7c: {  	_ =	shalt  }
0x7d: {  	_ =	shalt  }
0x7e: {  	_ =	shalt  }
0x7f: {  	_ =	shalt  }
0x80: {  	_ =	shalt  }
0x81: {  	_ =	shalt  }
0x82: {  	_ =	shalt  }
0x83: {  	_ =	shalt  }
0x84: {  	_ =	shalt  }
0x85: {  	_ =	shalt  }
0x86: {  	_ =	shalt  }
0x87: {  	_ =	shalt  }
.Lfunc_end0:
.L_simem_size_0:
called_computation.1_lowered:
.L_overlay_start_0:
0x88: {  	s2 =	sld [smem:$0x3FD9]  }
0x89: {  	s3 =	sld [smem:$0x3FFE];
	_ =	sdelay $0x1  }
0x8a: {  	s1 =	srdreg.scid  }
0x8b: {  	s0 =	sand.u32 $0x1, s1  }
0x8c: {  	s16 =	sshll.u32 s0, $0xA;
	s2 =	sadd.s32 s3, s2  }
0x8d: {  	s2 =	sadd.s32 s2, s16  }
0x8e: {  	[smem:$0x3FBC] =	sst s2  }
0x8f: {  	_ = 	snop  }
0x90: {  	(tm) =	ssettm $0x1  }
0x91: {  	s17 =	sld [smem:$0x3FFB];
	_ =	sdelay $0x3  }
0x92: {  	_ =	strace s17  }
0x93: {  	s2 =	sld [smem:$0x3FFC];
	_ =	sdelay $0x3  }
0x94: {  	_ =	strace s2  }
0x95: {  	s2 =	sld [smem:$0x3FFD];
	_ =	sdelay $0x3  }
0x96: {  	_ =	strace s2  }
0x97: {  	_ =	strace $0x8FFFFFFF  }
0x98: {  	s18 =	sld [smem:$0x3FDB];
	_ =	sdelay $0x1  }
0x99: {  	s19 =	simm.s32 $_scs_section_size  }
0x9a: {  	s4 =	simm.s32 $_size__tile_overlayer_lowered;
	s5 =	simm.s32 $_tile_overlayer_lowered  }
0x9b: {  	s22 =	simm.s32 $0x1BFF;
	s21 =	sshll.u32 s5, $0x1;
	s2 =	sadd.s32 s19, s18  }
0x9c: {  	s6 =	simm.s32 $0x0;
	s20 =	sshll.u32 s4, $0x1;
	s4 =	sadd.s32 s21, s2  }
0x9d: {  	[timem:s6], [sflag:s22] =	dma.local [hbm:s4], s20  }
0x9e: {  	_ =	swait.ge [sflag:s22], s20  }
0x9f: {  	s3 =	ssub.s32 $0x0, s20;
	[sflag:s22] =	ssyncset.done $0x0  }
0xa0: {  	[sflag:s22] =	ssyncadd.s32 s3;
	_ =	sdelay $0x1  }
0xa1: {  	s23 =	simm.s32 $0x1B8B  }
0xa2: {  	_ =	swait.ge [sflag:s23], $0x1  }
0xa3: {  	[sflag:s23] =	ssyncset.done $0x0  }
0xa4: {  	s25 =	simm.s32 $0x1B8E;
	s24 =	sld [smem:$0x3FFE];
	[sflag:s23] =	ssyncadd.s32 $0xFFFFFFFF  }
0xa5: {  	s26 =	simm.s32 $execute0_lowered;
	[smem:$0x3FD2] =	sst s25  }
0xa6: {  	s4 =	sshll.u32 s26, $0x1;
	_ =	strace $0x80000049;
	[dreg:$0x1] =	wrdreg $0xFFFFFFFF  }
0xa7: {  	s28 =	simm.s32 $_size_execute0_lowered;
	s2 =	sadd.s32 s2, s4;
	[dreg:$0x0] =	wrdreg $0x0  }
0xa8: {  	s4 =	sshll.u32 s28, $0x1;
	[dreg:$0x2] =	wrdreg s2  }
0xa9: {  	[dreg:$0x3] =	wrdreg s4  }
0xaa: {  	[dreg:$0x4] =	wrdreg $0xC0  }
0xab: {  	_ =	task [dreg:s6], $0x5FFFF  }
0xac: {  	[dreg:$0x1] =	wrdreg $0xFFFFFFFF  }
0xad: {  	[dreg:$0x0] =	wrdreg $0x60  }
0xae: {  	[dreg:$0x2] =	wrdreg s24  }
0xaf: {  	[dreg:$0x3] =	wrdreg $0x41000  }
0xb0: {  	[dreg:$0x4] =	wrdreg $0x9  }
0xb1: {  	_ =	task.clear_ibuf [dreg:s6], $0x5FFFF;
	_ =	strace $0x90000049  }
0xb2: {  	s29 =	simm.s32 $0x9;
	_ =	strace $0x8000004B  }
0xb3: {  	_ =	swait.ge [sflag:s29], $0x1  }
0xb4: {  	[sflag:s29] =	ssyncadd.s32 $0xFFFFFFFF  }
0xb5: {  	_ =	strace $0x9000004B  }
0xb6: {  	_ =	sfence  }
0xb7: {  	s30 =	sld [smem:$0x0];
	_ =	sdelay $0x2  }
0xb8: {  	s31 =	sshll.u32 s1, $0xD;
	s1 =	sshrl.u32 s1, $0x2  }
0xb9: {  	s3 =	sand.u32 $0x4000, s31;
	s1 =	sadd.s32 s1, s30  }
0xba: {  	s0 =	sor.u32 s3, s0;
	s1 =	sshll.u32 s1, $0x11  }
0xbb: {  	s0 =	sor.u32 s1, s0  }
0xbc: {  	s0 =	sadd.s32 $0x8F2B, s0  }
0xbd: {  	[sflag:s0] =	ssyncadd.remote.s32 $0x1  }
0xbe: {  	_ =	sfence.sel $0xFFFF  }
0xbf: {  	[dreg:$0x0] =	wrdreg $0xFFFFFFFF;
	(pc) =	sbr.abs _section_cstart, $3  }
0xc0: {  	[dreg:$0x1] =	wrdreg $0xFFFFFFFF  }
0xc1: {  	_ =	task.clear_ibuf [dreg:s6], $0x2FFFF;
	_ =	strace $0x9FFFFFFF  }
0xc2: {  	(tm) =	ssettm $0x7FFFFFFF  }
0xc3: {  	_ =	shalt  }
tec
execute0_lowered:
.L_overlay_start_1:
0x0: {  	(tag) =	ssettag $0x1  }
0x1: {  	s7 =	rddreg [dreg:$0x0]  }
0x2: {  	s1 =	rddreg [dreg:$0x1];
	s2 =	srdreg.scid  }
0x3: {  	s0 =	rddreg [dreg:$0x2];
	s3 =	simm.s32 $0x0;
	s10 =	sand.u32 $0x1, s2  }
0x4: {  	s16 =	simm.s32 $0x0;
	s2 =	stileid.u32;
	s8 =	smul.u32 $0x140000, s10  }
0x5: {  	[smem:$0x7FF] =	sst s3;
	s4 =	sadd.s32 $0xF200, s7;
	s9 =	smul.u32 $0x14000, s2  }
0x6: {  	s5 =	sadd.s32 $0x5F200, s7;
	s6 =	sadd.s32 $0x2A00, s7;
	s28 =	smul.u32 $0x50000, s2  }
0x7: {  	s11 =	sadd.s32 $0xCA00, s7;
	_ =	strace $0x8000004A;
	s30 =	smul.u32 $0x2800, s2  }
0x8: {  	s29 =	ssub.s32 $0x2, s10;
	s14 =	smul.u32 $0x28000, s10;
	p0 =	sne.s32 s10, $0x0  }
0x9: {  	s31 =	sshll.u32 s2, $0x6;
	s13 =	sshrl.u32 s29, $0x1;
	s8 =	sadd.s32 s9, s8  }
0xa: {  	s9 =	sshrl.u32 s28, $0x2;
	s13 =	ssub.s32 s29, s13;
	s8 =	sshrl.u32 s8, $0x3  }
0xb: {  	s15 =	sadd.s32 s9, s1;
	s10 =	smax.u32 s13, $0x1;
	s13 =	simm.s32 $0x1  }
0xc: {  	s12 =	sadd.s32 s8, s7;
	s7 =	sadd.s32 s4, s30;
	s8 =	sadd.s32 s30, s14  }
0xd: {  	s14 =	simm.s32 $0x80;
	s9 =	sadd.s32 $0x69200, s12;
	s7 =	smov.u32 @p0 s11  }
0xe: {  	s11 =	sor.u32 $0x1C01, s31;
	s12 =	sshrl.u32 s15, $0x3;
	s15 =	simm.s32 $0x100  }
.LBB2_1:
0xf: {  	[spmem:s12], [sflag:s11] =	dma.local [hbm:s7], $0x2800  }
0x10: {  	s17 =	sand.u32 $0x3C00, s3  }
0x11: {  	s18 =	sand.u32 $0x380, s3;
	_ =	swait.ge [sflag:s13], $0x2800;
	s17 =	sadd.s32 s17, s8  }
0x12: {  	[sflag:s13] =	ssyncset.done $0x0;
	s17 =	sor.u32 s18, s17  }
0x13: {  	[sflag:s13] =	ssyncadd.s32 $0xFFFFD800;
	s17 =	sshrl.u32 s17, $0x3  }
0x14: {  	[bflag:$0x0] =	sbarrier.arrive $0xFFFF;
	s29 =	sadd.s32 s5, s17  }
0x15: {  	[tilespmem:s3], [sflag:$0x1] =	stream.linear.gather [hbm4b:s29+s3], $0x80, $0x38;
	[tilespmem:$0x18100] =	vst v63  }
0x16: {  	_ =	swait.ge [sflag:s13], $0x80  }
0x17: {  	[sflag:s13] =	ssyncset.done $0x0  }
0x18: {  	s17 =	sadd.s32 s6, s17;
	[sflag:s13] =	ssyncadd.s32 $0xFFFFFF80  }
0x19: {  	[tilespmem:s14], [sflag:$0x1] =	stream.linear.gather [hbm4b:s17+s3], $0x80, $0x38;
	[tilespmem:$0x18100] =	vst v63  }
0x1a: {  	_ =	swait.ge [sflag:s13], $0x80  }
0x1b: {  	[sflag:s13] =	ssyncset.done $0x0  }
0x1c: {  	[sflag:s13] =	ssyncadd.s32 $0xFFFFFF80  }
0x1d: {  	[tilespmem:s15], [sflag:$0x1] =	stream.indirect.gather [hbm4b:s4+s14], $0x80, s3, s14, $0xb8;
	[tilespmem:$0x18100] =	vst v63  }
0x1e: {  	_ =	swait.ge [sflag:s13], $0x4000  }
0x1f: {  	s30 =	simm.s32 $0x80;
	[sflag:s13] =	ssyncset.done $0x0  }
0x20: {  	s31 =	sand.u32 $0x3C00, s30;
	[sflag:s13] =	ssyncadd.s32 $0xFFFFC000  }
0x21: {  	[spmem:s1] =	stream.indirect.scatter.add.f32 [tilespmem:s15], [sflag:$0x1], $0x80, s14, s14, $0xb8;
	[tilespmem:$0x18100] =	vst v63  }
0x22: {  	s19 =	sand.u32 $0x380, s30;
	s18 =	sadd.s32 s31, s8;
	_ =	swait.ge [sflag:s13], $0x4000  }
0x23: {  	s18 =	sor.u32 s19, s18;
	s17 =	simm.s32 $0x100;
	[sflag:s13] =	ssyncset.done $0x0  }
.LBB2_2:
0x24: {  	s18 =	sshrl.u32 s18, $0x3  }
0x25: {  	[sflag:s13] =	ssyncadd.s32 $0xFFFFC000;
	s19 =	smov.u32 s17;
	s20 =	sadd.s32 $0x80, s17  }
0x26: {  	p0 =	sne.s32 s17, $0x2700;
	s17 =	sadd.s32 s5, s18  }
0x27: {  	[tilespmem:s3], [sflag:$0x1] =	stream.linear.gather [hbm4b:s17+s3], $0x80, $0x38;
	[tilespmem:$0x18100] =	vst v63  }
0x28: {  	_ =	swait.ge [sflag:s13], $0x80  }
0x29: {  	[sflag:s13] =	ssyncset.done $0x0  }
0x2a: {  	s17 =	sadd.s32 s6, s18;
	[sflag:s13] =	ssyncadd.s32 $0xFFFFFF80  }
0x2b: {  	[tilespmem:s14], [sflag:$0x1] =	stream.linear.gather [hbm4b:s17+s3], $0x80, $0x38;
	[tilespmem:$0x18100] =	vst v63  }
0x2c: {  	_ =	swait.ge [sflag:s13], $0x80  }
0x2d: {  	[sflag:s13] =	ssyncset.done $0x0  }
0x2e: {  	[sflag:s13] =	ssyncadd.s32 $0xFFFFFF80  }
0x2f: {  	[tilespmem:s15], [sflag:$0x1] =	stream.indirect.gather [hbm4b:s4+s14], $0x80, s3, s14, $0xb8;
	[tilespmem:$0x18100] =	vst v63  }
0x30: {  	_ =	swait.ge [sflag:s13], $0x4000  }
.Ltmp0:
0x31: {  	[sflag:s13] =	ssyncset.done $0x0;
	(pc) =	sbr.rel @p0 .LBB2_2-.Ltmp0, $4  }
0x32: {  	s17 =	sand.u32 $0x3C00, s19;
	[sflag:s13] =	ssyncadd.s32 $0xFFFFC000  }
0x33: {  	[spmem:s1] =	stream.indirect.scatter.add.f32 [tilespmem:s15], [sflag:$0x1], $0x80, s14, s14, $0xb8;
	[tilespmem:$0x18100] =	vst v63  }
0x34: {  	s18 =	sand.u32 $0x380, s19;
	s17 =	sadd.s32 s17, s8;
	_ =	swait.ge [sflag:s13], $0x4000  }
0x35: {  	s18 =	sor.u32 s18, s17;
	s17 =	smov.u32 s20;
	[sflag:s13] =	ssyncset.done $0x0  }
0x36: {  	s17 =	sshrl.u32 s18, $0x3  }
0x37: {  	[sflag:s13] =	ssyncadd.s32 $0xFFFFC000;
	s18 =	sadd.s32 s5, s17  }
0x38: {  	[tilespmem:s3], [sflag:$0x1] =	stream.linear.gather [hbm4b:s18+s3], $0x80, $0x38;
	[tilespmem:$0x18100] =	vst v63  }
0x39: {  	_ =	swait.ge [sflag:s13], $0x80  }
0x3a: {  	[sflag:s13] =	ssyncset.done $0x0  }
0x3b: {  	s17 =	sadd.s32 s6, s17;
	[sflag:s13] =	ssyncadd.s32 $0xFFFFFF80  }
0x3c: {  	[tilespmem:s14], [sflag:$0x1] =	stream.linear.gather [hbm4b:s17+s3], $0x80, $0x38;
	[tilespmem:$0x18100] =	vst v63  }
0x3d: {  	_ =	swait.ge [sflag:s13], $0x80  }
0x3e: {  	[sflag:s13] =	ssyncset.done $0x0  }
0x3f: {  	[sflag:s13] =	ssyncadd.s32 $0xFFFFFF80  }
0x40: {  	[tilespmem:s15], [sflag:$0x1] =	stream.indirect.gather [hbm4b:s4+s14], $0x80, s3, s14, $0xb8;
	[tilespmem:$0x18100] =	vst v63  }
0x41: {  	_ =	swait.ge [sflag:s13], $0x4000  }
0x42: {  	[sflag:s13] =	ssyncset.done $0x0  }
0x43: {  	[sflag:s13] =	ssyncadd.s32 $0xFFFFC000  }
0x44: {  	[spmem:s1] =	stream.indirect.scatter.add.f32 [tilespmem:s15], [sflag:$0x1], $0x80, s14, s14, $0xb8;
	[tilespmem:$0x18100] =	vst v63  }
0x45: {  	_ =	swait.ge [sflag:s13], $0x4000  }
0x46: {  	s16 =	sadd.s32 $0x1, s16;
	[sflag:s13] =	ssyncset.done $0x0  }
0x47: {  	p0 =	sne.s32 s16, s10;
	[sflag:s13] =	ssyncadd.s32 $0xFFFFC000  }
.Ltmp1:
0x48: {  	[bflag:$0x0] =	sbarrier.arrive $0xFFFF;
	(pc) =	sbr.rel @p0 .LBB2_1-.Ltmp1, $4  }
0x49: {  	[hbm:s9], [sflag:s11] =	dma.local [spmem:s12], $0x2800  }
0x4a: {  	_ =	swait.ge [sflag:s13], $0x2800  }
0x4b: {  	[sflag:s13] =	ssyncset.done $0x0  }
0x4c: {  	[sflag:s13] =	ssyncadd.s32 $0xFFFFD800  }
0x4d: {  	_ =	sfence.sel $0x180000  }
0x4e: {  	[bflag:$0x0] =	sbarrier.arrive $0xFFFF  }
0x4f: {  	p0 =	sne.s32 s2, $0x0;
	_ =	strace $0x9000004A  }
0x50: {  	s0 =	sadd.s32 @!p0 $0x100000, s0;
	[bflag:$0x2] =	sbarrier.arrive $0xFFFF  }
0x51: {  	[sflag:s0] =	ssyncadd.tile.s32 @!p0 $0x1;
	_ =	shalt  }
.Lfunc_end2:
_tile_overlayer_lowered:
.L_overlay_start_2:
0x52: {  	(tag) =	ssettag $0x2  }
0x53: {  	s0 =	rddreg [dreg:$0x0];
	s2 =	stileid.u32  }
0x54: {  	s1 =	rddreg [dreg:$0x1];
	p0 =	sne.s32 s2, $0x0  }
0x55: {  	s3 =	rddreg [dreg:$0x2];
	[bflag:$0x3] =	sbarrier.arrive $0xFFFF;
	s2 =	simm.s32 @!p0 $0x1C01  }
0x56: {  	[timem:s3], [sflag:s2] =	dma.local @!p0 [hbm:s0], s1  }
0x57: {  	s0 =	simm.s32 @!p0 $0x1  }
0x58: {  	_ =	swait.ge @!p0 [sflag:s0], s1  }
0x59: {  	s1 =	ssub.s32 @!p0 $0x0, s1;
	[sflag:s0] =	ssyncset.done @!p0 $0x0  }
0x5a: {  	[sflag:s0] =	ssyncadd.s32 @!p0 s1  }
0x5b: {  	[bflag:$0x3] =	sbarrier.arrive $0xFFFF  }
0x5c: {  	_ =	shalt  }

// kernel: kernel.20.cloned.1.call-start
scs
__scs_entry_jumppad:
0x0: {  	(pc) =	sbr.rel $0x88, $3  }
0x1: {  	(tag) =	ssettag $0x0;
	lr =	simm.s32 $0x1  }
0x2: {  	[smem:$0x3F95] =	sst lr;
	_ =	strace $0xD0000000  }
0x3: {  	_ = 	snop  }
0x4: {  	_ = 	snop  }
0x5: {  	_ = 	snop  }
0x6: {  	_ = 	snop  }
0x7: {  	_ = 	snop  }
__scs_overlays_trampoline_lowered:
0x8: {  	[smem:$0x3FA4] =	sst s0  }
0x9: {  	[smem:$0x3FA5] =	sst s1  }
0xa: {  	[smem:$0x3FA6] =	sst s2  }
0xb: {  	[smem:$0x3FA7] =	sst s3  }
0xc: {  	[smem:$0x3FA8] =	sst s4  }
0xd: {  	[smem:$0x3FA9] =	sst s5  }
0xe: {  	[smem:$0x3FAA] =	sst s6  }
0xf: {  	[smem:$0x3FAB] =	sst s7  }
0x10: {  	[smem:$0x3FAC] =	sst s8  }
0x11: {  	[smem:$0x3FAD] =	sst s9;
	s0 =	simm.s32 @!p0 $0x0  }
0x12: {  	s1 =	sld [smem:$0x3F93];
	s0 =	simm.s32 @p0 $0x1  }
0x13: {  	[smem:$0x3FAE] =	sst s0;
	s0 =	simm.s32 @!p1 $0x0  }
0x14: {  	s2 =	sld [smem:$0x3F92];
	s0 =	simm.s32 @p1 $0x1  }
0x15: {  	[smem:$0x3FAF] =	sst s0;
	s0 =	simm.s32 @!p2 $0x0  }
0x16: {  	s3 =	sld [smem:$0x3FDB];
	s0 =	simm.s32 @p2 $0x1  }
0x17: {  	s4 =	simm.s32 $0x1BF5;
	[smem:$0x3FB1] =	sst s0  }
0x18: {  	s0 =	sld [smem:$0x3F94];
	_ =	swait.ge [sflag:s4], $0x0  }
0x19: {  	s7 =	sld [smem:$0x3F95]  }
0x1a: {  	s8 =	sadd.s32 $0xFFFFE003, lr  }
0x1b: {  	s9 =	sadd.s32 $0xFFFFFEF7, lr;
	s5 =	simm.s32 $0xFFFFFFFF;
	p2 =	slt.u32 s8, $0xFFFFF086  }
0x1c: {  	p1 =	slt.u32 s9, $0xF7A;
	s5 =	simm.s32 @!p2 $0x0  }
0x1d: {  	s5 =	simm.s32 @p1 $0x1;
	p0 =	seq.s32 s7, s2  }
0x1e: {  	s7 =	smul.u32 @!p0 $0xF7A, s2;
	p2 =	seq.s32 @!p0 s5, $0x0  }
0x1f: {  	s9 =	smul.u32 $0xF7A, s1;
	s8 =	simm.s32 @!p0 $0x1BF5;
	p2 =	por !p2, p0  }
0x20: {  	[sflag:s8] =	ssyncset.s32 @!p0 $0xFFFFF086;
	s6 =	sadd.s32 @!p0 s3, s7;
	s7 =	simm.s32 @!p0 $0x108  }
0x21: {  	s3 =	sadd.s32 s3, s9;
	s6 =	sadd.s32 @!p0 $0x88, s6;
	s7 =	simm.s32 @p2 $0x1082  }
0x22: {  	[simem:s7], [sflag:s8] =	dma.local @!p0 [hbm:s6], $0xF7A  }
0x23: {  	s9 =	sor.u32 $0xD0000000, s2;
	s6 =	simm.s32 $0x108;
	_ =	swait.ge @!p0 [sflag:s8], $0x0  }
0x24: {  	s3 =	sadd.s32 $0x88, s3;
	s6 =	simm.s32 @!p1 $0x1082;
	[sflag:s4] =	ssyncset.s32 $0xFFFFF086  }
0x25: {  	[simem:s6], [sflag:s4] =	dma.local [hbm:s3], $0xF7A  }
0x26: {  	[smem:$0x3F95] =	sst s1;
	(tag) =	ssettag s2;
	_ =	strace s9  }
0x27: {  	s1 =	sld [smem:$0x3FA5]  }
0x28: {  	s2 =	sld [smem:$0x3FA6]  }
0x29: {  	s4 =	sld [smem:$0x3FA8]  }
0x2a: {  	p0 =	seq.s32 s5, $0x0;
	s5 =	sld [smem:$0x3FA9]  }
0x2b: {  	s6 =	sld [smem:$0x3FAA]  }
0x2c: {  	s7 =	sld [smem:$0x3FAB]  }
0x2d: {  	s3 =	simm.s32 $0x108;
	s8 =	sld [smem:$0x3FAC]  }
0x2e: {  	s3 =	simm.s32 @!p0 $0x1082;
	s9 =	sld [smem:$0x3FAD]  }
0x2f: {  	lr =	sadd.s32 s0, s3;
	s0 =	sld [smem:$0x3FA4]  }
0x30: {  	s3 =	sld [smem:$0x3FA7]  }
0x31: {  	[smem:$0x3FB0] =	sst s10  }
0x32: {  	s10 =	sld [smem:$0x3FAE];
	_ =	sdelay $0x3  }
0x33: {  	p0 =	seq.s32 s10, $0x1;
	s10 =	sld [smem:$0x3FB0];
	_ =	sdelay $0x3  }
0x34: {  	[smem:$0x3FB0] =	sst s10  }
0x35: {  	s10 =	sld [smem:$0x3FAF];
	_ =	sdelay $0x3  }
0x36: {  	p1 =	seq.s32 s10, $0x1;
	s10 =	sld [smem:$0x3FB0];
	_ =	sdelay $0x3  }
0x37: {  	[smem:$0x3FB0] =	sst s10  }
0x38: {  	s10 =	sld [smem:$0x3FB1]  }
0x39: {  	_ = 	snop;
	(pc) =	sbr.ind lr, $3  }
0x3a: {  	_ = 	snop  }
0x3b: {  	_ = 	snop  }
0x3c: {  	p2 =	seq.s32 s10, $0x1;
	s10 =	sld [smem:$0x3FB0]  }
0x3d: {  	_ =	shalt  }
0x3e: {  	_ =	shalt  }
0x3f: {  	_ =	shalt  }
0x40: {  	_ =	shalt  }
0x41: {  	_ =	shalt  }
0x42: {  	_ =	shalt  }
0x43: {  	_ =	shalt  }
0x44: {  	_ =	shalt  }
0x45: {  	_ =	shalt  }
0x46: {  	_ =	shalt  }
0x47: {  	_ =	shalt  }
0x48: {  	_ =	shalt  }
0x49: {  	_ =	shalt  }
0x4a: {  	_ =	shalt  }
0x4b: {  	_ =	shalt  }
0x4c: {  	_ =	shalt  }
0x4d: {  	_ =	shalt  }
0x4e: {  	_ =	shalt  }
0x4f: {  	_ =	shalt  }
0x50: {  	_ =	shalt  }
0x51: {  	_ =	shalt  }
0x52: {  	_ =	shalt  }
0x53: {  	_ =	shalt  }
0x54: {  	_ =	shalt  }
0x55: {  	_ =	shalt  }
0x56: {  	_ =	shalt  }
0x57: {  	_ =	shalt  }
0x58: {  	_ =	shalt  }
0x59: {  	_ =	shalt  }
0x5a: {  	_ =	shalt  }
0x5b: {  	_ =	shalt  }
0x5c: {  	_ =	shalt  }
0x5d: {  	_ =	shalt  }
0x5e: {  	_ =	shalt  }
0x5f: {  	_ =	shalt  }
0x60: {  	_ =	shalt  }
0x61: {  	_ =	shalt  }
0x62: {  	_ =	shalt  }
0x63: {  	_ =	shalt  }
0x64: {  	_ =	shalt  }
0x65: {  	_ =	shalt  }
0x66: {  	_ =	shalt  }
0x67: {  	_ =	shalt  }
0x68: {  	_ =	shalt  }
0x69: {  	_ =	shalt  }
0x6a: {  	_ =	shalt  }
0x6b: {  	_ =	shalt  }
0x6c: {  	_ =	shalt  }
0x6d: {  	_ =	shalt  }
0x6e: {  	_ =	shalt  }
0x6f: {  	_ =	shalt  }
0x70: {  	_ =	shalt  }
0x71: {  	_ =	shalt  }
0x72: {  	_ =	shalt  }
0x73: {  	_ =	shalt  }
0x74: {  	_ =	shalt  }
0x75: {  	_ =	shalt  }
0x76: {  	_ =	shalt  }
0x77: {  	_ =	shalt  }
0x78: {  	_ =	shalt  }
0x79: {  	_ =	shalt  }
0x7a: {  	_ =	shalt  }
0x7b: {  	_ =	shalt  }
0x7c: {  	_ =	shalt  }
0x7d: {  	_ =	shalt  }
0x7e: {  	_ =	shalt  }
0x7f: {  	_ =	shalt  }
0x80: {  	_ =	shalt  }
0x81: {  	_ =	shalt  }
0x82: {  	_ =	shalt  }
0x83: {  	_ =	shalt  }
0x84: {  	_ =	shalt  }
0x85: {  	_ =	shalt  }
0x86: {  	_ =	shalt  }
0x87: {  	_ =	shalt  }
.Lfunc_end0:
.L_simem_size_0:
called_computation.2_lowered:
.L_overlay_start_0:
0x88: {  	s2 =	sld [smem:$0x3FD9]  }
0x89: {  	s3 =	sld [smem:$0x3FFE];
	_ =	sdelay $0x1  }
0x8a: {  	s1 =	srdreg.scid  }
0x8b: {  	s0 =	sand.u32 $0x1, s1  }
0x8c: {  	s17 =	sshll.u32 s0, $0xA;
	s2 =	sadd.s32 s3, s2  }
0x8d: {  	s2 =	sadd.s32 s2, s17  }
0x8e: {  	[smem:$0x3FBC] =	sst s2  }
0x8f: {  	_ = 	snop  }
0x90: {  	s2 =	sld [smem:$0x3FD0];
	(tm) =	ssettm $0x1  }
0x91: {  	s18 =	sld [smem:$0x3FFB];
	_ =	sdelay $0x3  }
0x92: {  	_ =	strace s18  }
0x93: {  	s3 =	sld [smem:$0x3FFC];
	_ =	sdelay $0x3  }
0x94: {  	_ =	strace s3  }
0x95: {  	s3 =	sld [smem:$0x3FFD];
	_ =	sdelay $0x3  }
0x96: {  	_ =	strace s3  }
0x97: {  	_ =	strace $0x8FFFFFFF  }
0x98: {  	s19 =	sld [smem:$0x3FDB];
	_ =	sdelay $0x1  }
0x99: {  	s4 =	simm.s32 $_scs_section_size  }
0x9a: {  	s5 =	simm.s32 $_size__tile_overlayer_lowered;
	s6 =	simm.s32 $_tile_overlayer_lowered  }
0x9b: {  	s22 =	simm.s32 $0x1BFF;
	s21 =	sshll.u32 s6, $0x1;
	s3 =	sadd.s32 s4, s19  }
0x9c: {  	s7 =	simm.s32 $0x0;
	s20 =	sshll.u32 s5, $0x1;
	s5 =	sadd.s32 s21, s3  }
0x9d: {  	[timem:s7], [sflag:s22] =	dma.local [hbm:s5], s20  }
0x9e: {  	_ =	swait.ge [sflag:s22], s20  }
0x9f: {  	s4 =	ssub.s32 $0x0, s20;
	[sflag:s22] =	ssyncset.done $0x0  }
0xa0: {  	[sflag:s22] =	ssyncadd.s32 s4;
	_ =	sdelay $0x1  }
0xa1: {  	s23 =	simm.s32 $0x1B8B  }
0xa2: {  	_ =	swait.ge [sflag:s23], $0x1  }
0xa3: {  	[sflag:s23] =	ssyncset.done $0x0  }
0xa4: {  	s25 =	simm.s32 $0x1B8E;
	s24 =	sld [smem:$0x3FFE];
	[sflag:s23] =	ssyncadd.s32 $0xFFFFFFFF  }
0xa5: {  	s26 =	simm.s32 $execute0_lowered;
	[smem:$0x3FD2] =	sst s25  }
0xa6: {  	s5 =	sshll.u32 s26, $0x1;
	_ =	strace $0x8000004C;
	[dreg:$0x1] =	wrdreg $0xFFFFFFFF  }
0xa7: {  	s28 =	simm.s32 $_size_execute0_lowered;
	s3 =	sadd.s32 s3, s5;
	[dreg:$0x0] =	wrdreg $0x0  }
0xa8: {  	s5 =	sshll.u32 s28, $0x1;
	[dreg:$0x2] =	wrdreg s3  }
0xa9: {  	[dreg:$0x3] =	wrdreg s5  }
0xaa: {  	[dreg:$0x4] =	wrdreg $0xC0  }
0xab: {  	_ =	task [dreg:s7], $0x5FFFF  }
0xac: {  	[dreg:$0x1] =	wrdreg $0xFFFFFFFF  }
0xad: {  	[dreg:$0x0] =	wrdreg $0x60  }
0xae: {  	[dreg:$0x2] =	wrdreg s24  }
0xaf: {  	[dreg:$0x3] =	wrdreg s2  }
0xb0: {  	[dreg:$0x4] =	wrdreg $0x41000  }
0xb1: {  	[dreg:$0x5] =	wrdreg $0x9  }
0xb2: {  	_ =	task.clear_ibuf [dreg:s7], $0x6FFFF;
	_ =	strace $0x9000004C  }
0xb3: {  	s29 =	simm.s32 $0x9;
	_ =	strace $0x8000004E  }
0xb4: {  	_ =	swait.ge [sflag:s29], $0x1  }
0xb5: {  	[sflag:s29] =	ssyncadd.s32 $0xFFFFFFFF  }
0xb6: {  	_ =	strace $0x9000004E  }
0xb7: {  	_ =	sfence  }
0xb8: {  	s30 =	sld [smem:$0x0];
	_ =	sdelay $0x2  }
0xb9: {  	s31 =	sshll.u32 s1, $0xD;
	s1 =	sshrl.u32 s1, $0x2  }
0xba: {  	s3 =	sand.u32 $0x4000, s31;
	s1 =	sadd.s32 s1, s30  }
0xbb: {  	s0 =	sor.u32 s3, s0;
	s1 =	sshll.u32 s1, $0x11  }
0xbc: {  	s0 =	sor.u32 s1, s0  }
0xbd: {  	s0 =	sadd.s32 $0x8F2B, s0  }
0xbe: {  	[sflag:s0] =	ssyncadd.remote.s32 $0x1  }
0xbf: {  	_ =	sfence.sel $0xFFFF  }
0xc0: {  	[dreg:$0x0] =	wrdreg $0xFFFFFFFF;
	(pc) =	sbr.abs _section_cstart, $3  }
0xc1: {  	[dreg:$0x1] =	wrdreg $0xFFFFFFFF  }
0xc2: {  	_ =	task.clear_ibuf [dreg:s7], $0x2FFFF;
	_ =	strace $0x9FFFFFFF  }
0xc3: {  	(tm) =	ssettm $0x7FFFFFFF  }
tec
execute0_lowered:
.L_overlay_start_1:
0x0: {  	(tag) =	ssettag $0x1  }
0x1: {  	s7 =	rddreg [dreg:$0x0]  }
0x2: {  	s1 =	rddreg [dreg:$0x1]  }
0x3: {  	s2 =	rddreg [dreg:$0x2]  }
0x4: {  	s3 =	srdreg.scid;
	s0 =	rddreg [dreg:$0x3];
	s4 =	simm.s32 $0x0  }
0x5: {  	s16 =	simm.s32 $0x100;
	s8 =	sand.u32 $0x1, s3;
	s3 =	stileid.u32  }
0x6: {  	s17 =	simm.s32 $0x0;
	[smem:$0x7FF] =	sst s4;
	s9 =	smul.u32 $0x2800, s8  }
0x7: {  	s5 =	sadd.s32 $0x69200, s7;
	s6 =	sadd.s32 $0x37200, s7;
	s10 =	smul.u32 $0x280, s3  }
0x8: {  	_ =	strace $0x8000004D;
	s28 =	ssub.s32 $0x2, s8;
	s11 =	smul.u32 $0x50000, s3  }
0x9: {  	s13 =	smul.u32 $0x50000, s8;
	s31 =	sshll.u32 s3, $0x6;
	s9 =	sadd.s32 s10, s9  }
0xa: {  	s29 =	sshrl.u32 s28, $0x1;
	s30 =	sshrl.u32 s11, $0x2;
	s9 =	sshll.u32 s9, $0x4  }
0xb: {  	s14 =	ssub.s32 s28, s29;
	s15 =	sadd.s32 s30, s2;
	s12 =	sadd.s32 s9, s7  }
0xc: {  	s7 =	smul.u32 $0x5000, s3;
	s8 =	sadd.s32 s5, s9;
	s9 =	sor.u32 $0x1C01, s31  }
0xd: {  	s11 =	sadd.s32 $0xB9200, s12;
	s12 =	smax.u32 s14, $0x1;
	s14 =	simm.s32 $0x1  }
0xe: {  	s10 =	sadd.s32 s13, s7;
	s13 =	sshrl.u32 s15, $0x3;
	s15 =	simm.s32 $0x80  }
.LBB2_1:
0xf: {  	[spmem:s13], [sflag:s9] =	dma.local [hbm:s8], $0x2800  }
0x10: {  	s18 =	sand.u32 $0x7C00, s4  }
0x11: {  	s19 =	sand.u32 $0x380, s4;
	_ =	swait.ge [sflag:s14], $0x2800;
	s20 =	sadd.s32 s10, s18  }
0x12: {  	[sflag:s14] =	ssyncset.done $0x0;
	s20 =	sor.u32 s19, s20  }
0x13: {  	[sflag:s14] =	ssyncadd.s32 $0xFFFFD800;
	s20 =	sshrl.u32 s20, $0x3  }
0x14: {  	s18 =	sadd.s32 s7, s18;
	[bflag:$0x0] =	sbarrier.arrive $0xFFFF;
	s20 =	sadd.s32 s1, s20  }
0x15: {  	[tilespmem:s4], [sflag:$0x1] =	stream.linear.gather [hbm4b:s20+s4], $0x80, $0x38;
	[tilespmem:$0x18100] =	vst v63  }
0x16: {  	s18 =	sor.u32 s19, s18;
	_ =	swait.ge [sflag:s14], $0x80  }
0x17: {  	s18 =	sshrl.u32 s18, $0x3;
	[sflag:s14] =	ssyncset.done $0x0  }
0x18: {  	s18 =	sadd.s32 s6, s18;
	[sflag:s14] =	ssyncadd.s32 $0xFFFFFF80  }
0x19: {  	[tilespmem:s15], [sflag:$0x1] =	stream.linear.gather [hbm4b:s18+s4], $0x80, $0x38;
	[tilespmem:$0x18100] =	vst v63  }
0x1a: {  	_ =	swait.ge [sflag:s14], $0x80  }
0x1b: {  	s29 =	simm.s32 $0x80;
	[sflag:s14] =	ssyncset.done $0x0  }
0x1c: {  	s30 =	sand.u32 $0x7C00, s29;
	[sflag:s14] =	ssyncadd.s32 $0xFFFFFF80  }
0x1d: {  	[tilespmem:s16], [sflag:$0x1] =	stream.indirect.gather [hbm4b:s5+s15], $0x80, s4, s15, $0xb8;
	[tilespmem:$0x18100] =	vst v63  }
0x1e: {  	s31 =	sadd.s32 s10, s30;
	s21 =	sadd.s32 s7, s30;
	_ =	swait.ge [sflag:s14], $0x4000  }
0x1f: {  	s19 =	simm.s32 $0x100;
	s18 =	sand.u32 $0x380, s29;
	[sflag:s14] =	ssyncset.done $0x0  }
0x20: {  	s20 =	sor.u32 s18, s31;
	s18 =	sor.u32 s18, s21;
	[sflag:s14] =	ssyncadd.s32 $0xFFFFC000  }
0x21: {  	[spmem:s2] =	stream.indirect.scatter.add.f32 [tilespmem:s16], [sflag:$0x1], $0x80, s15, s15, $0xb8;
	[tilespmem:$0x18100] =	vst v63  }
.LBB2_2:
0x22: {  	s20 =	sshrl.u32 s20, $0x3  }
0x23: {  	s18 =	sshrl.u32 s18, $0x3;
	_ =	swait.ge [sflag:s14], $0x4000;
	s21 =	smov.u32 s19  }
0x24: {  	s22 =	sadd.s32 $0x80, s19;
	s20 =	sadd.s32 s1, s20;
	[sflag:s14] =	ssyncset.done $0x0  }
0x25: {  	p0 =	sne.s32 s19, $0x4E00;
	[sflag:s14] =	ssyncadd.s32 $0xFFFFC000  }
0x26: {  	[tilespmem:s4], [sflag:$0x1] =	stream.linear.gather [hbm4b:s20+s4], $0x80, $0x38;
	[tilespmem:$0x18100] =	vst v63  }
0x27: {  	_ =	swait.ge [sflag:s14], $0x80  }
0x28: {  	[sflag:s14] =	ssyncset.done $0x0  }
0x29: {  	s18 =	sadd.s32 s6, s18;
	[sflag:s14] =	ssyncadd.s32 $0xFFFFFF80  }
0x2a: {  	[tilespmem:s15], [sflag:$0x1] =	stream.linear.gather [hbm4b:s18+s4], $0x80, $0x38;
	[tilespmem:$0x18100] =	vst v63  }
0x2b: {  	_ =	swait.ge [sflag:s14], $0x80  }
0x2c: {  	[sflag:s14] =	ssyncset.done $0x0  }
0x2d: {  	[sflag:s14] =	ssyncadd.s32 $0xFFFFFF80  }
0x2e: {  	[tilespmem:s16], [sflag:$0x1] =	stream.indirect.gather [hbm4b:s5+s15], $0x80, s4, s15, $0xb8;
	[tilespmem:$0x18100] =	vst v63  }
.Ltmp0:
0x2f: {  	_ =	swait.ge [sflag:s14], $0x4000;
	(pc) =	sbr.rel @p0 .LBB2_2-.Ltmp0, $4  }
0x30: {  	s19 =	sand.u32 $0x380, s21;
	s18 =	sand.u32 $0x7C00, s21;
	[sflag:s14] =	ssyncset.done $0x0  }
0x31: {  	s20 =	sadd.s32 s10, s18;
	s18 =	sadd.s32 s7, s18;
	[sflag:s14] =	ssyncadd.s32 $0xFFFFC000  }
0x32: {  	s20 =	sor.u32 s19, s20;
	s18 =	sor.u32 s19, s18;
	s19 =	smov.u32 s22  }
0x33: {  	[spmem:s2] =	stream.indirect.scatter.add.f32 [tilespmem:s16], [sflag:$0x1], $0x80, s15, s15, $0xb8;
	[tilespmem:$0x18100] =	vst v63  }
0x34: {  	_ =	swait.ge [sflag:s14], $0x4000  }
0x35: {  	s19 =	sshrl.u32 s20, $0x3;
	[sflag:s14] =	ssyncset.done $0x0  }
0x36: {  	s19 =	sadd.s32 s1, s19;
	[sflag:s14] =	ssyncadd.s32 $0xFFFFC000  }
0x37: {  	[tilespmem:s4], [sflag:$0x1] =	stream.linear.gather [hbm4b:s19+s4], $0x80, $0x38;
	[tilespmem:$0x18100] =	vst v63  }
0x38: {  	_ =	swait.ge [sflag:s14], $0x80  }
0x39: {  	s18 =	sshrl.u32 s18, $0x3;
	[sflag:s14] =	ssyncset.done $0x0  }
0x3a: {  	s18 =	sadd.s32 s6, s18;
	[sflag:s14] =	ssyncadd.s32 $0xFFFFFF80  }
0x3b: {  	[tilespmem:s15], [sflag:$0x1] =	stream.linear.gather [hbm4b:s18+s4], $0x80, $0x38;
	[tilespmem:$0x18100] =	vst v63  }
0x3c: {  	_ =	swait.ge [sflag:s14], $0x80  }
0x3d: {  	[sflag:s14] =	ssyncset.done $0x0  }
0x3e: {  	[sflag:s14] =	ssyncadd.s32 $0xFFFFFF80  }
0x3f: {  	[tilespmem:s16], [sflag:$0x1] =	stream.indirect.gather [hbm4b:s5+s15], $0x80, s4, s15, $0xb8;
	[tilespmem:$0x18100] =	vst v63  }
0x40: {  	_ =	swait.ge [sflag:s14], $0x4000  }
0x41: {  	[sflag:s14] =	ssyncset.done $0x0  }
0x42: {  	[sflag:s14] =	ssyncadd.s32 $0xFFFFC000  }
0x43: {  	[spmem:s2] =	stream.indirect.scatter.add.f32 [tilespmem:s16], [sflag:$0x1], $0x80, s15, s15, $0xb8;
	[tilespmem:$0x18100] =	vst v63  }
0x44: {  	_ =	swait.ge [sflag:s14], $0x4000  }
0x45: {  	s17 =	sadd.s32 $0x1, s17;
	[sflag:s14] =	ssyncset.done $0x0  }
0x46: {  	p0 =	sne.s32 s17, s12;
	[sflag:s14] =	ssyncadd.s32 $0xFFFFC000  }
.Ltmp1:
0x47: {  	[bflag:$0x0] =	sbarrier.arrive $0xFFFF;
	(pc) =	sbr.rel @p0 .LBB2_1-.Ltmp1, $4  }
0x48: {  	[hbm:s11], [sflag:s9] =	dma.local [spmem:s13], $0x2800  }
0x49: {  	_ =	swait.ge [sflag:s14], $0x2800  }
0x4a: {  	[sflag:s14] =	ssyncset.done $0x0  }
0x4b: {  	[sflag:s14] =	ssyncadd.s32 $0xFFFFD800  }
0x4c: {  	_ =	sfence.sel $0x180000  }
0x4d: {  	[bflag:$0x0] =	sbarrier.arrive $0xFFFF  }
0x4e: {  	p0 =	sne.s32 s3, $0x0;
	_ =	strace $0x9000004D  }
0x4f: {  	s0 =	sadd.s32 @!p0 $0x100000, s0;
	[bflag:$0x2] =	sbarrier.arrive $0xFFFF  }
0x50: {  	[sflag:s0] =	ssyncadd.tile.s32 @!p0 $0x1;
	_ =	shalt  }
.Lfunc_end2:
_tile_overlayer_lowered:
.L_overlay_start_2:
0x51: {  	(tag) =	ssettag $0x2  }
0x52: {  	s0 =	rddreg [dreg:$0x0];
	s2 =	stileid.u32  }
0x53: {  	s1 =	rddreg [dreg:$0x1];
	p0 =	sne.s32 s2, $0x0  }
0x54: {  	s3 =	rddreg [dreg:$0x2];
	[bflag:$0x3] =	sbarrier.arrive $0xFFFF;
	s2 =	simm.s32 @!p0 $0x1C01  }
0x55: {  	[timem:s3], [sflag:s2] =	dma.local @!p0 [hbm:s0], s1  }
0x56: {  	s0 =	simm.s32 @!p0 $0x1  }
0x57: {  	_ =	swait.ge @!p0 [sflag:s0], s1  }
0x58: {  	s1 =	ssub.s32 @!p0 $0x0, s1;
	[sflag:s0] =	ssyncset.done @!p0 $0x0  }
0x59: {  	[sflag:s0] =	ssyncadd.s32 @!p0 s1  }
0x5a: {  	[bflag:$0x3] =	sbarrier.arrive $0xFFFF  }
0x5b: {  	_ =	shalt  }

// kernel: kernel.23.cloned.1.call-start
scs
__scs_entry_jumppad:
0x0: {  	(pc) =	sbr.rel $0x88, $3  }
0x1: {  	(tag) =	ssettag $0x0;
	lr =	simm.s32 $0x1  }
0x2: {  	[smem:$0x3F95] =	sst lr;
	_ =	strace $0xD0000000  }
0x3: {  	_ = 	snop  }
0x4: {  	_ = 	snop  }
0x5: {  	_ = 	snop  }
0x6: {  	_ = 	snop  }
0x7: {  	_ = 	snop  }
__scs_overlays_trampoline_lowered:
0x8: {  	[smem:$0x3FA4] =	sst s0  }
0x9: {  	[smem:$0x3FA5] =	sst s1  }
0xa: {  	[smem:$0x3FA6] =	sst s2  }
0xb: {  	[smem:$0x3FA7] =	sst s3  }
0xc: {  	[smem:$0x3FA8] =	sst s4  }
0xd: {  	[smem:$0x3FA9] =	sst s5  }
0xe: {  	[smem:$0x3FAA] =	sst s6  }
0xf: {  	[smem:$0x3FAB] =	sst s7  }
0x10: {  	[smem:$0x3FAC] =	sst s8  }
0x11: {  	[smem:$0x3FAD] =	sst s9;
	s0 =	simm.s32 @!p0 $0x0  }
0x12: {  	s1 =	sld [smem:$0x3F93];
	s0 =	simm.s32 @p0 $0x1  }
0x13: {  	[smem:$0x3FAE] =	sst s0;
	s0 =	simm.s32 @!p1 $0x0  }
0x14: {  	s2 =	sld [smem:$0x3F92];
	s0 =	simm.s32 @p1 $0x1  }
0x15: {  	[smem:$0x3FAF] =	sst s0;
	s0 =	simm.s32 @!p2 $0x0  }
0x16: {  	s3 =	sld [smem:$0x3FDB];
	s0 =	simm.s32 @p2 $0x1  }
0x17: {  	s4 =	simm.s32 $0x1BF5;
	[smem:$0x3FB1] =	sst s0  }
0x18: {  	s0 =	sld [smem:$0x3F94];
	_ =	swait.ge [sflag:s4], $0x0  }
0x19: {  	s7 =	sld [smem:$0x3F95]  }
0x1a: {  	s8 =	sadd.s32 $0xFFFFE003, lr  }
0x1b: {  	s9 =	sadd.s32 $0xFFFFFEF7, lr;
	s5 =	simm.s32 $0xFFFFFFFF;
	p2 =	slt.u32 s8, $0xFFFFF086  }
0x1c: {  	p1 =	slt.u32 s9, $0xF7A;
	s5 =	simm.s32 @!p2 $0x0  }
0x1d: {  	s5 =	simm.s32 @p1 $0x1;
	p0 =	seq.s32 s7, s2  }
0x1e: {  	s7 =	smul.u32 @!p0 $0xF7A, s2;
	p2 =	seq.s32 @!p0 s5, $0x0  }
0x1f: {  	s9 =	smul.u32 $0xF7A, s1;
	s8 =	simm.s32 @!p0 $0x1BF5;
	p2 =	por !p2, p0  }
0x20: {  	[sflag:s8] =	ssyncset.s32 @!p0 $0xFFFFF086;
	s6 =	sadd.s32 @!p0 s3, s7;
	s7 =	simm.s32 @!p0 $0x108  }
0x21: {  	s3 =	sadd.s32 s3, s9;
	s6 =	sadd.s32 @!p0 $0x88, s6;
	s7 =	simm.s32 @p2 $0x1082  }
0x22: {  	[simem:s7], [sflag:s8] =	dma.local @!p0 [hbm:s6], $0xF7A  }
0x23: {  	s9 =	sor.u32 $0xD0000000, s2;
	s6 =	simm.s32 $0x108;
	_ =	swait.ge @!p0 [sflag:s8], $0x0  }
0x24: {  	s3 =	sadd.s32 $0x88, s3;
	s6 =	simm.s32 @!p1 $0x1082;
	[sflag:s4] =	ssyncset.s32 $0xFFFFF086  }
0x25: {  	[simem:s6], [sflag:s4] =	dma.local [hbm:s3], $0xF7A  }
0x26: {  	[smem:$0x3F95] =	sst s1;
	(tag) =	ssettag s2;
	_ =	strace s9  }
0x27: {  	s1 =	sld [smem:$0x3FA5]  }
0x28: {  	s2 =	sld [smem:$0x3FA6]  }
0x29: {  	s4 =	sld [smem:$0x3FA8]  }
0x2a: {  	p0 =	seq.s32 s5, $0x0;
	s5 =	sld [smem:$0x3FA9]  }
0x2b: {  	s6 =	sld [smem:$0x3FAA]  }
0x2c: {  	s7 =	sld [smem:$0x3FAB]  }
0x2d: {  	s3 =	simm.s32 $0x108;
	s8 =	sld [smem:$0x3FAC]  }
0x2e: {  	s3 =	simm.s32 @!p0 $0x1082;
	s9 =	sld [smem:$0x3FAD]  }
0x2f: {  	lr =	sadd.s32 s0, s3;
	s0 =	sld [smem:$0x3FA4]  }
0x30: {  	s3 =	sld [smem:$0x3FA7]  }
0x31: {  	[smem:$0x3FB0] =	sst s10  }
0x32: {  	s10 =	sld [smem:$0x3FAE];
	_ =	sdelay $0x3  }
0x33: {  	p0 =	seq.s32 s10, $0x1;
	s10 =	sld [smem:$0x3FB0];
	_ =	sdelay $0x3  }
0x34: {  	[smem:$0x3FB0] =	sst s10  }
0x35: {  	s10 =	sld [smem:$0x3FAF];
	_ =	sdelay $0x3  }
0x36: {  	p1 =	seq.s32 s10, $0x1;
	s10 =	sld [smem:$0x3FB0];
	_ =	sdelay $0x3  }
0x37: {  	[smem:$0x3FB0] =	sst s10  }
0x38: {  	s10 =	sld [smem:$0x3FB1]  }
0x39: {  	_ = 	snop;
	(pc) =	sbr.ind lr, $3  }
0x3a: {  	_ = 	snop  }
0x3b: {  	_ = 	snop  }
0x3c: {  	p2 =	seq.s32 s10, $0x1;
	s10 =	sld [smem:$0x3FB0]  }
0x3d: {  	_ =	shalt  }
0x3e: {  	_ =	shalt  }
0x3f: {  	_ =	shalt  }
0x40: {  	_ =	shalt  }
0x41: {  	_ =	shalt  }
0x42: {  	_ =	shalt  }
0x43: {  	_ =	shalt  }
0x44: {  	_ =	shalt  }
0x45: {  	_ =	shalt  }
0x46: {  	_ =	shalt  }
0x47: {  	_ =	shalt  }
0x48: {  	_ =	shalt  }
0x49: {  	_ =	shalt  }
0x4a: {  	_ =	shalt  }
0x4b: {  	_ =	shalt  }
0x4c: {  	_ =	shalt  }
0x4d: {  	_ =	shalt  }
0x4e: {  	_ =	shalt  }
0x4f: {  	_ =	shalt  }
0x50: {  	_ =	shalt  }
0x51: {  	_ =	shalt  }
0x52: {  	_ =	shalt  }
0x53: {  	_ =	shalt  }
0x54: {  	_ =	shalt  }
0x55: {  	_ =	shalt  }
0x56: {  	_ =	shalt  }
0x57: {  	_ =	shalt  }
0x58: {  	_ =	shalt  }
0x59: {  	_ =	shalt  }
0x5a: {  	_ =	shalt  }
0x5b: {  	_ =	shalt  }
0x5c: {  	_ =	shalt  }
0x5d: {  	_ =	shalt  }
0x5e: {  	_ =	shalt  }
0x5f: {  	_ =	shalt  }
0x60: {  	_ =	shalt  }
0x61: {  	_ =	shalt  }
0x62: {  	_ =	shalt  }
0x63: {  	_ =	shalt  }
0x64: {  	_ =	shalt  }
0x65: {  	_ =	shalt  }
0x66: {  	_ =	shalt  }
0x67: {  	_ =	shalt  }
0x68: {  	_ =	shalt  }
0x69: {  	_ =	shalt  }
0x6a: {  	_ =	shalt  }
0x6b: {  	_ =	shalt  }
0x6c: {  	_ =	shalt  }
0x6d: {  	_ =	shalt  }
0x6e: {  	_ =	shalt  }
0x6f: {  	_ =	shalt  }
0x70: {  	_ =	shalt  }
0x71: {  	_ =	shalt  }
0x72: {  	_ =	shalt  }
0x73: {  	_ =	shalt  }
0x74: {  	_ =	shalt  }
0x75: {  	_ =	shalt  }
0x76: {  	_ =	shalt  }
0x77: {  	_ =	shalt  }
0x78: {  	_ =	shalt  }
0x79: {  	_ =	shalt  }
0x7a: {  	_ =	shalt  }
0x7b: {  	_ =	shalt  }
0x7c: {  	_ =	shalt  }
0x7d: {  	_ =	shalt  }
0x7e: {  	_ =	shalt  }
0x7f: {  	_ =	shalt  }
0x80: {  	_ =	shalt  }
0x81: {  	_ =	shalt  }
0x82: {  	_ =	shalt  }
0x83: {  	_ =	shalt  }
0x84: {  	_ =	shalt  }
0x85: {  	_ =	shalt  }
0x86: {  	_ =	shalt  }
0x87: {  	_ =	shalt  }
.Lfunc_end0:
.L_simem_size_0:
called_computation.3_lowered:
.L_overlay_start_0:
0x88: {  	s2 =	sld [smem:$0x3FD9]  }
0x89: {  	s3 =	sld [smem:$0x3FFE];
	_ =	sdelay $0x1  }
0x8a: {  	s1 =	srdreg.scid  }
0x8b: {  	s0 =	sand.u32 $0x1, s1  }
0x8c: {  	s17 =	sshll.u32 s0, $0xA;
	s2 =	sadd.s32 s3, s2  }
0x8d: {  	s2 =	sadd.s32 s2, s17  }
0x8e: {  	[smem:$0x3FBC] =	sst s2  }
0x8f: {  	_ = 	snop  }
0x90: {  	s2 =	sld [smem:$0x3FD0];
	(tm) =	ssettm $0x1  }
0x91: {  	s18 =	sld [smem:$0x3FFB];
	_ =	sdelay $0x3  }
0x92: {  	_ =	strace s18  }
0x93: {  	s3 =	sld [smem:$0x3FFC];
	_ =	sdelay $0x3  }
0x94: {  	_ =	strace s3  }
0x95: {  	s3 =	sld [smem:$0x3FFD];
	_ =	sdelay $0x3  }
0x96: {  	_ =	strace s3  }
0x97: {  	_ =	strace $0x8FFFFFFF  }
0x98: {  	s19 =	sld [smem:$0x3FDB];
	_ =	sdelay $0x1  }
0x99: {  	s4 =	simm.s32 $_scs_section_size  }
0x9a: {  	s5 =	simm.s32 $_size__tile_overlayer_lowered;
	s6 =	simm.s32 $_tile_overlayer_lowered  }
0x9b: {  	s22 =	simm.s32 $0x1BFF;
	s21 =	sshll.u32 s6, $0x1;
	s3 =	sadd.s32 s4, s19  }
0x9c: {  	s7 =	simm.s32 $0x0;
	s20 =	sshll.u32 s5, $0x1;
	s5 =	sadd.s32 s21, s3  }
0x9d: {  	[timem:s7], [sflag:s22] =	dma.local [hbm:s5], s20  }
0x9e: {  	_ =	swait.ge [sflag:s22], s20  }
0x9f: {  	s4 =	ssub.s32 $0x0, s20;
	[sflag:s22] =	ssyncset.done $0x0  }
0xa0: {  	[sflag:s22] =	ssyncadd.s32 s4;
	_ =	sdelay $0x1  }
0xa1: {  	s23 =	simm.s32 $0x1B8B  }
0xa2: {  	_ =	swait.ge [sflag:s23], $0x1  }
0xa3: {  	[sflag:s23] =	ssyncset.done $0x0  }
0xa4: {  	s25 =	simm.s32 $0x1B8E;
	s24 =	sld [smem:$0x3FFE];
	[sflag:s23] =	ssyncadd.s32 $0xFFFFFFFF  }
0xa5: {  	s26 =	simm.s32 $execute0_lowered;
	[smem:$0x3FD2] =	sst s25  }
0xa6: {  	s5 =	sshll.u32 s26, $0x1;
	_ =	strace $0x8000004F;
	[dreg:$0x1] =	wrdreg $0xFFFFFFFF  }
0xa7: {  	s28 =	simm.s32 $_size_execute0_lowered;
	s3 =	sadd.s32 s3, s5;
	[dreg:$0x0] =	wrdreg $0x0  }
0xa8: {  	s5 =	sshll.u32 s28, $0x1;
	[dreg:$0x2] =	wrdreg s3  }
0xa9: {  	[dreg:$0x3] =	wrdreg s5  }
0xaa: {  	[dreg:$0x4] =	wrdreg $0xC0  }
0xab: {  	_ =	task [dreg:s7], $0x5FFFF  }
0xac: {  	[dreg:$0x1] =	wrdreg $0xFFFFFFFF  }
0xad: {  	[dreg:$0x0] =	wrdreg $0x60  }
0xae: {  	[dreg:$0x2] =	wrdreg s24  }
0xaf: {  	[dreg:$0x3] =	wrdreg s2  }
0xb0: {  	[dreg:$0x4] =	wrdreg $0x41000  }
0xb1: {  	[dreg:$0x5] =	wrdreg $0x9  }
0xb2: {  	_ =	task.clear_ibuf [dreg:s7], $0x6FFFF;
	_ =	strace $0x9000004F  }
0xb3: {  	s29 =	simm.s32 $0x9;
	_ =	strace $0x80000051  }
0xb4: {  	_ =	swait.ge [sflag:s29], $0x1  }
0xb5: {  	[sflag:s29] =	ssyncadd.s32 $0xFFFFFFFF  }
0xb6: {  	_ =	strace $0x90000051  }
0xb7: {  	_ =	sfence  }
0xb8: {  	s30 =	sld [smem:$0x0];
	_ =	sdelay $0x2  }
0xb9: {  	s31 =	sshll.u32 s1, $0xD;
	s1 =	sshrl.u32 s1, $0x2  }
0xba: {  	s3 =	sand.u32 $0x4000, s31;
	s1 =	sadd.s32 s1, s30  }
0xbb: {  	s0 =	sor.u32 s3, s0;
	s1 =	sshll.u32 s1, $0x11  }
0xbc: {  	s0 =	sor.u32 s1, s0  }
0xbd: {  	s0 =	sadd.s32 $0x8F2B, s0  }
0xbe: {  	[sflag:s0] =	ssyncadd.remote.s32 $0x1  }
0xbf: {  	_ =	sfence.sel $0xFFFF  }
0xc0: {  	[dreg:$0x0] =	wrdreg $0xFFFFFFFF;
	(pc) =	sbr.abs _section_cstart, $3  }
0xc1: {  	[dreg:$0x1] =	wrdreg $0xFFFFFFFF  }
0xc2: {  	_ =	task.clear_ibuf [dreg:s7], $0x2FFFF;
	_ =	strace $0x9FFFFFFF  }
0xc3: {  	(tm) =	ssettm $0x7FFFFFFF  }
tec
execute0_lowered:
.L_overlay_start_1:
0x0: {  	(tag) =	ssettag $0x1  }
0x1: {  	s7 =	rddreg [dreg:$0x0]  }
0x2: {  	s1 =	rddreg [dreg:$0x1]  }
0x3: {  	s2 =	rddreg [dreg:$0x2]  }
0x4: {  	s3 =	srdreg.scid;
	s0 =	rddreg [dreg:$0x3];
	s4 =	simm.s32 $0x0  }
0x5: {  	s16 =	simm.s32 $0x100;
	s8 =	sand.u32 $0x1, s3;
	s3 =	stileid.u32  }
0x6: {  	s17 =	simm.s32 $0x0;
	[smem:$0x7FF] =	sst s4;
	s9 =	smul.u32 $0x2800, s8  }
0x7: {  	s5 =	sadd.s32 $0x69200, s7;
	s6 =	sadd.s32 $0x37200, s7;
	s10 =	smul.u32 $0x280, s3  }
0x8: {  	_ =	strace $0x80000050;
	s28 =	ssub.s32 $0x2, s8;
	s11 =	smul.u32 $0x50000, s3  }
0x9: {  	s13 =	smul.u32 $0x50000, s8;
	s31 =	sshll.u32 s3, $0x6;
	s9 =	sadd.s32 s10, s9  }
0xa: {  	s29 =	sshrl.u32 s28, $0x1;
	s30 =	sshrl.u32 s11, $0x2;
	s9 =	sshll.u32 s9, $0x4  }
0xb: {  	s14 =	ssub.s32 s28, s29;
	s15 =	sadd.s32 s30, s2;
	s12 =	sadd.s32 s9, s7  }
0xc: {  	s7 =	smul.u32 $0x5000, s3;
	s8 =	sadd.s32 s5, s9;
	s9 =	sor.u32 $0x1C01, s31  }
0xd: {  	s11 =	sadd.s32 $0xB9200, s12;
	s12 =	smax.u32 s14, $0x1;
	s14 =	simm.s32 $0x1  }
0xe: {  	s10 =	sadd.s32 s13, s7;
	s13 =	sshrl.u32 s15, $0x3;
	s15 =	simm.s32 $0x80  }
.LBB2_1:
0xf: {  	[spmem:s13], [sflag:s9] =	dma.local [hbm:s8], $0x2800  }
0x10: {  	s18 =	sand.u32 $0x7C00, s4  }
0x11: {  	s19 =	sand.u32 $0x380, s4;
	_ =	swait.ge [sflag:s14], $0x2800;
	s20 =	sadd.s32 s10, s18  }
0x12: {  	[sflag:s14] =	ssyncset.done $0x0;
	s20 =	sor.u32 s19, s20  }
0x13: {  	[sflag:s14] =	ssyncadd.s32 $0xFFFFD800;
	s20 =	sshrl.u32 s20, $0x3  }
0x14: {  	s18 =	sadd.s32 s7, s18;
	[bflag:$0x0] =	sbarrier.arrive $0xFFFF;
	s20 =	sadd.s32 s1, s20  }
0x15: {  	[tilespmem:s4], [sflag:$0x1] =	stream.linear.gather [hbm4b:s20+s4], $0x80, $0x38;
	[tilespmem:$0x18100] =	vst v63  }
0x16: {  	s18 =	sor.u32 s19, s18;
	_ =	swait.ge [sflag:s14], $0x80  }
0x17: {  	s18 =	sshrl.u32 s18, $0x3;
	[sflag:s14] =	ssyncset.done $0x0  }
0x18: {  	s18 =	sadd.s32 s6, s18;
	[sflag:s14] =	ssyncadd.s32 $0xFFFFFF80  }
0x19: {  	[tilespmem:s15], [sflag:$0x1] =	stream.linear.gather [hbm4b:s18+s4], $0x80, $0x38;
	[tilespmem:$0x18100] =	vst v63  }
0x1a: {  	_ =	swait.ge [sflag:s14], $0x80  }
0x1b: {  	s29 =	simm.s32 $0x80;
	[sflag:s14] =	ssyncset.done $0x0  }
0x1c: {  	s30 =	sand.u32 $0x7C00, s29;
	[sflag:s14] =	ssyncadd.s32 $0xFFFFFF80  }
0x1d: {  	[tilespmem:s16], [sflag:$0x1] =	stream.indirect.gather [hbm4b:s5+s15], $0x80, s4, s15, $0xb8;
	[tilespmem:$0x18100] =	vst v63  }
0x1e: {  	s31 =	sadd.s32 s10, s30;
	s21 =	sadd.s32 s7, s30;
	_ =	swait.ge [sflag:s14], $0x4000  }
0x1f: {  	s19 =	simm.s32 $0x100;
	s18 =	sand.u32 $0x380, s29;
	[sflag:s14] =	ssyncset.done $0x0  }
0x20: {  	s20 =	sor.u32 s18, s31;
	s18 =	sor.u32 s18, s21;
	[sflag:s14] =	ssyncadd.s32 $0xFFFFC000  }
0x21: {  	[spmem:s2] =	stream.indirect.scatter.add.f32 [tilespmem:s16], [sflag:$0x1], $0x80, s15, s15, $0xb8;
	[tilespmem:$0x18100] =	vst v63  }
.LBB2_2:
0x22: {  	s20 =	sshrl.u32 s20, $0x3  }
0x23: {  	s18 =	sshrl.u32 s18, $0x3;
	_ =	swait.ge [sflag:s14], $0x4000;
	s21 =	smov.u32 s19  }
0x24: {  	s22 =	sadd.s32 $0x80, s19;
	s20 =	sadd.s32 s1, s20;
	[sflag:s14] =	ssyncset.done $0x0  }
0x25: {  	p0 =	sne.s32 s19, $0x4E00;
	[sflag:s14] =	ssyncadd.s32 $0xFFFFC000  }
0x26: {  	[tilespmem:s4], [sflag:$0x1] =	stream.linear.gather [hbm4b:s20+s4], $0x80, $0x38;
	[tilespmem:$0x18100] =	vst v63  }
0x27: {  	_ =	swait.ge [sflag:s14], $0x80  }
0x28: {  	[sflag:s14] =	ssyncset.done $0x0  }
0x29: {  	s18 =	sadd.s32 s6, s18;
	[sflag:s14] =	ssyncadd.s32 $0xFFFFFF80  }
0x2a: {  	[tilespmem:s15], [sflag:$0x1] =	stream.linear.gather [hbm4b:s18+s4], $0x80, $0x38;
	[tilespmem:$0x18100] =	vst v63  }
0x2b: {  	_ =	swait.ge [sflag:s14], $0x80  }
0x2c: {  	[sflag:s14] =	ssyncset.done $0x0  }
0x2d: {  	[sflag:s14] =	ssyncadd.s32 $0xFFFFFF80  }
0x2e: {  	[tilespmem:s16], [sflag:$0x1] =	stream.indirect.gather [hbm4b:s5+s15], $0x80, s4, s15, $0xb8;
	[tilespmem:$0x18100] =	vst v63  }
.Ltmp0:
0x2f: {  	_ =	swait.ge [sflag:s14], $0x4000;
	(pc) =	sbr.rel @p0 .LBB2_2-.Ltmp0, $4  }
0x30: {  	s19 =	sand.u32 $0x380, s21;
	s18 =	sand.u32 $0x7C00, s21;
	[sflag:s14] =	ssyncset.done $0x0  }
0x31: {  	s20 =	sadd.s32 s10, s18;
	s18 =	sadd.s32 s7, s18;
	[sflag:s14] =	ssyncadd.s32 $0xFFFFC000  }
0x32: {  	s20 =	sor.u32 s19, s20;
	s18 =	sor.u32 s19, s18;
	s19 =	smov.u32 s22  }
0x33: {  	[spmem:s2] =	stream.indirect.scatter.add.f32 [tilespmem:s16], [sflag:$0x1], $0x80, s15, s15, $0xb8;
	[tilespmem:$0x18100] =	vst v63  }
0x34: {  	_ =	swait.ge [sflag:s14], $0x4000  }
0x35: {  	s19 =	sshrl.u32 s20, $0x3;
	[sflag:s14] =	ssyncset.done $0x0  }
0x36: {  	s19 =	sadd.s32 s1, s19;
	[sflag:s14] =	ssyncadd.s32 $0xFFFFC000  }
0x37: {  	[tilespmem:s4], [sflag:$0x1] =	stream.linear.gather [hbm4b:s19+s4], $0x80, $0x38;
	[tilespmem:$0x18100] =	vst v63  }
0x38: {  	_ =	swait.ge [sflag:s14], $0x80  }
0x39: {  	s18 =	sshrl.u32 s18, $0x3;
	[sflag:s14] =	ssyncset.done $0x0  }
0x3a: {  	s18 =	sadd.s32 s6, s18;
	[sflag:s14] =	ssyncadd.s32 $0xFFFFFF80  }
0x3b: {  	[tilespmem:s15], [sflag:$0x1] =	stream.linear.gather [hbm4b:s18+s4], $0x80, $0x38;
	[tilespmem:$0x18100] =	vst v63  }
0x3c: {  	_ =	swait.ge [sflag:s14], $0x80  }
0x3d: {  	[sflag:s14] =	ssyncset.done $0x0  }
0x3e: {  	[sflag:s14] =	ssyncadd.s32 $0xFFFFFF80  }
0x3f: {  	[tilespmem:s16], [sflag:$0x1] =	stream.indirect.gather [hbm4b:s5+s15], $0x80, s4, s15, $0xb8;
	[tilespmem:$0x18100] =	vst v63  }
0x40: {  	_ =	swait.ge [sflag:s14], $0x4000  }
0x41: {  	[sflag:s14] =	ssyncset.done $0x0  }
0x42: {  	[sflag:s14] =	ssyncadd.s32 $0xFFFFC000  }
0x43: {  	[spmem:s2] =	stream.indirect.scatter.add.f32 [tilespmem:s16], [sflag:$0x1], $0x80, s15, s15, $0xb8;
	[tilespmem:$0x18100] =	vst v63  }
0x44: {  	_ =	swait.ge [sflag:s14], $0x4000  }
0x45: {  	s17 =	sadd.s32 $0x1, s17;
	[sflag:s14] =	ssyncset.done $0x0  }
0x46: {  	p0 =	sne.s32 s17, s12;
	[sflag:s14] =	ssyncadd.s32 $0xFFFFC000  }
.Ltmp1:
0x47: {  	[bflag:$0x0] =	sbarrier.arrive $0xFFFF;
	(pc) =	sbr.rel @p0 .LBB2_1-.Ltmp1, $4  }
0x48: {  	[hbm:s11], [sflag:s9] =	dma.local [spmem:s13], $0x2800  }
0x49: {  	_ =	swait.ge [sflag:s14], $0x2800  }
0x4a: {  	[sflag:s14] =	ssyncset.done $0x0  }
0x4b: {  	[sflag:s14] =	ssyncadd.s32 $0xFFFFD800  }
0x4c: {  	_ =	sfence.sel $0x180000  }
0x4d: {  	[bflag:$0x0] =	sbarrier.arrive $0xFFFF  }
0x4e: {  	p0 =	sne.s32 s3, $0x0;
	_ =	strace $0x90000050  }
0x4f: {  	s0 =	sadd.s32 @!p0 $0x100000, s0;
	[bflag:$0x2] =	sbarrier.arrive $0xFFFF  }
0x50: {  	[sflag:s0] =	ssyncadd.tile.s32 @!p0 $0x1;
	_ =	shalt  }
.Lfunc_end2:
_tile_overlayer_lowered:
.L_overlay_start_2:
0x51: {  	(tag) =	ssettag $0x2  }
0x52: {  	s0 =	rddreg [dreg:$0x0];
	s2 =	stileid.u32  }
0x53: {  	s1 =	rddreg [dreg:$0x1];
	p0 =	sne.s32 s2, $0x0  }
0x54: {  	s3 =	rddreg [dreg:$0x2];
	[bflag:$0x3] =	sbarrier.arrive $0xFFFF;
	s2 =	simm.s32 @!p0 $0x1C01  }
0x55: {  	[timem:s3], [sflag:s2] =	dma.local @!p0 [hbm:s0], s1  }
0x56: {  	s0 =	simm.s32 @!p0 $0x1  }
0x57: {  	_ =	swait.ge @!p0 [sflag:s0], s1  }
0x58: {  	s1 =	ssub.s32 @!p0 $0x0, s1;
	[sflag:s0] =	ssyncset.done @!p0 $0x0  }
0x59: {  	[sflag:s0] =	ssyncadd.s32 @!p0 s1  }
0x5a: {  	[bflag:$0x3] =	sbarrier.arrive $0xFFFF  }
0x5b: {  	_ =	shalt  }

// kernel: kernel.26.cloned.1.call-start
scs
__scs_entry_jumppad:
0x0: {  	(pc) =	sbr.rel $0x88, $3  }
0x1: {  	(tag) =	ssettag $0x0;
	lr =	simm.s32 $0x1  }
0x2: {  	[smem:$0x3F95] =	sst lr;
	_ =	strace $0xD0000000  }
0x3: {  	_ = 	snop  }
0x4: {  	_ = 	snop  }
0x5: {  	_ = 	snop  }
0x6: {  	_ = 	snop  }
0x7: {  	_ = 	snop  }
__scs_overlays_trampoline_lowered:
0x8: {  	[smem:$0x3FA4] =	sst s0  }
0x9: {  	[smem:$0x3FA5] =	sst s1  }
0xa: {  	[smem:$0x3FA6] =	sst s2  }
0xb: {  	[smem:$0x3FA7] =	sst s3  }
0xc: {  	[smem:$0x3FA8] =	sst s4  }
0xd: {  	[smem:$0x3FA9] =	sst s5  }
0xe: {  	[smem:$0x3FAA] =	sst s6  }
0xf: {  	[smem:$0x3FAB] =	sst s7  }
0x10: {  	[smem:$0x3FAC] =	sst s8  }
0x11: {  	[smem:$0x3FAD] =	sst s9;
	s0 =	simm.s32 @!p0 $0x0  }
0x12: {  	s1 =	sld [smem:$0x3F93];
	s0 =	simm.s32 @p0 $0x1  }
0x13: {  	[smem:$0x3FAE] =	sst s0;
	s0 =	simm.s32 @!p1 $0x0  }
0x14: {  	s2 =	sld [smem:$0x3F92];
	s0 =	simm.s32 @p1 $0x1  }
0x15: {  	[smem:$0x3FAF] =	sst s0;
	s0 =	simm.s32 @!p2 $0x0  }
0x16: {  	s3 =	sld [smem:$0x3FDB];
	s0 =	simm.s32 @p2 $0x1  }
0x17: {  	s4 =	simm.s32 $0x1BF5;
	[smem:$0x3FB1] =	sst s0  }
0x18: {  	s0 =	sld [smem:$0x3F94];
	_ =	swait.ge [sflag:s4], $0x0  }
0x19: {  	s7 =	sld [smem:$0x3F95]  }
0x1a: {  	s8 =	sadd.s32 $0xFFFFE003, lr  }
0x1b: {  	s9 =	sadd.s32 $0xFFFFFEF7, lr;
	s5 =	simm.s32 $0xFFFFFFFF;
	p2 =	slt.u32 s8, $0xFFFFF086  }
0x1c: {  	p1 =	slt.u32 s9, $0xF7A;
	s5 =	simm.s32 @!p2 $0x0  }
0x1d: {  	s5 =	simm.s32 @p1 $0x1;
	p0 =	seq.s32 s7, s2  }
0x1e: {  	s7 =	smul.u32 @!p0 $0xF7A, s2;
	p2 =	seq.s32 @!p0 s5, $0x0  }
0x1f: {  	s9 =	smul.u32 $0xF7A, s1;
	s8 =	simm.s32 @!p0 $0x1BF5;
	p2 =	por !p2, p0  }
0x20: {  	[sflag:s8] =	ssyncset.s32 @!p0 $0xFFFFF086;
	s6 =	sadd.s32 @!p0 s3, s7;
	s7 =	simm.s32 @!p0 $0x108  }
0x21: {  	s3 =	sadd.s32 s3, s9;
	s6 =	sadd.s32 @!p0 $0x88, s6;
	s7 =	simm.s32 @p2 $0x1082  }
0x22: {  	[simem:s7], [sflag:s8] =	dma.local @!p0 [hbm:s6], $0xF7A  }
0x23: {  	s9 =	sor.u32 $0xD0000000, s2;
	s6 =	simm.s32 $0x108;
	_ =	swait.ge @!p0 [sflag:s8], $0x0  }
0x24: {  	s3 =	sadd.s32 $0x88, s3;
	s6 =	simm.s32 @!p1 $0x1082;
	[sflag:s4] =	ssyncset.s32 $0xFFFFF086  }
0x25: {  	[simem:s6], [sflag:s4] =	dma.local [hbm:s3], $0xF7A  }
0x26: {  	[smem:$0x3F95] =	sst s1;
	(tag) =	ssettag s2;
	_ =	strace s9  }
0x27: {  	s1 =	sld [smem:$0x3FA5]  }
0x28: {  	s2 =	sld [smem:$0x3FA6]  }
0x29: {  	s4 =	sld [smem:$0x3FA8]  }
0x2a: {  	p0 =	seq.s32 s5, $0x0;
	s5 =	sld [smem:$0x3FA9]  }
0x2b: {  	s6 =	sld [smem:$0x3FAA]  }
0x2c: {  	s7 =	sld [smem:$0x3FAB]  }
0x2d: {  	s3 =	simm.s32 $0x108;
	s8 =	sld [smem:$0x3FAC]  }
0x2e: {  	s3 =	simm.s32 @!p0 $0x1082;
	s9 =	sld [smem:$0x3FAD]  }
0x2f: {  	lr =	sadd.s32 s0, s3;
	s0 =	sld [smem:$0x3FA4]  }
0x30: {  	s3 =	sld [smem:$0x3FA7]  }
0x31: {  	[smem:$0x3FB0] =	sst s10  }
0x32: {  	s10 =	sld [smem:$0x3FAE];
	_ =	sdelay $0x3  }
0x33: {  	p0 =	seq.s32 s10, $0x1;
	s10 =	sld [smem:$0x3FB0];
	_ =	sdelay $0x3  }
0x34: {  	[smem:$0x3FB0] =	sst s10  }
0x35: {  	s10 =	sld [smem:$0x3FAF];
	_ =	sdelay $0x3  }
0x36: {  	p1 =	seq.s32 s10, $0x1;
	s10 =	sld [smem:$0x3FB0];
	_ =	sdelay $0x3  }
0x37: {  	[smem:$0x3FB0] =	sst s10  }
0x38: {  	s10 =	sld [smem:$0x3FB1]  }
0x39: {  	_ = 	snop;
	(pc) =	sbr.ind lr, $3  }
0x3a: {  	_ = 	snop  }
0x3b: {  	_ = 	snop  }
0x3c: {  	p2 =	seq.s32 s10, $0x1;
	s10 =	sld [smem:$0x3FB0]  }
0x3d: {  	_ =	shalt  }
0x3e: {  	_ =	shalt  }
0x3f: {  	_ =	shalt  }
0x40: {  	_ =	shalt  }
0x41: {  	_ =	shalt  }
0x42: {  	_ =	shalt  }
0x43: {  	_ =	shalt  }
0x44: {  	_ =	shalt  }
0x45: {  	_ =	shalt  }
0x46: {  	_ =	shalt  }
0x47: {  	_ =	shalt  }
0x48: {  	_ =	shalt  }
0x49: {  	_ =	shalt  }
0x4a: {  	_ =	shalt  }
0x4b: {  	_ =	shalt  }
0x4c: {  	_ =	shalt  }
0x4d: {  	_ =	shalt  }
0x4e: {  	_ =	shalt  }
0x4f: {  	_ =	shalt  }
0x50: {  	_ =	shalt  }
0x51: {  	_ =	shalt  }
0x52: {  	_ =	shalt  }
0x53: {  	_ =	shalt  }
0x54: {  	_ =	shalt  }
0x55: {  	_ =	shalt  }
0x56: {  	_ =	shalt  }
0x57: {  	_ =	shalt  }
0x58: {  	_ =	shalt  }
0x59: {  	_ =	shalt  }
0x5a: {  	_ =	shalt  }
0x5b: {  	_ =	shalt  }
0x5c: {  	_ =	shalt  }
0x5d: {  	_ =	shalt  }
0x5e: {  	_ =	shalt  }
0x5f: {  	_ =	shalt  }
0x60: {  	_ =	shalt  }
0x61: {  	_ =	shalt  }
0x62: {  	_ =	shalt  }
0x63: {  	_ =	shalt  }
0x64: {  	_ =	shalt  }
0x65: {  	_ =	shalt  }
0x66: {  	_ =	shalt  }
0x67: {  	_ =	shalt  }
0x68: {  	_ =	shalt  }
0x69: {  	_ =	shalt  }
0x6a: {  	_ =	shalt  }
0x6b: {  	_ =	shalt  }
0x6c: {  	_ =	shalt  }
0x6d: {  	_ =	shalt  }
0x6e: {  	_ =	shalt  }
0x6f: {  	_ =	shalt  }
0x70: {  	_ =	shalt  }
0x71: {  	_ =	shalt  }
0x72: {  	_ =	shalt  }
0x73: {  	_ =	shalt  }
0x74: {  	_ =	shalt  }
0x75: {  	_ =	shalt  }
0x76: {  	_ =	shalt  }
0x77: {  	_ =	shalt  }
0x78: {  	_ =	shalt  }
0x79: {  	_ =	shalt  }
0x7a: {  	_ =	shalt  }
0x7b: {  	_ =	shalt  }
0x7c: {  	_ =	shalt  }
0x7d: {  	_ =	shalt  }
0x7e: {  	_ =	shalt  }
0x7f: {  	_ =	shalt  }
0x80: {  	_ =	shalt  }
0x81: {  	_ =	shalt  }
0x82: {  	_ =	shalt  }
0x83: {  	_ =	shalt  }
0x84: {  	_ =	shalt  }
0x85: {  	_ =	shalt  }
0x86: {  	_ =	shalt  }
0x87: {  	_ =	shalt  }
.Lfunc_end0:
.L_simem_size_0:
called_computation.4_lowered:
.L_overlay_start_0:
0x88: {  	s2 =	sld [smem:$0x3FD9]  }
0x89: {  	s3 =	sld [smem:$0x3FFE];
	_ =	sdelay $0x1  }
0x8a: {  	s1 =	srdreg.scid  }
0x8b: {  	s0 =	sand.u32 $0x1, s1  }
0x8c: {  	s16 =	sshll.u32 s0, $0xA;
	s2 =	sadd.s32 s3, s2  }
0x8d: {  	s2 =	sadd.s32 s2, s16  }
0x8e: {  	[smem:$0x3FBC] =	sst s2  }
0x8f: {  	_ = 	snop  }
0x90: {  	(tm) =	ssettm $0x1  }
0x91: {  	s17 =	sld [smem:$0x3FFB];
	_ =	sdelay $0x3  }
0x92: {  	_ =	strace s17  }
0x93: {  	s2 =	sld [smem:$0x3FFC];
	_ =	sdelay $0x3  }
0x94: {  	_ =	strace s2  }
0x95: {  	s2 =	sld [smem:$0x3FFD];
	_ =	sdelay $0x3  }
0x96: {  	_ =	strace s2  }
0x97: {  	_ =	strace $0x8FFFFFFF  }
0x98: {  	s18 =	sld [smem:$0x3FDB];
	_ =	sdelay $0x1  }
0x99: {  	s19 =	simm.s32 $_scs_section_size  }
0x9a: {  	s4 =	simm.s32 $_size__tile_overlayer_lowered;
	s5 =	simm.s32 $_tile_overlayer_lowered  }
0x9b: {  	s22 =	simm.s32 $0x1BFF;
	s21 =	sshll.u32 s5, $0x1;
	s2 =	sadd.s32 s19, s18  }
0x9c: {  	s6 =	simm.s32 $0x0;
	s20 =	sshll.u32 s4, $0x1;
	s4 =	sadd.s32 s21, s2  }
0x9d: {  	[timem:s6], [sflag:s22] =	dma.local [hbm:s4], s20  }
0x9e: {  	_ =	swait.ge [sflag:s22], s20  }
0x9f: {  	s3 =	ssub.s32 $0x0, s20;
	[sflag:s22] =	ssyncset.done $0x0  }
0xa0: {  	[sflag:s22] =	ssyncadd.s32 s3;
	_ =	sdelay $0x1  }
0xa1: {  	s23 =	simm.s32 $0x1B8B  }
0xa2: {  	_ =	swait.ge [sflag:s23], $0x1  }
0xa3: {  	[sflag:s23] =	ssyncset.done $0x0  }
0xa4: {  	s25 =	simm.s32 $0x1B8E;
	s24 =	sld [smem:$0x3FFE];
	[sflag:s23] =	ssyncadd.s32 $0xFFFFFFFF  }
0xa5: {  	s26 =	simm.s32 $execute0_lowered;
	[smem:$0x3FD2] =	sst s25  }
0xa6: {  	s4 =	sshll.u32 s26, $0x1;
	_ =	strace $0x80000052;
	[dreg:$0x1] =	wrdreg $0xFFFFFFFF  }
0xa7: {  	s28 =	simm.s32 $_size_execute0_lowered;
	s2 =	sadd.s32 s2, s4;
	[dreg:$0x0] =	wrdreg $0x0  }
0xa8: {  	s4 =	sshll.u32 s28, $0x1;
	[dreg:$0x2] =	wrdreg s2  }
0xa9: {  	[dreg:$0x3] =	wrdreg s4  }
0xaa: {  	[dreg:$0x4] =	wrdreg $0xC0  }
0xab: {  	_ =	task [dreg:s6], $0x5FFFF  }
0xac: {  	[dreg:$0x1] =	wrdreg $0xFFFFFFFF  }
0xad: {  	[dreg:$0x0] =	wrdreg $0x60  }
0xae: {  	[dreg:$0x2] =	wrdreg s24  }
0xaf: {  	[dreg:$0x3] =	wrdreg $0x41000  }
0xb0: {  	[dreg:$0x4] =	wrdreg $0x9  }
0xb1: {  	_ =	task.clear_ibuf [dreg:s6], $0x5FFFF;
	_ =	strace $0x90000052  }
0xb2: {  	s29 =	simm.s32 $0x9;
	_ =	strace $0x80000054  }
0xb3: {  	_ =	swait.ge [sflag:s29], $0x1  }
0xb4: {  	[sflag:s29] =	ssyncadd.s32 $0xFFFFFFFF  }
0xb5: {  	_ =	strace $0x90000054  }
0xb6: {  	_ =	sfence  }
0xb7: {  	s30 =	sld [smem:$0x0];
	_ =	sdelay $0x2  }
0xb8: {  	s31 =	sshll.u32 s1, $0xD;
	s1 =	sshrl.u32 s1, $0x2  }
0xb9: {  	s3 =	sand.u32 $0x4000, s31;
	s1 =	sadd.s32 s1, s30  }
0xba: {  	s0 =	sor.u32 s3, s0;
	s1 =	sshll.u32 s1, $0x11  }
0xbb: {  	s0 =	sor.u32 s1, s0  }
0xbc: {  	s0 =	sadd.s32 $0x8F2B, s0  }
0xbd: {  	[sflag:s0] =	ssyncadd.remote.s32 $0x1  }
0xbe: {  	_ =	sfence.sel $0xFFFF  }
0xbf: {  	[dreg:$0x0] =	wrdreg $0xFFFFFFFF;
	(pc) =	sbr.abs _section_cstart, $3  }
0xc0: {  	[dreg:$0x1] =	wrdreg $0xFFFFFFFF  }
0xc1: {  	_ =	task.clear_ibuf [dreg:s6], $0x2FFFF;
	_ =	strace $0x9FFFFFFF  }
0xc2: {  	(tm) =	ssettm $0x7FFFFFFF  }
0xc3: {  	_ =	shalt  }
tec
execute0_lowered:
.L_overlay_start_1:
0x0: {  	(tag) =	ssettag $0x1  }
0x1: {  	s7 =	rddreg [dreg:$0x0]  }
0x2: {  	s1 =	rddreg [dreg:$0x1];
	s2 =	srdreg.scid  }
0x3: {  	s0 =	rddreg [dreg:$0x2];
	s3 =	simm.s32 $0x0;
	s10 =	sand.u32 $0x1, s2  }
0x4: {  	s16 =	simm.s32 $0x0;
	s2 =	stileid.u32;
	s8 =	smul.u32 $0x140000, s10  }
0x5: {  	[smem:$0x7FF] =	sst s3;
	s4 =	sadd.s32 $0xF200, s7;
	s9 =	smul.u32 $0x14000, s2  }
0x6: {  	s5 =	sadd.s32 $0x5F200, s7;
	s6 =	sadd.s32 $0x2A00, s7;
	s28 =	smul.u32 $0x50000, s2  }
0x7: {  	s11 =	sadd.s32 $0xCA00, s7;
	_ =	strace $0x80000053;
	s30 =	smul.u32 $0x2800, s2  }
0x8: {  	s29 =	ssub.s32 $0x2, s10;
	s14 =	smul.u32 $0x28000, s10;
	p0 =	sne.s32 s10, $0x0  }
0x9: {  	s31 =	sshll.u32 s2, $0x6;
	s13 =	sshrl.u32 s29, $0x1;
	s8 =	sadd.s32 s9, s8  }
0xa: {  	s9 =	sshrl.u32 s28, $0x2;
	s13 =	ssub.s32 s29, s13;
	s8 =	sshrl.u32 s8, $0x3  }
0xb: {  	s15 =	sadd.s32 s9, s1;
	s10 =	smax.u32 s13, $0x1;
	s13 =	simm.s32 $0x1  }
0xc: {  	s12 =	sadd.s32 s8, s7;
	s7 =	sadd.s32 s4, s30;
	s8 =	sadd.s32 s30, s14  }
0xd: {  	s14 =	simm.s32 $0x80;
	s9 =	sadd.s32 $0x69200, s12;
	s7 =	smov.u32 @p0 s11  }
0xe: {  	s11 =	sor.u32 $0x1C01, s31;
	s12 =	sshrl.u32 s15, $0x3;
	s15 =	simm.s32 $0x100  }
.LBB2_1:
0xf: {  	[spmem:s12], [sflag:s11] =	dma.local [hbm:s7], $0x2800  }
0x10: {  	s17 =	sand.u32 $0x3C00, s3  }
0x11: {  	s18 =	sand.u32 $0x380, s3;
	_ =	swait.ge [sflag:s13], $0x2800;
	s17 =	sadd.s32 s17, s8  }
0x12: {  	[sflag:s13] =	ssyncset.done $0x0;
	s17 =	sor.u32 s18, s17  }
0x13: {  	[sflag:s13] =	ssyncadd.s32 $0xFFFFD800;
	s17 =	sshrl.u32 s17, $0x3  }
0x14: {  	[bflag:$0x0] =	sbarrier.arrive $0xFFFF;
	s29 =	sadd.s32 s5, s17  }
0x15: {  	[tilespmem:s3], [sflag:$0x1] =	stream.linear.gather [hbm4b:s29+s3], $0x80, $0x38;
	[tilespmem:$0x18100] =	vst v63  }
0x16: {  	_ =	swait.ge [sflag:s13], $0x80  }
0x17: {  	[sflag:s13] =	ssyncset.done $0x0  }
0x18: {  	s17 =	sadd.s32 s6, s17;
	[sflag:s13] =	ssyncadd.s32 $0xFFFFFF80  }
0x19: {  	[tilespmem:s14], [sflag:$0x1] =	stream.linear.gather [hbm4b:s17+s3], $0x80, $0x38;
	[tilespmem:$0x18100] =	vst v63  }
0x1a: {  	_ =	swait.ge [sflag:s13], $0x80  }
0x1b: {  	[sflag:s13] =	ssyncset.done $0x0  }
0x1c: {  	[sflag:s13] =	ssyncadd.s32 $0xFFFFFF80  }
0x1d: {  	[tilespmem:s15], [sflag:$0x1] =	stream.indirect.gather [hbm4b:s4+s14], $0x80, s3, s14, $0xb8;
	[tilespmem:$0x18100] =	vst v63  }
0x1e: {  	_ =	swait.ge [sflag:s13], $0x4000  }
0x1f: {  	s30 =	simm.s32 $0x80;
	[sflag:s13] =	ssyncset.done $0x0  }
0x20: {  	s31 =	sand.u32 $0x3C00, s30;
	[sflag:s13] =	ssyncadd.s32 $0xFFFFC000  }
0x21: {  	[spmem:s1] =	stream.indirect.scatter.add.f32 [tilespmem:s15], [sflag:$0x1], $0x80, s14, s14, $0xb8;
	[tilespmem:$0x18100] =	vst v63  }
0x22: {  	s19 =	sand.u32 $0x380, s30;
	s18 =	sadd.s32 s31, s8;
	_ =	swait.ge [sflag:s13], $0x4000  }
0x23: {  	s18 =	sor.u32 s19, s18;
	s17 =	simm.s32 $0x100;
	[sflag:s13] =	ssyncset.done $0x0  }
.LBB2_2:
0x24: {  	s18 =	sshrl.u32 s18, $0x3  }
0x25: {  	[sflag:s13] =	ssyncadd.s32 $0xFFFFC000;
	s19 =	smov.u32 s17;
	s20 =	sadd.s32 $0x80, s17  }
0x26: {  	p0 =	sne.s32 s17, $0x2700;
	s17 =	sadd.s32 s5, s18  }
0x27: {  	[tilespmem:s3], [sflag:$0x1] =	stream.linear.gather [hbm4b:s17+s3], $0x80, $0x38;
	[tilespmem:$0x18100] =	vst v63  }
0x28: {  	_ =	swait.ge [sflag:s13], $0x80  }
0x29: {  	[sflag:s13] =	ssyncset.done $0x0  }
0x2a: {  	s17 =	sadd.s32 s6, s18;
	[sflag:s13] =	ssyncadd.s32 $0xFFFFFF80  }
0x2b: {  	[tilespmem:s14], [sflag:$0x1] =	stream.linear.gather [hbm4b:s17+s3], $0x80, $0x38;
	[tilespmem:$0x18100] =	vst v63  }
0x2c: {  	_ =	swait.ge [sflag:s13], $0x80  }
0x2d: {  	[sflag:s13] =	ssyncset.done $0x0  }
0x2e: {  	[sflag:s13] =	ssyncadd.s32 $0xFFFFFF80  }
0x2f: {  	[tilespmem:s15], [sflag:$0x1] =	stream.indirect.gather [hbm4b:s4+s14], $0x80, s3, s14, $0xb8;
	[tilespmem:$0x18100] =	vst v63  }
0x30: {  	_ =	swait.ge [sflag:s13], $0x4000  }
.Ltmp0:
0x31: {  	[sflag:s13] =	ssyncset.done $0x0;
	(pc) =	sbr.rel @p0 .LBB2_2-.Ltmp0, $4  }
0x32: {  	s17 =	sand.u32 $0x3C00, s19;
	[sflag:s13] =	ssyncadd.s32 $0xFFFFC000  }
0x33: {  	[spmem:s1] =	stream.indirect.scatter.add.f32 [tilespmem:s15], [sflag:$0x1], $0x80, s14, s14, $0xb8;
	[tilespmem:$0x18100] =	vst v63  }
0x34: {  	s18 =	sand.u32 $0x380, s19;
	s17 =	sadd.s32 s17, s8;
	_ =	swait.ge [sflag:s13], $0x4000  }
0x35: {  	s18 =	sor.u32 s18, s17;
	s17 =	smov.u32 s20;
	[sflag:s13] =	ssyncset.done $0x0  }
0x36: {  	s17 =	sshrl.u32 s18, $0x3  }
0x37: {  	[sflag:s13] =	ssyncadd.s32 $0xFFFFC000;
	s18 =	sadd.s32 s5, s17  }
0x38: {  	[tilespmem:s3], [sflag:$0x1] =	stream.linear.gather [hbm4b:s18+s3], $0x80, $0x38;
	[tilespmem:$0x18100] =	vst v63  }
0x39: {  	_ =	swait.ge [sflag:s13], $0x80  }
0x3a: {  	[sflag:s13] =	ssyncset.done $0x0  }
0x3b: {  	s17 =	sadd.s32 s6, s17;
	[sflag:s13] =	ssyncadd.s32 $0xFFFFFF80  }
0x3c: {  	[tilespmem:s14], [sflag:$0x1] =	stream.linear.gather [hbm4b:s17+s3], $0x80, $0x38;
	[tilespmem:$0x18100] =	vst v63  }
0x3d: {  	_ =	swait.ge [sflag:s13], $0x80  }
0x3e: {  	[sflag:s13] =	ssyncset.done $0x0  }
0x3f: {  	[sflag:s13] =	ssyncadd.s32 $0xFFFFFF80  }
0x40: {  	[tilespmem:s15], [sflag:$0x1] =	stream.indirect.gather [hbm4b:s4+s14], $0x80, s3, s14, $0xb8;
	[tilespmem:$0x18100] =	vst v63  }
0x41: {  	_ =	swait.ge [sflag:s13], $0x4000  }
0x42: {  	[sflag:s13] =	ssyncset.done $0x0  }
0x43: {  	[sflag:s13] =	ssyncadd.s32 $0xFFFFC000  }
0x44: {  	[spmem:s1] =	stream.indirect.scatter.add.f32 [tilespmem:s15], [sflag:$0x1], $0x80, s14, s14, $0xb8;
	[tilespmem:$0x18100] =	vst v63  }
0x45: {  	_ =	swait.ge [sflag:s13], $0x4000  }
0x46: {  	s16 =	sadd.s32 $0x1, s16;
	[sflag:s13] =	ssyncset.done $0x0  }
0x47: {  	p0 =	sne.s32 s16, s10;
	[sflag:s13] =	ssyncadd.s32 $0xFFFFC000  }
.Ltmp1:
0x48: {  	[bflag:$0x0] =	sbarrier.arrive $0xFFFF;
	(pc) =	sbr.rel @p0 .LBB2_1-.Ltmp1, $4  }
0x49: {  	[hbm:s9], [sflag:s11] =	dma.local [spmem:s12], $0x2800  }
0x4a: {  	_ =	swait.ge [sflag:s13], $0x2800  }
0x4b: {  	[sflag:s13] =	ssyncset.done $0x0  }
0x4c: {  	[sflag:s13] =	ssyncadd.s32 $0xFFFFD800  }
0x4d: {  	_ =	sfence.sel $0x180000  }
0x4e: {  	[bflag:$0x0] =	sbarrier.arrive $0xFFFF  }
0x4f: {  	p0 =	sne.s32 s2, $0x0;
	_ =	strace $0x90000053  }
0x50: {  	s0 =	sadd.s32 @!p0 $0x100000, s0;
	[bflag:$0x2] =	sbarrier.arrive $0xFFFF  }
0x51: {  	[sflag:s0] =	ssyncadd.tile.s32 @!p0 $0x1;
	_ =	shalt  }
.Lfunc_end2:
_tile_overlayer_lowered:
.L_overlay_start_2:
0x52: {  	(tag) =	ssettag $0x2  }
0x53: {  	s0 =	rddreg [dreg:$0x0];
	s2 =	stileid.u32  }
0x54: {  	s1 =	rddreg [dreg:$0x1];
	p0 =	sne.s32 s2, $0x0  }
0x55: {  	s3 =	rddreg [dreg:$0x2];
	[bflag:$0x3] =	sbarrier.arrive $0xFFFF;
	s2 =	simm.s32 @!p0 $0x1C01  }
0x56: {  	[timem:s3], [sflag:s2] =	dma.local @!p0 [hbm:s0], s1  }
0x57: {  	s0 =	simm.s32 @!p0 $0x1  }
0x58: {  	_ =	swait.ge @!p0 [sflag:s0], s1  }
0x59: {  	s1 =	ssub.s32 @!p0 $0x0, s1;
	[sflag:s0] =	ssyncset.done @!p0 $0x0  }
0x5a: {  	[sflag:s0] =	ssyncadd.s32 @!p0 s1  }
0x5b: {  	[bflag:$0x3] =	sbarrier.arrive $0xFFFF  }
0x5c: {  	_ =	shalt  }

// kernel: kernel.29.cloned.1.call-start
scs
__scs_entry_jumppad:
0x0: {  	(pc) =	sbr.rel $0x88, $3  }
0x1: {  	(tag) =	ssettag $0x0;
	lr =	simm.s32 $0x1  }
0x2: {  	[smem:$0x3F95] =	sst lr;
	_ =	strace $0xD0000000  }
0x3: {  	_ = 	snop  }
0x4: {  	_ = 	snop  }
0x5: {  	_ = 	snop  }
0x6: {  	_ = 	snop  }
0x7: {  	_ = 	snop  }
__scs_overlays_trampoline_lowered:
0x8: {  	[smem:$0x3FA4] =	sst s0  }
0x9: {  	[smem:$0x3FA5] =	sst s1  }
0xa: {  	[smem:$0x3FA6] =	sst s2  }
0xb: {  	[smem:$0x3FA7] =	sst s3  }
0xc: {  	[smem:$0x3FA8] =	sst s4  }
0xd: {  	[smem:$0x3FA9] =	sst s5  }
0xe: {  	[smem:$0x3FAA] =	sst s6  }
0xf: {  	[smem:$0x3FAB] =	sst s7  }
0x10: {  	[smem:$0x3FAC] =	sst s8  }
0x11: {  	[smem:$0x3FAD] =	sst s9;
	s0 =	simm.s32 @!p0 $0x0  }
0x12: {  	s1 =	sld [smem:$0x3F93];
	s0 =	simm.s32 @p0 $0x1  }
0x13: {  	[smem:$0x3FAE] =	sst s0;
	s0 =	simm.s32 @!p1 $0x0  }
0x14: {  	s2 =	sld [smem:$0x3F92];
	s0 =	simm.s32 @p1 $0x1  }
0x15: {  	[smem:$0x3FAF] =	sst s0;
	s0 =	simm.s32 @!p2 $0x0  }
0x16: {  	s3 =	sld [smem:$0x3FDB];
	s0 =	simm.s32 @p2 $0x1  }
0x17: {  	s4 =	simm.s32 $0x1BF5;
	[smem:$0x3FB1] =	sst s0  }
0x18: {  	s0 =	sld [smem:$0x3F94];
	_ =	swait.ge [sflag:s4], $0x0  }
0x19: {  	s7 =	sld [smem:$0x3F95]  }
0x1a: {  	s8 =	sadd.s32 $0xFFFFE003, lr  }
0x1b: {  	s9 =	sadd.s32 $0xFFFFFEF7, lr;
	s5 =	simm.s32 $0xFFFFFFFF;
	p2 =	slt.u32 s8, $0xFFFFF086  }
0x1c: {  	p1 =	slt.u32 s9, $0xF7A;
	s5 =	simm.s32 @!p2 $0x0  }
0x1d: {  	s5 =	simm.s32 @p1 $0x1;
	p0 =	seq.s32 s7, s2  }
0x1e: {  	s7 =	smul.u32 @!p0 $0xF7A, s2;
	p2 =	seq.s32 @!p0 s5, $0x0  }
0x1f: {  	s9 =	smul.u32 $0xF7A, s1;
	s8 =	simm.s32 @!p0 $0x1BF5;
	p2 =	por !p2, p0  }
0x20: {  	[sflag:s8] =	ssyncset.s32 @!p0 $0xFFFFF086;
	s6 =	sadd.s32 @!p0 s3, s7;
	s7 =	simm.s32 @!p0 $0x108  }
0x21: {  	s3 =	sadd.s32 s3, s9;
	s6 =	sadd.s32 @!p0 $0x88, s6;
	s7 =	simm.s32 @p2 $0x1082  }
0x22: {  	[simem:s7], [sflag:s8] =	dma.local @!p0 [hbm:s6], $0xF7A  }
0x23: {  	s9 =	sor.u32 $0xD0000000, s2;
	s6 =	simm.s32 $0x108;
	_ =	swait.ge @!p0 [sflag:s8], $0x0  }
0x24: {  	s3 =	sadd.s32 $0x88, s3;
	s6 =	simm.s32 @!p1 $0x1082;
	[sflag:s4] =	ssyncset.s32 $0xFFFFF086  }
0x25: {  	[simem:s6], [sflag:s4] =	dma.local [hbm:s3], $0xF7A  }
0x26: {  	[smem:$0x3F95] =	sst s1;
	(tag) =	ssettag s2;
	_ =	strace s9  }
0x27: {  	s1 =	sld [smem:$0x3FA5]  }
0x28: {  	s2 =	sld [smem:$0x3FA6]  }
0x29: {  	s4 =	sld [smem:$0x3FA8]  }
0x2a: {  	p0 =	seq.s32 s5, $0x0;
	s5 =	sld [smem:$0x3FA9]  }
0x2b: {  	s6 =	sld [smem:$0x3FAA]  }
0x2c: {  	s7 =	sld [smem:$0x3FAB]  }
0x2d: {  	s3 =	simm.s32 $0x108;
	s8 =	sld [smem:$0x3FAC]  }
0x2e: {  	s3 =	simm.s32 @!p0 $0x1082;
	s9 =	sld [smem:$0x3FAD]  }
0x2f: {  	lr =	sadd.s32 s0, s3;
	s0 =	sld [smem:$0x3FA4]  }
0x30: {  	s3 =	sld [smem:$0x3FA7]  }
0x31: {  	[smem:$0x3FB0] =	sst s10  }
0x32: {  	s10 =	sld [smem:$0x3FAE];
	_ =	sdelay $0x3  }
0x33: {  	p0 =	seq.s32 s10, $0x1;
	s10 =	sld [smem:$0x3FB0];
	_ =	sdelay $0x3  }
0x34: {  	[smem:$0x3FB0] =	sst s10  }
0x35: {  	s10 =	sld [smem:$0x3FAF];
	_ =	sdelay $0x3  }
0x36: {  	p1 =	seq.s32 s10, $0x1;
	s10 =	sld [smem:$0x3FB0];
	_ =	sdelay $0x3  }
0x37: {  	[smem:$0x3FB0] =	sst s10  }
0x38: {  	s10 =	sld [smem:$0x3FB1]  }
0x39: {  	_ = 	snop;
	(pc) =	sbr.ind lr, $3  }
0x3a: {  	_ = 	snop  }
0x3b: {  	_ = 	snop  }
0x3c: {  	p2 =	seq.s32 s10, $0x1;
	s10 =	sld [smem:$0x3FB0]  }
0x3d: {  	_ =	shalt  }
0x3e: {  	_ =	shalt  }
0x3f: {  	_ =	shalt  }
0x40: {  	_ =	shalt  }
0x41: {  	_ =	shalt  }
0x42: {  	_ =	shalt  }
0x43: {  	_ =	shalt  }
0x44: {  	_ =	shalt  }
0x45: {  	_ =	shalt  }
0x46: {  	_ =	shalt  }
0x47: {  	_ =	shalt  }
0x48: {  	_ =	shalt  }
0x49: {  	_ =	shalt  }
0x4a: {  	_ =	shalt  }
0x4b: {  	_ =	shalt  }
0x4c: {  	_ =	shalt  }
0x4d: {  	_ =	shalt  }
0x4e: {  	_ =	shalt  }
0x4f: {  	_ =	shalt  }
0x50: {  	_ =	shalt  }
0x51: {  	_ =	shalt  }
0x52: {  	_ =	shalt  }
0x53: {  	_ =	shalt  }
0x54: {  	_ =	shalt  }
0x55: {  	_ =	shalt  }
0x56: {  	_ =	shalt  }
0x57: {  	_ =	shalt  }
0x58: {  	_ =	shalt  }
0x59: {  	_ =	shalt  }
0x5a: {  	_ =	shalt  }
0x5b: {  	_ =	shalt  }
0x5c: {  	_ =	shalt  }
0x5d: {  	_ =	shalt  }
0x5e: {  	_ =	shalt  }
0x5f: {  	_ =	shalt  }
0x60: {  	_ =	shalt  }
0x61: {  	_ =	shalt  }
0x62: {  	_ =	shalt  }
0x63: {  	_ =	shalt  }
0x64: {  	_ =	shalt  }
0x65: {  	_ =	shalt  }
0x66: {  	_ =	shalt  }
0x67: {  	_ =	shalt  }
0x68: {  	_ =	shalt  }
0x69: {  	_ =	shalt  }
0x6a: {  	_ =	shalt  }
0x6b: {  	_ =	shalt  }
0x6c: {  	_ =	shalt  }
0x6d: {  	_ =	shalt  }
0x6e: {  	_ =	shalt  }
0x6f: {  	_ =	shalt  }
0x70: {  	_ =	shalt  }
0x71: {  	_ =	shalt  }
0x72: {  	_ =	shalt  }
0x73: {  	_ =	shalt  }
0x74: {  	_ =	shalt  }
0x75: {  	_ =	shalt  }
0x76: {  	_ =	shalt  }
0x77: {  	_ =	shalt  }
0x78: {  	_ =	shalt  }
0x79: {  	_ =	shalt  }
0x7a: {  	_ =	shalt  }
0x7b: {  	_ =	shalt  }
0x7c: {  	_ =	shalt  }
0x7d: {  	_ =	shalt  }
0x7e: {  	_ =	shalt  }
0x7f: {  	_ =	shalt  }
0x80: {  	_ =	shalt  }
0x81: {  	_ =	shalt  }
0x82: {  	_ =	shalt  }
0x83: {  	_ =	shalt  }
0x84: {  	_ =	shalt  }
0x85: {  	_ =	shalt  }
0x86: {  	_ =	shalt  }
0x87: {  	_ =	shalt  }
.Lfunc_end0:
.L_simem_size_0:
called_computation.5_lowered:
.L_overlay_start_0:
0x88: {  	s2 =	sld [smem:$0x3FD9]  }
0x89: {  	s3 =	sld [smem:$0x3FFE];
	_ =	sdelay $0x1  }
0x8a: {  	s1 =	srdreg.scid  }
0x8b: {  	s0 =	sand.u32 $0x1, s1  }
0x8c: {  	s16 =	sshll.u32 s0, $0xA;
	s2 =	sadd.s32 s3, s2  }
0x8d: {  	s2 =	sadd.s32 s2, s16  }
0x8e: {  	[smem:$0x3FBC] =	sst s2  }
0x8f: {  	_ = 	snop  }
0x90: {  	(tm) =	ssettm $0x1  }
0x91: {  	s17 =	sld [smem:$0x3FFB];
	_ =	sdelay $0x3  }
0x92: {  	_ =	strace s17  }
0x93: {  	s2 =	sld [smem:$0x3FFC];
	_ =	sdelay $0x3  }
0x94: {  	_ =	strace s2  }
0x95: {  	s2 =	sld [smem:$0x3FFD];
	_ =	sdelay $0x3  }
0x96: {  	_ =	strace s2  }
0x97: {  	_ =	strace $0x8FFFFFFF  }
0x98: {  	s18 =	sld [smem:$0x3FDB];
	_ =	sdelay $0x1  }
0x99: {  	s19 =	simm.s32 $_scs_section_size  }
0x9a: {  	s4 =	simm.s32 $_size__tile_overlayer_lowered;
	s5 =	simm.s32 $_tile_overlayer_lowered  }
0x9b: {  	s22 =	simm.s32 $0x1BFF;
	s21 =	sshll.u32 s5, $0x1;
	s2 =	sadd.s32 s19, s18  }
0x9c: {  	s6 =	simm.s32 $0x0;
	s20 =	sshll.u32 s4, $0x1;
	s4 =	sadd.s32 s21, s2  }
0x9d: {  	[timem:s6], [sflag:s22] =	dma.local [hbm:s4], s20  }
0x9e: {  	_ =	swait.ge [sflag:s22], s20  }
0x9f: {  	s3 =	ssub.s32 $0x0, s20;
	[sflag:s22] =	ssyncset.done $0x0  }
0xa0: {  	[sflag:s22] =	ssyncadd.s32 s3;
	_ =	sdelay $0x1  }
0xa1: {  	s23 =	simm.s32 $0x1B8B  }
0xa2: {  	_ =	swait.ge [sflag:s23], $0x1  }
0xa3: {  	[sflag:s23] =	ssyncset.done $0x0  }
0xa4: {  	s25 =	simm.s32 $0x1B8E;
	s24 =	sld [smem:$0x3FFE];
	[sflag:s23] =	ssyncadd.s32 $0xFFFFFFFF  }
0xa5: {  	s26 =	simm.s32 $execute0_lowered;
	[smem:$0x3FD2] =	sst s25  }
0xa6: {  	s4 =	sshll.u32 s26, $0x1;
	_ =	strace $0x80000055;
	[dreg:$0x1] =	wrdreg $0xFFFFFFFF  }
0xa7: {  	s28 =	simm.s32 $_size_execute0_lowered;
	s2 =	sadd.s32 s2, s4;
	[dreg:$0x0] =	wrdreg $0x0  }
0xa8: {  	s4 =	sshll.u32 s28, $0x1;
	[dreg:$0x2] =	wrdreg s2  }
0xa9: {  	[dreg:$0x3] =	wrdreg s4  }
0xaa: {  	[dreg:$0x4] =	wrdreg $0xC0  }
0xab: {  	_ =	task [dreg:s6], $0x5FFFF  }
0xac: {  	[dreg:$0x1] =	wrdreg $0xFFFFFFFF  }
0xad: {  	[dreg:$0x0] =	wrdreg $0x60  }
0xae: {  	[dreg:$0x2] =	wrdreg s24  }
0xaf: {  	[dreg:$0x3] =	wrdreg $0x41000  }
0xb0: {  	[dreg:$0x4] =	wrdreg $0x9  }
0xb1: {  	_ =	task.clear_ibuf [dreg:s6], $0x5FFFF;
	_ =	strace $0x90000055  }
0xb2: {  	s29 =	simm.s32 $0x9;
	_ =	strace $0x80000057  }
0xb3: {  	_ =	swait.ge [sflag:s29], $0x1  }
0xb4: {  	[sflag:s29] =	ssyncadd.s32 $0xFFFFFFFF  }
0xb5: {  	_ =	strace $0x90000057  }
0xb6: {  	_ =	sfence  }
0xb7: {  	s30 =	sld [smem:$0x0];
	_ =	sdelay $0x2  }
0xb8: {  	s31 =	sshll.u32 s1, $0xD;
	s1 =	sshrl.u32 s1, $0x2  }
0xb9: {  	s3 =	sand.u32 $0x4000, s31;
	s1 =	sadd.s32 s1, s30  }
0xba: {  	s0 =	sor.u32 s3, s0;
	s1 =	sshll.u32 s1, $0x11  }
0xbb: {  	s0 =	sor.u32 s1, s0  }
0xbc: {  	s0 =	sadd.s32 $0x8F2B, s0  }
0xbd: {  	[sflag:s0] =	ssyncadd.remote.s32 $0x1  }
0xbe: {  	_ =	sfence.sel $0xFFFF  }
0xbf: {  	[dreg:$0x0] =	wrdreg $0xFFFFFFFF;
	(pc) =	sbr.abs _section_cstart, $3  }
0xc0: {  	[dreg:$0x1] =	wrdreg $0xFFFFFFFF  }
0xc1: {  	_ =	task.clear_ibuf [dreg:s6], $0x2FFFF;
	_ =	strace $0x9FFFFFFF  }
0xc2: {  	(tm) =	ssettm $0x7FFFFFFF  }
0xc3: {  	_ =	shalt  }
tec
execute0_lowered:
.L_overlay_start_1:
0x0: {  	(tag) =	ssettag $0x1  }
0x1: {  	s7 =	rddreg [dreg:$0x0]  }
0x2: {  	s1 =	rddreg [dreg:$0x1];
	s2 =	srdreg.scid  }
0x3: {  	s0 =	rddreg [dreg:$0x2];
	s3 =	simm.s32 $0x0;
	s10 =	sand.u32 $0x1, s2  }
0x4: {  	s16 =	simm.s32 $0x0;
	s2 =	stileid.u32;
	s8 =	smul.u32 $0x140000, s10  }
0x5: {  	[smem:$0x7FF] =	sst s3;
	s4 =	sadd.s32 $0xF200, s7;
	s9 =	smul.u32 $0x14000, s2  }
0x6: {  	s5 =	sadd.s32 $0x5F200, s7;
	s6 =	sadd.s32 $0x2A00, s7;
	s28 =	smul.u32 $0x50000, s2  }
0x7: {  	s11 =	sadd.s32 $0xCA00, s7;
	_ =	strace $0x80000056;
	s30 =	smul.u32 $0x2800, s2  }
0x8: {  	s29 =	ssub.s32 $0x2, s10;
	s14 =	smul.u32 $0x28000, s10;
	p0 =	sne.s32 s10, $0x0  }
0x9: {  	s31 =	sshll.u32 s2, $0x6;
	s13 =	sshrl.u32 s29, $0x1;
	s8 =	sadd.s32 s9, s8  }
0xa: {  	s9 =	sshrl.u32 s28, $0x2;
	s13 =	ssub.s32 s29, s13;
	s8 =	sshrl.u32 s8, $0x3  }
0xb: {  	s15 =	sadd.s32 s9, s1;
	s10 =	smax.u32 s13, $0x1;
	s13 =	simm.s32 $0x1  }
0xc: {  	s12 =	sadd.s32 s8, s7;
	s7 =	sadd.s32 s4, s30;
	s8 =	sadd.s32 s30, s14  }
0xd: {  	s14 =	simm.s32 $0x80;
	s9 =	sadd.s32 $0x69200, s12;
	s7 =	smov.u32 @p0 s11  }
0xe: {  	s11 =	sor.u32 $0x1C01, s31;
	s12 =	sshrl.u32 s15, $0x3;
	s15 =	simm.s32 $0x100  }
.LBB2_1:
0xf: {  	[spmem:s12], [sflag:s11] =	dma.local [hbm:s7], $0x2800  }
0x10: {  	s17 =	sand.u32 $0x3C00, s3  }
0x11: {  	s18 =	sand.u32 $0x380, s3;
	_ =	swait.ge [sflag:s13], $0x2800;
	s17 =	sadd.s32 s17, s8  }
0x12: {  	[sflag:s13] =	ssyncset.done $0x0;
	s17 =	sor.u32 s18, s17  }
0x13: {  	[sflag:s13] =	ssyncadd.s32 $0xFFFFD800;
	s17 =	sshrl.u32 s17, $0x3  }
0x14: {  	[bflag:$0x0] =	sbarrier.arrive $0xFFFF;
	s29 =	sadd.s32 s5, s17  }
0x15: {  	[tilespmem:s3], [sflag:$0x1] =	stream.linear.gather [hbm4b:s29+s3], $0x80, $0x38;
	[tilespmem:$0x18100] =	vst v63  }
0x16: {  	_ =	swait.ge [sflag:s13], $0x80  }
0x17: {  	[sflag:s13] =	ssyncset.done $0x0  }
0x18: {  	s17 =	sadd.s32 s6, s17;
	[sflag:s13] =	ssyncadd.s32 $0xFFFFFF80  }
0x19: {  	[tilespmem:s14], [sflag:$0x1] =	stream.linear.gather [hbm4b:s17+s3], $0x80, $0x38;
	[tilespmem:$0x18100] =	vst v63  }
0x1a: {  	_ =	swait.ge [sflag:s13], $0x80  }
0x1b: {  	[sflag:s13] =	ssyncset.done $0x0  }
0x1c: {  	[sflag:s13] =	ssyncadd.s32 $0xFFFFFF80  }
0x1d: {  	[tilespmem:s15], [sflag:$0x1] =	stream.indirect.gather [hbm4b:s4+s14], $0x80, s3, s14, $0xb8;
	[tilespmem:$0x18100] =	vst v63  }
0x1e: {  	_ =	swait.ge [sflag:s13], $0x4000  }
0x1f: {  	s30 =	simm.s32 $0x80;
	[sflag:s13] =	ssyncset.done $0x0  }
0x20: {  	s31 =	sand.u32 $0x3C00, s30;
	[sflag:s13] =	ssyncadd.s32 $0xFFFFC000  }
0x21: {  	[spmem:s1] =	stream.indirect.scatter.add.f32 [tilespmem:s15], [sflag:$0x1], $0x80, s14, s14, $0xb8;
	[tilespmem:$0x18100] =	vst v63  }
0x22: {  	s19 =	sand.u32 $0x380, s30;
	s18 =	sadd.s32 s31, s8;
	_ =	swait.ge [sflag:s13], $0x4000  }
0x23: {  	s18 =	sor.u32 s19, s18;
	s17 =	simm.s32 $0x100;
	[sflag:s13] =	ssyncset.done $0x0  }
.LBB2_2:
0x24: {  	s18 =	sshrl.u32 s18, $0x3  }
0x25: {  	[sflag:s13] =	ssyncadd.s32 $0xFFFFC000;
	s19 =	smov.u32 s17;
	s20 =	sadd.s32 $0x80, s17  }
0x26: {  	p0 =	sne.s32 s17, $0x2700;
	s17 =	sadd.s32 s5, s18  }
0x27: {  	[tilespmem:s3], [sflag:$0x1] =	stream.linear.gather [hbm4b:s17+s3], $0x80, $0x38;
	[tilespmem:$0x18100] =	vst v63  }
0x28: {  	_ =	swait.ge [sflag:s13], $0x80  }
0x29: {  	[sflag:s13] =	ssyncset.done $0x0  }
0x2a: {  	s17 =	sadd.s32 s6, s18;
	[sflag:s13] =	ssyncadd.s32 $0xFFFFFF80  }
0x2b: {  	[tilespmem:s14], [sflag:$0x1] =	stream.linear.gather [hbm4b:s17+s3], $0x80, $0x38;
	[tilespmem:$0x18100] =	vst v63  }
0x2c: {  	_ =	swait.ge [sflag:s13], $0x80  }
0x2d: {  	[sflag:s13] =	ssyncset.done $0x0  }
0x2e: {  	[sflag:s13] =	ssyncadd.s32 $0xFFFFFF80  }
0x2f: {  	[tilespmem:s15], [sflag:$0x1] =	stream.indirect.gather [hbm4b:s4+s14], $0x80, s3, s14, $0xb8;
	[tilespmem:$0x18100] =	vst v63  }
0x30: {  	_ =	swait.ge [sflag:s13], $0x4000  }
.Ltmp0:
0x31: {  	[sflag:s13] =	ssyncset.done $0x0;
	(pc) =	sbr.rel @p0 .LBB2_2-.Ltmp0, $4  }
0x32: {  	s17 =	sand.u32 $0x3C00, s19;
	[sflag:s13] =	ssyncadd.s32 $0xFFFFC000  }
0x33: {  	[spmem:s1] =	stream.indirect.scatter.add.f32 [tilespmem:s15], [sflag:$0x1], $0x80, s14, s14, $0xb8;
	[tilespmem:$0x18100] =	vst v63  }
0x34: {  	s18 =	sand.u32 $0x380, s19;
	s17 =	sadd.s32 s17, s8;
	_ =	swait.ge [sflag:s13], $0x4000  }
0x35: {  	s18 =	sor.u32 s18, s17;
	s17 =	smov.u32 s20;
	[sflag:s13] =	ssyncset.done $0x0  }
0x36: {  	s17 =	sshrl.u32 s18, $0x3  }
0x37: {  	[sflag:s13] =	ssyncadd.s32 $0xFFFFC000;
	s18 =	sadd.s32 s5, s17  }
0x38: {  	[tilespmem:s3], [sflag:$0x1] =	stream.linear.gather [hbm4b:s18+s3], $0x80, $0x38;
	[tilespmem:$0x18100] =	vst v63  }
0x39: {  	_ =	swait.ge [sflag:s13], $0x80  }
0x3a: {  	[sflag:s13] =	ssyncset.done $0x0  }
0x3b: {  	s17 =	sadd.s32 s6, s17;
	[sflag:s13] =	ssyncadd.s32 $0xFFFFFF80  }
0x3c: {  	[tilespmem:s14], [sflag:$0x1] =	stream.linear.gather [hbm4b:s17+s3], $0x80, $0x38;
	[tilespmem:$0x18100] =	vst v63  }
0x3d: {  	_ =	swait.ge [sflag:s13], $0x80  }
0x3e: {  	[sflag:s13] =	ssyncset.done $0x0  }
0x3f: {  	[sflag:s13] =	ssyncadd.s32 $0xFFFFFF80  }
0x40: {  	[tilespmem:s15], [sflag:$0x1] =	stream.indirect.gather [hbm4b:s4+s14], $0x80, s3, s14, $0xb8;
	[tilespmem:$0x18100] =	vst v63  }
0x41: {  	_ =	swait.ge [sflag:s13], $0x4000  }
0x42: {  	[sflag:s13] =	ssyncset.done $0x0  }
0x43: {  	[sflag:s13] =	ssyncadd.s32 $0xFFFFC000  }
0x44: {  	[spmem:s1] =	stream.indirect.scatter.add.f32 [tilespmem:s15], [sflag:$0x1], $0x80, s14, s14, $0xb8;
	[tilespmem:$0x18100] =	vst v63  }
0x45: {  	_ =	swait.ge [sflag:s13], $0x4000  }
0x46: {  	s16 =	sadd.s32 $0x1, s16;
	[sflag:s13] =	ssyncset.done $0x0  }
0x47: {  	p0 =	sne.s32 s16, s10;
	[sflag:s13] =	ssyncadd.s32 $0xFFFFC000  }
.Ltmp1:
0x48: {  	[bflag:$0x0] =	sbarrier.arrive $0xFFFF;
	(pc) =	sbr.rel @p0 .LBB2_1-.Ltmp1, $4  }
0x49: {  	[hbm:s9], [sflag:s11] =	dma.local [spmem:s12], $0x2800  }
0x4a: {  	_ =	swait.ge [sflag:s13], $0x2800  }
0x4b: {  	[sflag:s13] =	ssyncset.done $0x0  }
0x4c: {  	[sflag:s13] =	ssyncadd.s32 $0xFFFFD800  }
0x4d: {  	_ =	sfence.sel $0x180000  }
0x4e: {  	[bflag:$0x0] =	sbarrier.arrive $0xFFFF  }
0x4f: {  	p0 =	sne.s32 s2, $0x0;
	_ =	strace $0x90000056  }
0x50: {  	s0 =	sadd.s32 @!p0 $0x100000, s0;
	[bflag:$0x2] =	sbarrier.arrive $0xFFFF  }
0x51: {  	[sflag:s0] =	ssyncadd.tile.s32 @!p0 $0x1;
	_ =	shalt  }
.Lfunc_end2:
_tile_overlayer_lowered:
.L_overlay_start_2:
0x52: {  	(tag) =	ssettag $0x2  }
0x53: {  	s0 =	rddreg [dreg:$0x0];
	s2 =	stileid.u32  }
0x54: {  	s1 =	rddreg [dreg:$0x1];
	p0 =	sne.s32 s2, $0x0  }
0x55: {  	s3 =	rddreg [dreg:$0x2];
	[bflag:$0x3] =	sbarrier.arrive $0xFFFF;
	s2 =	simm.s32 @!p0 $0x1C01  }
0x56: {  	[timem:s3], [sflag:s2] =	dma.local @!p0 [hbm:s0], s1  }
0x57: {  	s0 =	simm.s32 @!p0 $0x1  }
0x58: {  	_ =	swait.ge @!p0 [sflag:s0], s1  }
0x59: {  	s1 =	ssub.s32 @!p0 $0x0, s1;
	[sflag:s0] =	ssyncset.done @!p0 $0x0  }
0x5a: {  	[sflag:s0] =	ssyncadd.s32 @!p0 s1  }
0x5b: {  	[bflag:$0x3] =	sbarrier.arrive $0xFFFF  }
0x5c: {  	_ =	shalt  }

</sc_bundles>
